<compile_context>
chip_gen: v7x
topology: tpu7x:2x2x1
jax: 0.10.2.dev20260603
libtpu: 0.0.44.dev20260713+nightly
codegen_flags: <defaults>
</compile_context>

<pallas_src>
import functools

import jax
import jax.numpy as jnp
from jax import lax
from jax.experimental import pallas as pl
from jax.experimental.pallas import tpu as pltpu
from jax.experimental.pallas import tpu_sc as plsc

NUM_CORES = 2
NUM_SUBCORES = 16
NUM_WORKERS = NUM_CORES * NUM_SUBCORES
CHUNK = 800
NBUF = 4


def _gather_kernel(flat_n, d):
    per_w = flat_n // NUM_WORKERS
    n_chunks = per_w // CHUNK
    mesh = plsc.VectorSubcoreMesh(core_axis_name="c", subcore_axis_name="s")

    @functools.partial(
        pl.kernel,
        out_type=jax.ShapeDtypeStruct((flat_n, d), jnp.float32),
        mesh=mesh,
        scratch_types=[pltpu.VMEM((per_w,), jnp.int32)]
        + [pltpu.VMEM((CHUNK, d), jnp.float32) for _ in range(NBUF)]
        + [pltpu.SemaphoreType.DMA for _ in range(NBUF + 1)],
        compiler_params=pltpu.CompilerParams(use_tc_tiling_on_sc=False),
    )
    def k(idx_hbm, w_hbm, out_hbm, idx_v, *scratch):
        bufs = scratch[:NBUF]
        gsems = scratch[NBUF : 2 * NBUF]
        wsem = scratch[2 * NBUF]
        wid = lax.axis_index("s") * NUM_CORES + lax.axis_index("c")
        base_w = wid * per_w
        pltpu.sync_copy(idx_hbm.at[pl.ds(base_w, per_w)], idx_v)

        def fire_gather(g):
            b = g % NBUF
            return pltpu.async_copy(
                w_hbm.at[idx_v.at[pl.ds(g * CHUNK, CHUNK)]], bufs[b], gsems[b]
            )

        gathers = [fire_gather(g) for g in range(NBUF)]
        for g in range(n_chunks):
            b = g % NBUF
            gathers[b].wait()
            wb = pltpu.async_copy(
                bufs[b], out_hbm.at[pl.ds(base_w + g * CHUNK, CHUNK)], wsem
            )
            wb.wait()
            if g + NBUF < n_chunks:
                gathers[b] = fire_gather(g + NBUF)

    return k


def kernel(idx, W):
    B, L = idx.shape
    V, D = W.shape
    flat = idx.reshape(-1).astype(jnp.int32)
    out = _gather_kernel(B * L, D)(flat, W)
    return out.reshape(B, L, D)

# --- scband reference (transcript-rebuilt; emitter-appended) ---
"""Pipeline reference for scband-fixed-embedding-46377056862843 (READ-ONLY COPY).

The authoritative reference and input builder live on the scoring server;
editing this copy changes nothing except your own understanding.
"""

import jax, jax.numpy as jnp
import numpy as np

VOCAB = 1000000
N_EMBD = 32
B = 16384
L = 50


def _build_weight(key):
    W = jax.random.normal(key, (VOCAB, N_EMBD), dtype=jnp.float32)
    W = W - W.mean(axis=1, keepdims=True)
    W = W / (jnp.linalg.norm(W, axis=1, keepdims=True) + 1e-08)
    return W


def setup_inputs(seed: int = 0) -> dict:
    key = jax.random.key(seed)
    k_idx, k_w = jax.random.split(key)
    idx = jax.random.randint(k_idx, (B, L), 0, VOCAB, dtype=jnp.int64 if jax.config.jax_enable_x64 else jnp.int32)
    W = _build_weight(k_w)
    return {"idx": idx, "W": W}


def reference(idx, W):
    # FixedEmbedding.forward: self.weight[idx]
    return jnp.take(W, idx, axis=0)

if __name__ == "__main__":
    import jax
    _d = setup_inputs()
    print(jax.jit(kernel)(*tuple(_d.values())))

</pallas_src>

<mosaic_0001>
#map = affine_map<(d0, d1) -> (0)>
#map1 = affine_map<(d0, d1) -> (0, 0)>
module attributes {stable_mosaic.version = 14 : i64} {
  func.func @k(%arg0: i32, %arg1: i32, %arg2: memref<819200xi32, #tpu.memory_space<hbm>>, %arg3: memref<1000000x32xf32, #tpu.memory_space<hbm>>, %arg4: memref<819200x32xf32, #tpu.memory_space<hbm>>, %arg5: memref<25600xi32, #tpu.memory_space<vmem>>, %arg6: memref<800x32xf32, #tpu.memory_space<vmem>>, %arg7: memref<800x32xf32, #tpu.memory_space<vmem>>, %arg8: memref<800x32xf32, #tpu.memory_space<vmem>>, %arg9: memref<800x32xf32, #tpu.memory_space<vmem>>, %arg10: memref<!tpu.dma_semaphore, #tpu.memory_space<semaphore_mem>>, %arg11: memref<!tpu.dma_semaphore, #tpu.memory_space<semaphore_mem>>, %arg12: memref<!tpu.dma_semaphore, #tpu.memory_space<semaphore_mem>>, %arg13: memref<!tpu.dma_semaphore, #tpu.memory_space<semaphore_mem>>, %arg14: memref<!tpu.dma_semaphore, #tpu.memory_space<semaphore_mem>>) attributes {dimension_semantics = [#tpu.dimension_semantics<core_parallel>, #tpu.dimension_semantics<subcore_parallel>], iteration_bounds = array<i64: 2, 16>, scalar_prefetch = 0 : i64, scratch_operands = 10 : i64, tpu.core_type = #tpu.core_type<sc_vector_subcore>, window_params = [{transform_indices = #map}, {transform_indices = #map1}, {transform_indices = #map1}]} {
    %mul3A = arith.constant 2 : i32
    %mul3A_0 = arith.muli %arg1, %mul3A : i32
    %add3A = arith.addi %mul3A_0, %arg0 : i32
    %mul3A_1 = arith.constant 25600 : i32
    %mul3A_2 = arith.muli %add3A, %mul3A_1 : i32
    "tpu.region"() ({
      %run_scoped3A = tpu.sem_alloc : memref<!tpu.dma_semaphore, #tpu.memory_space<semaphore_mem>>
      %dma_start3A_641 = tpu.memref_slice %arg2[%mul3A_2] : memref<819200xi32, #tpu.memory_space<hbm>> -> memref<25600xi32, #tpu.memory_space<hbm>>
      %dma_start3A_642 = tpu.memref_slice %arg2[%mul3A_2] : memref<819200xi32, #tpu.memory_space<hbm>> -> memref<25600xi32, #tpu.memory_space<hbm>>
      tpu.enqueue_dma source(%dma_start3A_642 : memref<25600xi32, #tpu.memory_space<hbm>>) target(%arg5 : memref<25600xi32, #tpu.memory_space<vmem>>) target_semaphore(%run_scoped3A : memref<!tpu.dma_semaphore, #tpu.memory_space<semaphore_mem>>)
      %dma_wait3A_643 = tpu.memref_slice %arg2[%mul3A_2] : memref<819200xi32, #tpu.memory_space<hbm>> -> memref<25600xi32, #tpu.memory_space<hbm>>
      %dma_wait3A_644 = tpu.memref_slice %arg2[%mul3A_2] : memref<819200xi32, #tpu.memory_space<hbm>> -> memref<25600xi32, #tpu.memory_space<hbm>>
      tpu.wait_dma2 semaphore(%run_scoped3A : memref<!tpu.dma_semaphore, #tpu.memory_space<semaphore_mem>>) src(%dma_wait3A_644 : memref<25600xi32, #tpu.memory_space<hbm>>) dst(%arg5 : memref<25600xi32, #tpu.memory_space<vmem>>)
      tpu.yield
    }) : () -> ()
    %dma_start3A = arith.constant 0 : i32
    %dma_start3A_3 = tpu.memref_slice %arg5[%dma_start3A] : memref<25600xi32, #tpu.memory_space<vmem>> -> memref<800xi32, #tpu.memory_space<vmem>>
    %dma_start3A_4 = arith.constant 0 : i32
    %dma_start3A_5 = arith.constant 0 : i32
    %dma_start3A_6 = tpu.memref_slice %arg3[%dma_start3A_4, %dma_start3A_5] : memref<1000000x32xf32, #tpu.memory_space<hbm>> -> memref<1000000x32xf32, #tpu.memory_space<hbm>>
    tpu.enqueue_indirect_dma source(%dma_start3A_6 : memref<1000000x32xf32, #tpu.memory_space<hbm>>) target(%arg6 : memref<800x32xf32, #tpu.memory_space<vmem>>) offsets(%dma_start3A_3 : memref<800xi32, #tpu.memory_space<vmem>>) semaphore(%arg10 : memref<!tpu.dma_semaphore, #tpu.memory_space<semaphore_mem>>)
    %dma_start3A_7 = arith.constant 800 : i32
    %dma_start3A_8 = tpu.memref_slice %arg5[%dma_start3A_7] : memref<25600xi32, #tpu.memory_space<vmem>> -> memref<800xi32, #tpu.memory_space<vmem>>
    %dma_start3A_9 = arith.constant 0 : i32
    %dma_start3A_10 = arith.constant 0 : i32
    %dma_start3A_11 = tpu.memref_slice %arg3[%dma_start3A_9, %dma_start3A_10] : memref<1000000x32xf32, #tpu.memory_space<hbm>> -> memref<1000000x32xf32, #tpu.memory_space<hbm>>
    tpu.enqueue_indirect_dma source(%dma_start3A_11 : memref<1000000x32xf32, #tpu.memory_space<hbm>>) target(%arg7 : memref<800x32xf32, #tpu.memory_space<vmem>>) offsets(%dma_start3A_8 : memref<800xi32, #tpu.memory_space<vmem>>) semaphore(%arg11 : memref<!tpu.dma_semaphore, #tpu.memory_space<semaphore_mem>>)
    %dma_start3A_12 = arith.constant 1600 : i32
    %dma_start3A_13 = tpu.memref_slice %arg5[%dma_start3A_12] : memref<25600xi32, #tpu.memory_space<vmem>> -> memref<800xi32, #tpu.memory_space<vmem>>
    %dma_start3A_14 = arith.constant 0 : i32
    %dma_start3A_15 = arith.constant 0 : i32
    %dma_start3A_16 = tpu.memref_slice %arg3[%dma_start3A_14, %dma_start3A_15] : memref<1000000x32xf32, #tpu.memory_space<hbm>> -> memref<1000000x32xf32, #tpu.memory_space<hbm>>
    tpu.enqueue_indirect_dma source(%dma_start3A_16 : memref<1000000x32xf32, #tpu.memory_space<hbm>>) target(%arg8 : memref<800x32xf32, #tpu.memory_space<vmem>>) offsets(%dma_start3A_13 : memref<800xi32, #tpu.memory_space<vmem>>) semaphore(%arg12 : memref<!tpu.dma_semaphore, #tpu.memory_space<semaphore_mem>>)
    %dma_start3A_17 = arith.constant 2400 : i32
    %dma_start3A_18 = tpu.memref_slice %arg5[%dma_start3A_17] : memref<25600xi32, #tpu.memory_space<vmem>> -> memref<800xi32, #tpu.memory_space<vmem>>
    %dma_start3A_19 = arith.constant 0 : i32
    %dma_start3A_20 = arith.constant 0 : i32
    %dma_start3A_21 = tpu.memref_slice %arg3[%dma_start3A_19, %dma_start3A_20] : memref<1000000x32xf32, #tpu.memory_space<hbm>> -> memref<1000000x32xf32, #tpu.memory_space<hbm>>
    tpu.enqueue_indirect_dma source(%dma_start3A_21 : memref<1000000x32xf32, #tpu.memory_space<hbm>>) target(%arg9 : memref<800x32xf32, #tpu.memory_space<vmem>>) offsets(%dma_start3A_18 : memref<800xi32, #tpu.memory_space<vmem>>) semaphore(%arg13 : memref<!tpu.dma_semaphore, #tpu.memory_space<semaphore_mem>>)
    %dma_wait3A = arith.constant 0 : i32
    %dma_wait3A_22 = tpu.memref_slice %arg5[%dma_wait3A] : memref<25600xi32, #tpu.memory_space<vmem>> -> memref<800xi32, #tpu.memory_space<vmem>>
    %dma_wait3A_23 = arith.constant 0 : i32
    %dma_wait3A_24 = arith.constant 0 : i32
    %dma_wait3A_25 = tpu.memref_slice %arg3[%dma_wait3A_23, %dma_wait3A_24] : memref<1000000x32xf32, #tpu.memory_space<hbm>> -> memref<1000000x32xf32, #tpu.memory_space<hbm>>
    tpu.wait_indirect_dma semaphore(%arg10 : memref<!tpu.dma_semaphore, #tpu.memory_space<semaphore_mem>>) src(%dma_wait3A_25 : memref<1000000x32xf32, #tpu.memory_space<hbm>>) dst(%arg6 : memref<800x32xf32, #tpu.memory_space<vmem>>)
    %add3A_26 = arith.constant 0 : i32
    %add3A_27 = arith.addi %mul3A_2, %add3A_26 : i32
    %dma_start3A_28 = arith.constant 0 : i32
    %dma_start3A_29 = tpu.memref_slice %arg4[%add3A_27, %dma_start3A_28] : memref<819200x32xf32, #tpu.memory_space<hbm>> -> memref<800x32xf32, #tpu.memory_space<hbm>>
    %dma_start3A_30 = arith.constant 0 : i32
    %dma_start3A_31 = tpu.memref_slice %arg4[%add3A_27, %dma_start3A_30] : memref<819200x32xf32, #tpu.memory_space<hbm>> -> memref<800x32xf32, #tpu.memory_space<hbm>>
    tpu.enqueue_dma source(%arg6 : memref<800x32xf32, #tpu.memory_space<vmem>>) target(%dma_start3A_31 : memref<800x32xf32, #tpu.memory_space<hbm>>) target_semaphore(%arg14 : memref<!tpu.dma_semaphore, #tpu.memory_space<semaphore_mem>>)
    %dma_wait3A_32 = arith.constant 0 : i32
    %dma_wait3A_33 = tpu.memref_slice %arg4[%add3A_27, %dma_wait3A_32] : memref<819200x32xf32, #tpu.memory_space<hbm>> -> memref<800x32xf32, #tpu.memory_space<hbm>>
    %dma_wait3A_34 = arith.constant 0 : i32
    %dma_wait3A_35 = tpu.memref_slice %arg4[%add3A_27, %dma_wait3A_34] : memref<819200x32xf32, #tpu.memory_space<hbm>> -> memref<800x32xf32, #tpu.memory_space<hbm>>
    tpu.wait_dma2 semaphore(%arg14 : memref<!tpu.dma_semaphore, #tpu.memory_space<semaphore_mem>>) src(%arg6 : memref<800x32xf32, #tpu.memory_space<vmem>>) dst(%dma_wait3A_35 : memref<800x32xf32, #tpu.memory_space<hbm>>)
    %dma_start3A_36 = arith.constant 3200 : i32
    %dma_start3A_37 = tpu.memref_slice %arg5[%dma_start3A_36] : memref<25600xi32, #tpu.memory_space<vmem>> -> memref<800xi32, #tpu.memory_space<vmem>>
    %dma_start3A_38 = arith.constant 0 : i32
    %dma_start3A_39 = arith.constant 0 : i32
    %dma_start3A_40 = tpu.memref_slice %arg3[%dma_start3A_38, %dma_start3A_39] : memref<1000000x32xf32, #tpu.memory_space<hbm>> -> memref<1000000x32xf32, #tpu.memory_space<hbm>>
    tpu.enqueue_indirect_dma source(%dma_start3A_40 : memref<1000000x32xf32, #tpu.memory_space<hbm>>) target(%arg6 : memref<800x32xf32, #tpu.memory_space<vmem>>) offsets(%dma_start3A_37 : memref<800xi32, #tpu.memory_space<vmem>>) semaphore(%arg10 : memref<!tpu.dma_semaphore, #tpu.memory_space<semaphore_mem>>)
    %dma_wait3A_41 = arith.constant 800 : i32
    %dma_wait3A_42 = tpu.memref_slice %arg5[%dma_wait3A_41] : memref<25600xi32, #tpu.memory_space<vmem>> -> memref<800xi32, #tpu.memory_space<vmem>>
    %dma_wait3A_43 = arith.constant 0 : i32
    %dma_wait3A_44 = arith.constant 0 : i32
    %dma_wait3A_45 = tpu.memref_slice %arg3[%dma_wait3A_43, %dma_wait3A_44] : memref<1000000x32xf32, #tpu.memory_space<hbm>> -> memref<1000000x32xf32, #tpu.memory_space<hbm>>
    tpu.wait_indirect_dma semaphore(%arg11 : memref<!tpu.dma_semaphore, #tpu.memory_space<semaphore_mem>>) src(%dma_wait3A_45 : memref<1000000x32xf32, #tpu.memory_space<hbm>>) dst(%arg7 : memref<800x32xf32, #tpu.memory_space<vmem>>)
    %add3A_46 = arith.constant 800 : i32
    %add3A_47 = arith.addi %mul3A_2, %add3A_46 : i32
    %dma_start3A_48 = arith.constant 0 : i32
    %dma_start3A_49 = tpu.memref_slice %arg4[%add3A_47, %dma_start3A_48] : memref<819200x32xf32, #tpu.memory_space<hbm>> -> memref<800x32xf32, #tpu.memory_space<hbm>>
    %dma_start3A_50 = arith.constant 0 : i32
    %dma_start3A_51 = tpu.memref_slice %arg4[%add3A_47, %dma_start3A_50] : memref<819200x32xf32, #tpu.memory_space<hbm>> -> memref<800x32xf32, #tpu.memory_space<hbm>>
    tpu.enqueue_dma source(%arg7 : memref<800x32xf32, #tpu.memory_space<vmem>>) target(%dma_start3A_51 : memref<800x32xf32, #tpu.memory_space<hbm>>) target_semaphore(%arg14 : memref<!tpu.dma_semaphore, #tpu.memory_space<semaphore_mem>>)
    %dma_wait3A_52 = arith.constant 0 : i32
    %dma_wait3A_53 = tpu.memref_slice %arg4[%add3A_47, %dma_wait3A_52] : memref<819200x32xf32, #tpu.memory_space<hbm>> -> memref<800x32xf32, #tpu.memory_space<hbm>>
    %dma_wait3A_54 = arith.constant 0 : i32
    %dma_wait3A_55 = tpu.memref_slice %arg4[%add3A_47, %dma_wait3A_54] : memref<819200x32xf32, #tpu.memory_space<hbm>> -> memref<800x32xf32, #tpu.memory_space<hbm>>
    tpu.wait_dma2 semaphore(%arg14 : memref<!tpu.dma_semaphore, #tpu.memory_space<semaphore_mem>>) src(%arg7 : memref<800x32xf32, #tpu.memory_space<vmem>>) dst(%dma_wait3A_55 : memref<800x32xf32, #tpu.memory_space<hbm>>)
    %dma_start3A_56 = arith.constant 4000 : i32
    %dma_start3A_57 = tpu.memref_slice %arg5[%dma_start3A_56] : memref<25600xi32, #tpu.memory_space<vmem>> -> memref<800xi32, #tpu.memory_space<vmem>>
    %dma_start3A_58 = arith.constant 0 : i32
    %dma_start3A_59 = arith.constant 0 : i32
    %dma_start3A_60 = tpu.memref_slice %arg3[%dma_start3A_58, %dma_start3A_59] : memref<1000000x32xf32, #tpu.memory_space<hbm>> -> memref<1000000x32xf32, #tpu.memory_space<hbm>>
    tpu.enqueue_indirect_dma source(%dma_start3A_60 : memref<1000000x32xf32, #tpu.memory_space<hbm>>) target(%arg7 : memref<800x32xf32, #tpu.memory_space<vmem>>) offsets(%dma_start3A_57 : memref<800xi32, #tpu.memory_space<vmem>>) semaphore(%arg11 : memref<!tpu.dma_semaphore, #tpu.memory_space<semaphore_mem>>)
    %dma_wait3A_61 = arith.constant 1600 : i32
    %dma_wait3A_62 = tpu.memref_slice %arg5[%dma_wait3A_61] : memref<25600xi32, #tpu.memory_space<vmem>> -> memref<800xi32, #tpu.memory_space<vmem>>
    %dma_wait3A_63 = arith.constant 0 : i32
    %dma_wait3A_64 = arith.constant 0 : i32
    %dma_wait3A_65 = tpu.memref_slice %arg3[%dma_wait3A_63, %dma_wait3A_64] : memref<1000000x32xf32, #tpu.memory_space<hbm>> -> memref<1000000x32xf32, #tpu.memory_space<hbm>>
    tpu.wait_indirect_dma semaphore(%arg12 : memref<!tpu.dma_semaphore, #tpu.memory_space<semaphore_mem>>) src(%dma_wait3A_65 : memref<1000000x32xf32, #tpu.memory_space<hbm>>) dst(%arg8 : memref<800x32xf32, #tpu.memory_space<vmem>>)
    %add3A_66 = arith.constant 1600 : i32
    %add3A_67 = arith.addi %mul3A_2, %add3A_66 : i32
    %dma_start3A_68 = arith.constant 0 : i32
    %dma_start3A_69 = tpu.memref_slice %arg4[%add3A_67, %dma_start3A_68] : memref<819200x32xf32, #tpu.memory_space<hbm>> -> memref<800x32xf32, #tpu.memory_space<hbm>>
    %dma_start3A_70 = arith.constant 0 : i32
    %dma_start3A_71 = tpu.memref_slice %arg4[%add3A_67, %dma_start3A_70] : memref<819200x32xf32, #tpu.memory_space<hbm>> -> memref<800x32xf32, #tpu.memory_space<hbm>>
    tpu.enqueue_dma source(%arg8 : memref<800x32xf32, #tpu.memory_space<vmem>>) target(%dma_start3A_71 : memref<800x32xf32, #tpu.memory_space<hbm>>) target_semaphore(%arg14 : memref<!tpu.dma_semaphore, #tpu.memory_space<semaphore_mem>>)
    %dma_wait3A_72 = arith.constant 0 : i32
    %dma_wait3A_73 = tpu.memref_slice %arg4[%add3A_67, %dma_wait3A_72] : memref<819200x32xf32, #tpu.memory_space<hbm>> -> memref<800x32xf32, #tpu.memory_space<hbm>>
    %dma_wait3A_74 = arith.constant 0 : i32
    %dma_wait3A_75 = tpu.memref_slice %arg4[%add3A_67, %dma_wait3A_74] : memref<819200x32xf32, #tpu.memory_space<hbm>> -> memref<800x32xf32, #tpu.memory_space<hbm>>
    tpu.wait_dma2 semaphore(%arg14 : memref<!tpu.dma_semaphore, #tpu.memory_space<semaphore_mem>>) src(%arg8 : memref<800x32xf32, #tpu.memory_space<vmem>>) dst(%dma_wait3A_75 : memref<800x32xf32, #tpu.memory_space<hbm>>)
    %dma_start3A_76 = arith.constant 4800 : i32
    %dma_start3A_77 = tpu.memref_slice %arg5[%dma_start3A_76] : memref<25600xi32, #tpu.memory_space<vmem>> -> memref<800xi32, #tpu.memory_space<vmem>>
    %dma_start3A_78 = arith.constant 0 : i32
    %dma_start3A_79 = arith.constant 0 : i32
    %dma_start3A_80 = tpu.memref_slice %arg3[%dma_start3A_78, %dma_start3A_79] : memref<1000000x32xf32, #tpu.memory_space<hbm>> -> memref<1000000x32xf32, #tpu.memory_space<hbm>>
    tpu.enqueue_indirect_dma source(%dma_start3A_80 : memref<1000000x32xf32, #tpu.memory_space<hbm>>) target(%arg8 : memref<800x32xf32, #tpu.memory_space<vmem>>) offsets(%dma_start3A_77 : memref<800xi32, #tpu.memory_space<vmem>>) semaphore(%arg12 : memref<!tpu.dma_semaphore, #tpu.memory_space<semaphore_mem>>)
    %dma_wait3A_81 = arith.constant 2400 : i32
    %dma_wait3A_82 = tpu.memref_slice %arg5[%dma_wait3A_81] : memref<25600xi32, #tpu.memory_space<vmem>> -> memref<800xi32, #tpu.memory_space<vmem>>
    %dma_wait3A_83 = arith.constant 0 : i32
    %dma_wait3A_84 = arith.constant 0 : i32
    %dma_wait3A_85 = tpu.memref_slice %arg3[%dma_wait3A_83, %dma_wait3A_84] : memref<1000000x32xf32, #tpu.memory_space<hbm>> -> memref<1000000x32xf32, #tpu.memory_space<hbm>>
    tpu.wait_indirect_dma semaphore(%arg13 : memref<!tpu.dma_semaphore, #tpu.memory_space<semaphore_mem>>) src(%dma_wait3A_85 : memref<1000000x32xf32, #tpu.memory_space<hbm>>) dst(%arg9 : memref<800x32xf32, #tpu.memory_space<vmem>>)
    %add3A_86 = arith.constant 2400 : i32
    %add3A_87 = arith.addi %mul3A_2, %add3A_86 : i32
    %dma_start3A_88 = arith.constant 0 : i32
    %dma_start3A_89 = tpu.memref_slice %arg4[%add3A_87, %dma_start3A_88] : memref<819200x32xf32, #tpu.memory_space<hbm>> -> memref<800x32xf32, #tpu.memory_space<hbm>>
    %dma_start3A_90 = arith.constant 0 : i32
    %dma_start3A_91 = tpu.memref_slice %arg4[%add3A_87, %dma_start3A_90] : memref<819200x32xf32, #tpu.memory_space<hbm>> -> memref<800x32xf32, #tpu.memory_space<hbm>>
    tpu.enqueue_dma source(%arg9 : memref<800x32xf32, #tpu.memory_space<vmem>>) target(%dma_start3A_91 : memref<800x32xf32, #tpu.memory_space<hbm>>) target_semaphore(%arg14 : memref<!tpu.dma_semaphore, #tpu.memory_space<semaphore_mem>>)
    %dma_wait3A_92 = arith.constant 0 : i32
    %dma_wait3A_93 = tpu.memref_slice %arg4[%add3A_87, %dma_wait3A_92] : memref<819200x32xf32, #tpu.memory_space<hbm>> -> memref<800x32xf32, #tpu.memory_space<hbm>>
    %dma_wait3A_94 = arith.constant 0 : i32
    %dma_wait3A_95 = tpu.memref_slice %arg4[%add3A_87, %dma_wait3A_94] : memref<819200x32xf32, #tpu.memory_space<hbm>> -> memref<800x32xf32, #tpu.memory_space<hbm>>
    tpu.wait_dma2 semaphore(%arg14 : memref<!tpu.dma_semaphore, #tpu.memory_space<semaphore_mem>>) src(%arg9 : memref<800x32xf32, #tpu.memory_space<vmem>>) dst(%dma_wait3A_95 : memref<800x32xf32, #tpu.memory_space<hbm>>)
    %dma_start3A_96 = arith.constant 5600 : i32
    %dma_start3A_97 = tpu.memref_slice %arg5[%dma_start3A_96] : memref<25600xi32, #tpu.memory_space<vmem>> -> memref<800xi32, #tpu.memory_space<vmem>>
    %dma_start3A_98 = arith.constant 0 : i32
    %dma_start3A_99 = arith.constant 0 : i32
    %dma_start3A_100 = tpu.memref_slice %arg3[%dma_start3A_98, %dma_start3A_99] : memref<1000000x32xf32, #tpu.memory_space<hbm>> -> memref<1000000x32xf32, #tpu.memory_space<hbm>>
    tpu.enqueue_indirect_dma source(%dma_start3A_100 : memref<1000000x32xf32, #tpu.memory_space<hbm>>) target(%arg9 : memref<800x32xf32, #tpu.memory_space<vmem>>) offsets(%dma_start3A_97 : memref<800xi32, #tpu.memory_space<vmem>>) semaphore(%arg13 : memref<!tpu.dma_semaphore, #tpu.memory_space<semaphore_mem>>)
    %dma_wait3A_101 = arith.constant 3200 : i32
    %dma_wait3A_102 = tpu.memref_slice %arg5[%dma_wait3A_101] : memref<25600xi32, #tpu.memory_space<vmem>> -> memref<800xi32, #tpu.memory_space<vmem>>
    %dma_wait3A_103 = arith.constant 0 : i32
    %dma_wait3A_104 = arith.constant 0 : i32
    %dma_wait3A_105 = tpu.memref_slice %arg3[%dma_wait3A_103, %dma_wait3A_104] : memref<1000000x32xf32, #tpu.memory_space<hbm>> -> memref<1000000x32xf32, #tpu.memory_space<hbm>>
    tpu.wait_indirect_dma semaphore(%arg10 : memref<!tpu.dma_semaphore, #tpu.memory_space<semaphore_mem>>) src(%dma_wait3A_105 : memref<1000000x32xf32, #tpu.memory_space<hbm>>) dst(%arg6 : memref<800x32xf32, #tpu.memory_space<vmem>>)
    %add3A_106 = arith.constant 3200 : i32
    %add3A_107 = arith.addi %mul3A_2, %add3A_106 : i32
    %dma_start3A_108 = arith.constant 0 : i32
    %dma_start3A_109 = tpu.memref_slice %arg4[%add3A_107, %dma_start3A_108] : memref<819200x32xf32, #tpu.memory_space<hbm>> -> memref<800x32xf32, #tpu.memory_space<hbm>>
    %dma_start3A_110 = arith.constant 0 : i32
    %dma_start3A_111 = tpu.memref_slice %arg4[%add3A_107, %dma_start3A_110] : memref<819200x32xf32, #tpu.memory_space<hbm>> -> memref<800x32xf32, #tpu.memory_space<hbm>>
    tpu.enqueue_dma source(%arg6 : memref<800x32xf32, #tpu.memory_space<vmem>>) target(%dma_start3A_111 : memref<800x32xf32, #tpu.memory_space<hbm>>) target_semaphore(%arg14 : memref<!tpu.dma_semaphore, #tpu.memory_space<semaphore_mem>>)
    %dma_wait3A_112 = arith.constant 0 : i32
    %dma_wait3A_113 = tpu.memref_slice %arg4[%add3A_107, %dma_wait3A_112] : memref<819200x32xf32, #tpu.memory_space<hbm>> -> memref<800x32xf32, #tpu.memory_space<hbm>>
    %dma_wait3A_114 = arith.constant 0 : i32
    %dma_wait3A_115 = tpu.memref_slice %arg4[%add3A_107, %dma_wait3A_114] : memref<819200x32xf32, #tpu.memory_space<hbm>> -> memref<800x32xf32, #tpu.memory_space<hbm>>
    tpu.wait_dma2 semaphore(%arg14 : memref<!tpu.dma_semaphore, #tpu.memory_space<semaphore_mem>>) src(%arg6 : memref<800x32xf32, #tpu.memory_space<vmem>>) dst(%dma_wait3A_115 : memref<800x32xf32, #tpu.memory_space<hbm>>)
    %dma_start3A_116 = arith.constant 6400 : i32
    %dma_start3A_117 = tpu.memref_slice %arg5[%dma_start3A_116] : memref<25600xi32, #tpu.memory_space<vmem>> -> memref<800xi32, #tpu.memory_space<vmem>>
    %dma_start3A_118 = arith.constant 0 : i32
    %dma_start3A_119 = arith.constant 0 : i32
    %dma_start3A_120 = tpu.memref_slice %arg3[%dma_start3A_118, %dma_start3A_119] : memref<1000000x32xf32, #tpu.memory_space<hbm>> -> memref<1000000x32xf32, #tpu.memory_space<hbm>>
    tpu.enqueue_indirect_dma source(%dma_start3A_120 : memref<1000000x32xf32, #tpu.memory_space<hbm>>) target(%arg6 : memref<800x32xf32, #tpu.memory_space<vmem>>) offsets(%dma_start3A_117 : memref<800xi32, #tpu.memory_space<vmem>>) semaphore(%arg10 : memref<!tpu.dma_semaphore, #tpu.memory_space<semaphore_mem>>)
    %dma_wait3A_121 = arith.constant 4000 : i32
    %dma_wait3A_122 = tpu.memref_slice %arg5[%dma_wait3A_121] : memref<25600xi32, #tpu.memory_space<vmem>> -> memref<800xi32, #tpu.memory_space<vmem>>
    %dma_wait3A_123 = arith.constant 0 : i32
    %dma_wait3A_124 = arith.constant 0 : i32
    %dma_wait3A_125 = tpu.memref_slice %arg3[%dma_wait3A_123, %dma_wait3A_124] : memref<1000000x32xf32, #tpu.memory_space<hbm>> -> memref<1000000x32xf32, #tpu.memory_space<hbm>>
    tpu.wait_indirect_dma semaphore(%arg11 : memref<!tpu.dma_semaphore, #tpu.memory_space<semaphore_mem>>) src(%dma_wait3A_125 : memref<1000000x32xf32, #tpu.memory_space<hbm>>) dst(%arg7 : memref<800x32xf32, #tpu.memory_space<vmem>>)
    %add3A_126 = arith.constant 4000 : i32
    %add3A_127 = arith.addi %mul3A_2, %add3A_126 : i32
    %dma_start3A_128 = arith.constant 0 : i32
    %dma_start3A_129 = tpu.memref_slice %arg4[%add3A_127, %dma_start3A_128] : memref<819200x32xf32, #tpu.memory_space<hbm>> -> memref<800x32xf32, #tpu.memory_space<hbm>>
    %dma_start3A_130 = arith.constant 0 : i32
    %dma_start3A_131 = tpu.memref_slice %arg4[%add3A_127, %dma_start3A_130] : memref<819200x32xf32, #tpu.memory_space<hbm>> -> memref<800x32xf32, #tpu.memory_space<hbm>>
    tpu.enqueue_dma source(%arg7 : memref<800x32xf32, #tpu.memory_space<vmem>>) target(%dma_start3A_131 : memref<800x32xf32, #tpu.memory_space<hbm>>) target_semaphore(%arg14 : memref<!tpu.dma_semaphore, #tpu.memory_space<semaphore_mem>>)
    %dma_wait3A_132 = arith.constant 0 : i32
    %dma_wait3A_133 = tpu.memref_slice %arg4[%add3A_127, %dma_wait3A_132] : memref<819200x32xf32, #tpu.memory_space<hbm>> -> memref<800x32xf32, #tpu.memory_space<hbm>>
    %dma_wait3A_134 = arith.constant 0 : i32
    %dma_wait3A_135 = tpu.memref_slice %arg4[%add3A_127, %dma_wait3A_134] : memref<819200x32xf32, #tpu.memory_space<hbm>> -> memref<800x32xf32, #tpu.memory_space<hbm>>
    tpu.wait_dma2 semaphore(%arg14 : memref<!tpu.dma_semaphore, #tpu.memory_space<semaphore_mem>>) src(%arg7 : memref<800x32xf32, #tpu.memory_space<vmem>>) dst(%dma_wait3A_135 : memref<800x32xf32, #tpu.memory_space<hbm>>)
    %dma_start3A_136 = arith.constant 7200 : i32
    %dma_start3A_137 = tpu.memref_slice %arg5[%dma_start3A_136] : memref<25600xi32, #tpu.memory_space<vmem>> -> memref<800xi32, #tpu.memory_space<vmem>>
    %dma_start3A_138 = arith.constant 0 : i32
    %dma_start3A_139 = arith.constant 0 : i32
    %dma_start3A_140 = tpu.memref_slice %arg3[%dma_start3A_138, %dma_start3A_139] : memref<1000000x32xf32, #tpu.memory_space<hbm>> -> memref<1000000x32xf32, #tpu.memory_space<hbm>>
    tpu.enqueue_indirect_dma source(%dma_start3A_140 : memref<1000000x32xf32, #tpu.memory_space<hbm>>) target(%arg7 : memref<800x32xf32, #tpu.memory_space<vmem>>) offsets(%dma_start3A_137 : memref<800xi32, #tpu.memory_space<vmem>>) semaphore(%arg11 : memref<!tpu.dma_semaphore, #tpu.memory_space<semaphore_mem>>)
    %dma_wait3A_141 = arith.constant 4800 : i32
    %dma_wait3A_142 = tpu.memref_slice %arg5[%dma_wait3A_141] : memref<25600xi32, #tpu.memory_space<vmem>> -> memref<800xi32, #tpu.memory_space<vmem>>
    %dma_wait3A_143 = arith.constant 0 : i32
    %dma_wait3A_144 = arith.constant 0 : i32
    %dma_wait3A_145 = tpu.memref_slice %arg3[%dma_wait3A_143, %dma_wait3A_144] : memref<1000000x32xf32, #tpu.memory_space<hbm>> -> memref<1000000x32xf32, #tpu.memory_space<hbm>>
    tpu.wait_indirect_dma semaphore(%arg12 : memref<!tpu.dma_semaphore, #tpu.memory_space<semaphore_mem>>) src(%dma_wait3A_145 : memref<1000000x32xf32, #tpu.memory_space<hbm>>) dst(%arg8 : memref<800x32xf32, #tpu.memory_space<vmem>>)
    %add3A_146 = arith.constant 4800 : i32
    %add3A_147 = arith.addi %mul3A_2, %add3A_146 : i32
    %dma_start3A_148 = arith.constant 0 : i32
    %dma_start3A_149 = tpu.memref_slice %arg4[%add3A_147, %dma_start3A_148] : memref<819200x32xf32, #tpu.memory_space<hbm>> -> memref<800x32xf32, #tpu.memory_space<hbm>>
    %dma_start3A_150 = arith.constant 0 : i32
    %dma_start3A_151 = tpu.memref_slice %arg4[%add3A_147, %dma_start3A_150] : memref<819200x32xf32, #tpu.memory_space<hbm>> -> memref<800x32xf32, #tpu.memory_space<hbm>>
    tpu.enqueue_dma source(%arg8 : memref<800x32xf32, #tpu.memory_space<vmem>>) target(%dma_start3A_151 : memref<800x32xf32, #tpu.memory_space<hbm>>) target_semaphore(%arg14 : memref<!tpu.dma_semaphore, #tpu.memory_space<semaphore_mem>>)
    %dma_wait3A_152 = arith.constant 0 : i32
    %dma_wait3A_153 = tpu.memref_slice %arg4[%add3A_147, %dma_wait3A_152] : memref<819200x32xf32, #tpu.memory_space<hbm>> -> memref<800x32xf32, #tpu.memory_space<hbm>>
    %dma_wait3A_154 = arith.constant 0 : i32
    %dma_wait3A_155 = tpu.memref_slice %arg4[%add3A_147, %dma_wait3A_154] : memref<819200x32xf32, #tpu.memory_space<hbm>> -> memref<800x32xf32, #tpu.memory_space<hbm>>
    tpu.wait_dma2 semaphore(%arg14 : memref<!tpu.dma_semaphore, #tpu.memory_space<semaphore_mem>>) src(%arg8 : memref<800x32xf32, #tpu.memory_space<vmem>>) dst(%dma_wait3A_155 : memref<800x32xf32, #tpu.memory_space<hbm>>)
    %dma_start3A_156 = arith.constant 8000 : i32
    %dma_start3A_157 = tpu.memref_slice %arg5[%dma_start3A_156] : memref<25600xi32, #tpu.memory_space<vmem>> -> memref<800xi32, #tpu.memory_space<vmem>>
    %dma_start3A_158 = arith.constant 0 : i32
    %dma_start3A_159 = arith.constant 0 : i32
    %dma_start3A_160 = tpu.memref_slice %arg3[%dma_start3A_158, %dma_start3A_159] : memref<1000000x32xf32, #tpu.memory_space<hbm>> -> memref<1000000x32xf32, #tpu.memory_space<hbm>>
    tpu.enqueue_indirect_dma source(%dma_start3A_160 : memref<1000000x32xf32, #tpu.memory_space<hbm>>) target(%arg8 : memref<800x32xf32, #tpu.memory_space<vmem>>) offsets(%dma_start3A_157 : memref<800xi32, #tpu.memory_space<vmem>>) semaphore(%arg12 : memref<!tpu.dma_semaphore, #tpu.memory_space<semaphore_mem>>)
    %dma_wait3A_161 = arith.constant 5600 : i32
    %dma_wait3A_162 = tpu.memref_slice %arg5[%dma_wait3A_161] : memref<25600xi32, #tpu.memory_space<vmem>> -> memref<800xi32, #tpu.memory_space<vmem>>
    %dma_wait3A_163 = arith.constant 0 : i32
    %dma_wait3A_164 = arith.constant 0 : i32
    %dma_wait3A_165 = tpu.memref_slice %arg3[%dma_wait3A_163, %dma_wait3A_164] : memref<1000000x32xf32, #tpu.memory_space<hbm>> -> memref<1000000x32xf32, #tpu.memory_space<hbm>>
    tpu.wait_indirect_dma semaphore(%arg13 : memref<!tpu.dma_semaphore, #tpu.memory_space<semaphore_mem>>) src(%dma_wait3A_165 : memref<1000000x32xf32, #tpu.memory_space<hbm>>) dst(%arg9 : memref<800x32xf32, #tpu.memory_space<vmem>>)
    %add3A_166 = arith.constant 5600 : i32
    %add3A_167 = arith.addi %mul3A_2, %add3A_166 : i32
    %dma_start3A_168 = arith.constant 0 : i32
    %dma_start3A_169 = tpu.memref_slice %arg4[%add3A_167, %dma_start3A_168] : memref<819200x32xf32, #tpu.memory_space<hbm>> -> memref<800x32xf32, #tpu.memory_space<hbm>>
    %dma_start3A_170 = arith.constant 0 : i32
    %dma_start3A_171 = tpu.memref_slice %arg4[%add3A_167, %dma_start3A_170] : memref<819200x32xf32, #tpu.memory_space<hbm>> -> memref<800x32xf32, #tpu.memory_space<hbm>>
    tpu.enqueue_dma source(%arg9 : memref<800x32xf32, #tpu.memory_space<vmem>>) target(%dma_start3A_171 : memref<800x32xf32, #tpu.memory_space<hbm>>) target_semaphore(%arg14 : memref<!tpu.dma_semaphore, #tpu.memory_space<semaphore_mem>>)
    %dma_wait3A_172 = arith.constant 0 : i32
    %dma_wait3A_173 = tpu.memref_slice %arg4[%add3A_167, %dma_wait3A_172] : memref<819200x32xf32, #tpu.memory_space<hbm>> -> memref<800x32xf32, #tpu.memory_space<hbm>>
    %dma_wait3A_174 = arith.constant 0 : i32
    %dma_wait3A_175 = tpu.memref_slice %arg4[%add3A_167, %dma_wait3A_174] : memref<819200x32xf32, #tpu.memory_space<hbm>> -> memref<800x32xf32, #tpu.memory_space<hbm>>
    tpu.wait_dma2 semaphore(%arg14 : memref<!tpu.dma_semaphore, #tpu.memory_space<semaphore_mem>>) src(%arg9 : memref<800x32xf32, #tpu.memory_space<vmem>>) dst(%dma_wait3A_175 : memref<800x32xf32, #tpu.memory_space<hbm>>)
    %dma_start3A_176 = arith.constant 8800 : i32
    %dma_start3A_177 = tpu.memref_slice %arg5[%dma_start3A_176] : memref<25600xi32, #tpu.memory_space<vmem>> -> memref<800xi32, #tpu.memory_space<vmem>>
    %dma_start3A_178 = arith.constant 0 : i32
    %dma_start3A_179 = arith.constant 0 : i32
    %dma_start3A_180 = tpu.memref_slice %arg3[%dma_start3A_178, %dma_start3A_179] : memref<1000000x32xf32, #tpu.memory_space<hbm>> -> memref<1000000x32xf32, #tpu.memory_space<hbm>>
    tpu.enqueue_indirect_dma source(%dma_start3A_180 : memref<1000000x32xf32, #tpu.memory_space<hbm>>) target(%arg9 : memref<800x32xf32, #tpu.memory_space<vmem>>) offsets(%dma_start3A_177 : memref<800xi32, #tpu.memory_space<vmem>>) semaphore(%arg13 : memref<!tpu.dma_semaphore, #tpu.memory_space<semaphore_mem>>)
    %dma_wait3A_181 = arith.constant 6400 : i32
    %dma_wait3A_182 = tpu.memref_slice %arg5[%dma_wait3A_181] : memref<25600xi32, #tpu.memory_space<vmem>> -> memref<800xi32, #tpu.memory_space<vmem>>
    %dma_wait3A_183 = arith.constant 0 : i32
    %dma_wait3A_184 = arith.constant 0 : i32
    %dma_wait3A_185 = tpu.memref_slice %arg3[%dma_wait3A_183, %dma_wait3A_184] : memref<1000000x32xf32, #tpu.memory_space<hbm>> -> memref<1000000x32xf32, #tpu.memory_space<hbm>>
    tpu.wait_indirect_dma semaphore(%arg10 : memref<!tpu.dma_semaphore, #tpu.memory_space<semaphore_mem>>) src(%dma_wait3A_185 : memref<1000000x32xf32, #tpu.memory_space<hbm>>) dst(%arg6 : memref<800x32xf32, #tpu.memory_space<vmem>>)
    %add3A_186 = arith.constant 6400 : i32
    %add3A_187 = arith.addi %mul3A_2, %add3A_186 : i32
    %dma_start3A_188 = arith.constant 0 : i32
    %dma_start3A_189 = tpu.memref_slice %arg4[%add3A_187, %dma_start3A_188] : memref<819200x32xf32, #tpu.memory_space<hbm>> -> memref<800x32xf32, #tpu.memory_space<hbm>>
    %dma_start3A_190 = arith.constant 0 : i32
    %dma_start3A_191 = tpu.memref_slice %arg4[%add3A_187, %dma_start3A_190] : memref<819200x32xf32, #tpu.memory_space<hbm>> -> memref<800x32xf32, #tpu.memory_space<hbm>>
    tpu.enqueue_dma source(%arg6 : memref<800x32xf32, #tpu.memory_space<vmem>>) target(%dma_start3A_191 : memref<800x32xf32, #tpu.memory_space<hbm>>) target_semaphore(%arg14 : memref<!tpu.dma_semaphore, #tpu.memory_space<semaphore_mem>>)
    %dma_wait3A_192 = arith.constant 0 : i32
    %dma_wait3A_193 = tpu.memref_slice %arg4[%add3A_187, %dma_wait3A_192] : memref<819200x32xf32, #tpu.memory_space<hbm>> -> memref<800x32xf32, #tpu.memory_space<hbm>>
    %dma_wait3A_194 = arith.constant 0 : i32
    %dma_wait3A_195 = tpu.memref_slice %arg4[%add3A_187, %dma_wait3A_194] : memref<819200x32xf32, #tpu.memory_space<hbm>> -> memref<800x32xf32, #tpu.memory_space<hbm>>
    tpu.wait_dma2 semaphore(%arg14 : memref<!tpu.dma_semaphore, #tpu.memory_space<semaphore_mem>>) src(%arg6 : memref<800x32xf32, #tpu.memory_space<vmem>>) dst(%dma_wait3A_195 : memref<800x32xf32, #tpu.memory_space<hbm>>)
    %dma_start3A_196 = arith.constant 9600 : i32
    %dma_start3A_197 = tpu.memref_slice %arg5[%dma_start3A_196] : memref<25600xi32, #tpu.memory_space<vmem>> -> memref<800xi32, #tpu.memory_space<vmem>>
    %dma_start3A_198 = arith.constant 0 : i32
    %dma_start3A_199 = arith.constant 0 : i32
    %dma_start3A_200 = tpu.memref_slice %arg3[%dma_start3A_198, %dma_start3A_199] : memref<1000000x32xf32, #tpu.memory_space<hbm>> -> memref<1000000x32xf32, #tpu.memory_space<hbm>>
    tpu.enqueue_indirect_dma source(%dma_start3A_200 : memref<1000000x32xf32, #tpu.memory_space<hbm>>) target(%arg6 : memref<800x32xf32, #tpu.memory_space<vmem>>) offsets(%dma_start3A_197 : memref<800xi32, #tpu.memory_space<vmem>>) semaphore(%arg10 : memref<!tpu.dma_semaphore, #tpu.memory_space<semaphore_mem>>)
    %dma_wait3A_201 = arith.constant 7200 : i32
    %dma_wait3A_202 = tpu.memref_slice %arg5[%dma_wait3A_201] : memref<25600xi32, #tpu.memory_space<vmem>> -> memref<800xi32, #tpu.memory_space<vmem>>
    %dma_wait3A_203 = arith.constant 0 : i32
    %dma_wait3A_204 = arith.constant 0 : i32
    %dma_wait3A_205 = tpu.memref_slice %arg3[%dma_wait3A_203, %dma_wait3A_204] : memref<1000000x32xf32, #tpu.memory_space<hbm>> -> memref<1000000x32xf32, #tpu.memory_space<hbm>>
    tpu.wait_indirect_dma semaphore(%arg11 : memref<!tpu.dma_semaphore, #tpu.memory_space<semaphore_mem>>) src(%dma_wait3A_205 : memref<1000000x32xf32, #tpu.memory_space<hbm>>) dst(%arg7 : memref<800x32xf32, #tpu.memory_space<vmem>>)
    %add3A_206 = arith.constant 7200 : i32
    %add3A_207 = arith.addi %mul3A_2, %add3A_206 : i32
    %dma_start3A_208 = arith.constant 0 : i32
    %dma_start3A_209 = tpu.memref_slice %arg4[%add3A_207, %dma_start3A_208] : memref<819200x32xf32, #tpu.memory_space<hbm>> -> memref<800x32xf32, #tpu.memory_space<hbm>>
    %dma_start3A_210 = arith.constant 0 : i32
    %dma_start3A_211 = tpu.memref_slice %arg4[%add3A_207, %dma_start3A_210] : memref<819200x32xf32, #tpu.memory_space<hbm>> -> memref<800x32xf32, #tpu.memory_space<hbm>>
    tpu.enqueue_dma source(%arg7 : memref<800x32xf32, #tpu.memory_space<vmem>>) target(%dma_start3A_211 : memref<800x32xf32, #tpu.memory_space<hbm>>) target_semaphore(%arg14 : memref<!tpu.dma_semaphore, #tpu.memory_space<semaphore_mem>>)
    %dma_wait3A_212 = arith.constant 0 : i32
    %dma_wait3A_213 = tpu.memref_slice %arg4[%add3A_207, %dma_wait3A_212] : memref<819200x32xf32, #tpu.memory_space<hbm>> -> memref<800x32xf32, #tpu.memory_space<hbm>>
    %dma_wait3A_214 = arith.constant 0 : i32
    %dma_wait3A_215 = tpu.memref_slice %arg4[%add3A_207, %dma_wait3A_214] : memref<819200x32xf32, #tpu.memory_space<hbm>> -> memref<800x32xf32, #tpu.memory_space<hbm>>
    tpu.wait_dma2 semaphore(%arg14 : memref<!tpu.dma_semaphore, #tpu.memory_space<semaphore_mem>>) src(%arg7 : memref<800x32xf32, #tpu.memory_space<vmem>>) dst(%dma_wait3A_215 : memref<800x32xf32, #tpu.memory_space<hbm>>)
    %dma_start3A_216 = arith.constant 10400 : i32
    %dma_start3A_217 = tpu.memref_slice %arg5[%dma_start3A_216] : memref<25600xi32, #tpu.memory_space<vmem>> -> memref<800xi32, #tpu.memory_space<vmem>>
    %dma_start3A_218 = arith.constant 0 : i32
    %dma_start3A_219 = arith.constant 0 : i32
    %dma_start3A_220 = tpu.memref_slice %arg3[%dma_start3A_218, %dma_start3A_219] : memref<1000000x32xf32, #tpu.memory_space<hbm>> -> memref<1000000x32xf32, #tpu.memory_space<hbm>>
    tpu.enqueue_indirect_dma source(%dma_start3A_220 : memref<1000000x32xf32, #tpu.memory_space<hbm>>) target(%arg7 : memref<800x32xf32, #tpu.memory_space<vmem>>) offsets(%dma_start3A_217 : memref<800xi32, #tpu.memory_space<vmem>>) semaphore(%arg11 : memref<!tpu.dma_semaphore, #tpu.memory_space<semaphore_mem>>)
    %dma_wait3A_221 = arith.constant 8000 : i32
    %dma_wait3A_222 = tpu.memref_slice %arg5[%dma_wait3A_221] : memref<25600xi32, #tpu.memory_space<vmem>> -> memref<800xi32, #tpu.memory_space<vmem>>
    %dma_wait3A_223 = arith.constant 0 : i32
    %dma_wait3A_224 = arith.constant 0 : i32
    %dma_wait3A_225 = tpu.memref_slice %arg3[%dma_wait3A_223, %dma_wait3A_224] : memref<1000000x32xf32, #tpu.memory_space<hbm>> -> memref<1000000x32xf32, #tpu.memory_space<hbm>>
    tpu.wait_indirect_dma semaphore(%arg12 : memref<!tpu.dma_semaphore, #tpu.memory_space<semaphore_mem>>) src(%dma_wait3A_225 : memref<1000000x32xf32, #tpu.memory_space<hbm>>) dst(%arg8 : memref<800x32xf32, #tpu.memory_space<vmem>>)
    %add3A_226 = arith.constant 8000 : i32
    %add3A_227 = arith.addi %mul3A_2, %add3A_226 : i32
    %dma_start3A_228 = arith.constant 0 : i32
    %dma_start3A_229 = tpu.memref_slice %arg4[%add3A_227, %dma_start3A_228] : memref<819200x32xf32, #tpu.memory_space<hbm>> -> memref<800x32xf32, #tpu.memory_space<hbm>>
    %dma_start3A_230 = arith.constant 0 : i32
    %dma_start3A_231 = tpu.memref_slice %arg4[%add3A_227, %dma_start3A_230] : memref<819200x32xf32, #tpu.memory_space<hbm>> -> memref<800x32xf32, #tpu.memory_space<hbm>>
    tpu.enqueue_dma source(%arg8 : memref<800x32xf32, #tpu.memory_space<vmem>>) target(%dma_start3A_231 : memref<800x32xf32, #tpu.memory_space<hbm>>) target_semaphore(%arg14 : memref<!tpu.dma_semaphore, #tpu.memory_space<semaphore_mem>>)
    %dma_wait3A_232 = arith.constant 0 : i32
    %dma_wait3A_233 = tpu.memref_slice %arg4[%add3A_227, %dma_wait3A_232] : memref<819200x32xf32, #tpu.memory_space<hbm>> -> memref<800x32xf32, #tpu.memory_space<hbm>>
    %dma_wait3A_234 = arith.constant 0 : i32
    %dma_wait3A_235 = tpu.memref_slice %arg4[%add3A_227, %dma_wait3A_234] : memref<819200x32xf32, #tpu.memory_space<hbm>> -> memref<800x32xf32, #tpu.memory_space<hbm>>
    tpu.wait_dma2 semaphore(%arg14 : memref<!tpu.dma_semaphore, #tpu.memory_space<semaphore_mem>>) src(%arg8 : memref<800x32xf32, #tpu.memory_space<vmem>>) dst(%dma_wait3A_235 : memref<800x32xf32, #tpu.memory_space<hbm>>)
    %dma_start3A_236 = arith.constant 11200 : i32
    %dma_start3A_237 = tpu.memref_slice %arg5[%dma_start3A_236] : memref<25600xi32, #tpu.memory_space<vmem>> -> memref<800xi32, #tpu.memory_space<vmem>>
    %dma_start3A_238 = arith.constant 0 : i32
    %dma_start3A_239 = arith.constant 0 : i32
    %dma_start3A_240 = tpu.memref_slice %arg3[%dma_start3A_238, %dma_start3A_239] : memref<1000000x32xf32, #tpu.memory_space<hbm>> -> memref<1000000x32xf32, #tpu.memory_space<hbm>>
    tpu.enqueue_indirect_dma source(%dma_start3A_240 : memref<1000000x32xf32, #tpu.memory_space<hbm>>) target(%arg8 : memref<800x32xf32, #tpu.memory_space<vmem>>) offsets(%dma_start3A_237 : memref<800xi32, #tpu.memory_space<vmem>>) semaphore(%arg12 : memref<!tpu.dma_semaphore, #tpu.memory_space<semaphore_mem>>)
    %dma_wait3A_241 = arith.constant 8800 : i32
    %dma_wait3A_242 = tpu.memref_slice %arg5[%dma_wait3A_241] : memref<25600xi32, #tpu.memory_space<vmem>> -> memref<800xi32, #tpu.memory_space<vmem>>
    %dma_wait3A_243 = arith.constant 0 : i32
    %dma_wait3A_244 = arith.constant 0 : i32
    %dma_wait3A_245 = tpu.memref_slice %arg3[%dma_wait3A_243, %dma_wait3A_244] : memref<1000000x32xf32, #tpu.memory_space<hbm>> -> memref<1000000x32xf32, #tpu.memory_space<hbm>>
    tpu.wait_indirect_dma semaphore(%arg13 : memref<!tpu.dma_semaphore, #tpu.memory_space<semaphore_mem>>) src(%dma_wait3A_245 : memref<1000000x32xf32, #tpu.memory_space<hbm>>) dst(%arg9 : memref<800x32xf32, #tpu.memory_space<vmem>>)
    %add3A_246 = arith.constant 8800 : i32
    %add3A_247 = arith.addi %mul3A_2, %add3A_246 : i32
    %dma_start3A_248 = arith.constant 0 : i32
    %dma_start3A_249 = tpu.memref_slice %arg4[%add3A_247, %dma_start3A_248] : memref<819200x32xf32, #tpu.memory_space<hbm>> -> memref<800x32xf32, #tpu.memory_space<hbm>>
    %dma_start3A_250 = arith.constant 0 : i32
    %dma_start3A_251 = tpu.memref_slice %arg4[%add3A_247, %dma_start3A_250] : memref<819200x32xf32, #tpu.memory_space<hbm>> -> memref<800x32xf32, #tpu.memory_space<hbm>>
    tpu.enqueue_dma source(%arg9 : memref<800x32xf32, #tpu.memory_space<vmem>>) target(%dma_start3A_251 : memref<800x32xf32, #tpu.memory_space<hbm>>) target_semaphore(%arg14 : memref<!tpu.dma_semaphore, #tpu.memory_space<semaphore_mem>>)
    %dma_wait3A_252 = arith.constant 0 : i32
    %dma_wait3A_253 = tpu.memref_slice %arg4[%add3A_247, %dma_wait3A_252] : memref<819200x32xf32, #tpu.memory_space<hbm>> -> memref<800x32xf32, #tpu.memory_space<hbm>>
    %dma_wait3A_254 = arith.constant 0 : i32
    %dma_wait3A_255 = tpu.memref_slice %arg4[%add3A_247, %dma_wait3A_254] : memref<819200x32xf32, #tpu.memory_space<hbm>> -> memref<800x32xf32, #tpu.memory_space<hbm>>
    tpu.wait_dma2 semaphore(%arg14 : memref<!tpu.dma_semaphore, #tpu.memory_space<semaphore_mem>>) src(%arg9 : memref<800x32xf32, #tpu.memory_space<vmem>>) dst(%dma_wait3A_255 : memref<800x32xf32, #tpu.memory_space<hbm>>)
    %dma_start3A_256 = arith.constant 12000 : i32
    %dma_start3A_257 = tpu.memref_slice %arg5[%dma_start3A_256] : memref<25600xi32, #tpu.memory_space<vmem>> -> memref<800xi32, #tpu.memory_space<vmem>>
    %dma_start3A_258 = arith.constant 0 : i32
    %dma_start3A_259 = arith.constant 0 : i32
    %dma_start3A_260 = tpu.memref_slice %arg3[%dma_start3A_258, %dma_start3A_259] : memref<1000000x32xf32, #tpu.memory_space<hbm>> -> memref<1000000x32xf32, #tpu.memory_space<hbm>>
    tpu.enqueue_indirect_dma source(%dma_start3A_260 : memref<1000000x32xf32, #tpu.memory_space<hbm>>) target(%arg9 : memref<800x32xf32, #tpu.memory_space<vmem>>) offsets(%dma_start3A_257 : memref<800xi32, #tpu.memory_space<vmem>>) semaphore(%arg13 : memref<!tpu.dma_semaphore, #tpu.memory_space<semaphore_mem>>)
    %dma_wait3A_261 = arith.constant 9600 : i32
    %dma_wait3A_262 = tpu.memref_slice %arg5[%dma_wait3A_261] : memref<25600xi32, #tpu.memory_space<vmem>> -> memref<800xi32, #tpu.memory_space<vmem>>
    %dma_wait3A_263 = arith.constant 0 : i32
    %dma_wait3A_264 = arith.constant 0 : i32
    %dma_wait3A_265 = tpu.memref_slice %arg3[%dma_wait3A_263, %dma_wait3A_264] : memref<1000000x32xf32, #tpu.memory_space<hbm>> -> memref<1000000x32xf32, #tpu.memory_space<hbm>>
    tpu.wait_indirect_dma semaphore(%arg10 : memref<!tpu.dma_semaphore, #tpu.memory_space<semaphore_mem>>) src(%dma_wait3A_265 : memref<1000000x32xf32, #tpu.memory_space<hbm>>) dst(%arg6 : memref<800x32xf32, #tpu.memory_space<vmem>>)
    %add3A_266 = arith.constant 9600 : i32
    %add3A_267 = arith.addi %mul3A_2, %add3A_266 : i32
    %dma_start3A_268 = arith.constant 0 : i32
    %dma_start3A_269 = tpu.memref_slice %arg4[%add3A_267, %dma_start3A_268] : memref<819200x32xf32, #tpu.memory_space<hbm>> -> memref<800x32xf32, #tpu.memory_space<hbm>>
    %dma_start3A_270 = arith.constant 0 : i32
    %dma_start3A_271 = tpu.memref_slice %arg4[%add3A_267, %dma_start3A_270] : memref<819200x32xf32, #tpu.memory_space<hbm>> -> memref<800x32xf32, #tpu.memory_space<hbm>>
    tpu.enqueue_dma source(%arg6 : memref<800x32xf32, #tpu.memory_space<vmem>>) target(%dma_start3A_271 : memref<800x32xf32, #tpu.memory_space<hbm>>) target_semaphore(%arg14 : memref<!tpu.dma_semaphore, #tpu.memory_space<semaphore_mem>>)
    %dma_wait3A_272 = arith.constant 0 : i32
    %dma_wait3A_273 = tpu.memref_slice %arg4[%add3A_267, %dma_wait3A_272] : memref<819200x32xf32, #tpu.memory_space<hbm>> -> memref<800x32xf32, #tpu.memory_space<hbm>>
    %dma_wait3A_274 = arith.constant 0 : i32
    %dma_wait3A_275 = tpu.memref_slice %arg4[%add3A_267, %dma_wait3A_274] : memref<819200x32xf32, #tpu.memory_space<hbm>> -> memref<800x32xf32, #tpu.memory_space<hbm>>
    tpu.wait_dma2 semaphore(%arg14 : memref<!tpu.dma_semaphore, #tpu.memory_space<semaphore_mem>>) src(%arg6 : memref<800x32xf32, #tpu.memory_space<vmem>>) dst(%dma_wait3A_275 : memref<800x32xf32, #tpu.memory_space<hbm>>)
    %dma_start3A_276 = arith.constant 12800 : i32
    %dma_start3A_277 = tpu.memref_slice %arg5[%dma_start3A_276] : memref<25600xi32, #tpu.memory_space<vmem>> -> memref<800xi32, #tpu.memory_space<vmem>>
    %dma_start3A_278 = arith.constant 0 : i32
    %dma_start3A_279 = arith.constant 0 : i32
    %dma_start3A_280 = tpu.memref_slice %arg3[%dma_start3A_278, %dma_start3A_279] : memref<1000000x32xf32, #tpu.memory_space<hbm>> -> memref<1000000x32xf32, #tpu.memory_space<hbm>>
    tpu.enqueue_indirect_dma source(%dma_start3A_280 : memref<1000000x32xf32, #tpu.memory_space<hbm>>) target(%arg6 : memref<800x32xf32, #tpu.memory_space<vmem>>) offsets(%dma_start3A_277 : memref<800xi32, #tpu.memory_space<vmem>>) semaphore(%arg10 : memref<!tpu.dma_semaphore, #tpu.memory_space<semaphore_mem>>)
    %dma_wait3A_281 = arith.constant 10400 : i32
    %dma_wait3A_282 = tpu.memref_slice %arg5[%dma_wait3A_281] : memref<25600xi32, #tpu.memory_space<vmem>> -> memref<800xi32, #tpu.memory_space<vmem>>
    %dma_wait3A_283 = arith.constant 0 : i32
    %dma_wait3A_284 = arith.constant 0 : i32
    %dma_wait3A_285 = tpu.memref_slice %arg3[%dma_wait3A_283, %dma_wait3A_284] : memref<1000000x32xf32, #tpu.memory_space<hbm>> -> memref<1000000x32xf32, #tpu.memory_space<hbm>>
    tpu.wait_indirect_dma semaphore(%arg11 : memref<!tpu.dma_semaphore, #tpu.memory_space<semaphore_mem>>) src(%dma_wait3A_285 : memref<1000000x32xf32, #tpu.memory_space<hbm>>) dst(%arg7 : memref<800x32xf32, #tpu.memory_space<vmem>>)
    %add3A_286 = arith.constant 10400 : i32
    %add3A_287 = arith.addi %mul3A_2, %add3A_286 : i32
    %dma_start3A_288 = arith.constant 0 : i32
    %dma_start3A_289 = tpu.memref_slice %arg4[%add3A_287, %dma_start3A_288] : memref<819200x32xf32, #tpu.memory_space<hbm>> -> memref<800x32xf32, #tpu.memory_space<hbm>>
    %dma_start3A_290 = arith.constant 0 : i32
    %dma_start3A_291 = tpu.memref_slice %arg4[%add3A_287, %dma_start3A_290] : memref<819200x32xf32, #tpu.memory_space<hbm>> -> memref<800x32xf32, #tpu.memory_space<hbm>>
    tpu.enqueue_dma source(%arg7 : memref<800x32xf32, #tpu.memory_space<vmem>>) target(%dma_start3A_291 : memref<800x32xf32, #tpu.memory_space<hbm>>) target_semaphore(%arg14 : memref<!tpu.dma_semaphore, #tpu.memory_space<semaphore_mem>>)
    %dma_wait3A_292 = arith.constant 0 : i32
    %dma_wait3A_293 = tpu.memref_slice %arg4[%add3A_287, %dma_wait3A_292] : memref<819200x32xf32, #tpu.memory_space<hbm>> -> memref<800x32xf32, #tpu.memory_space<hbm>>
    %dma_wait3A_294 = arith.constant 0 : i32
    %dma_wait3A_295 = tpu.memref_slice %arg4[%add3A_287, %dma_wait3A_294] : memref<819200x32xf32, #tpu.memory_space<hbm>> -> memref<800x32xf32, #tpu.memory_space<hbm>>
    tpu.wait_dma2 semaphore(%arg14 : memref<!tpu.dma_semaphore, #tpu.memory_space<semaphore_mem>>) src(%arg7 : memref<800x32xf32, #tpu.memory_space<vmem>>) dst(%dma_wait3A_295 : memref<800x32xf32, #tpu.memory_space<hbm>>)
    %dma_start3A_296 = arith.constant 13600 : i32
    %dma_start3A_297 = tpu.memref_slice %arg5[%dma_start3A_296] : memref<25600xi32, #tpu.memory_space<vmem>> -> memref<800xi32, #tpu.memory_space<vmem>>
    %dma_start3A_298 = arith.constant 0 : i32
    %dma_start3A_299 = arith.constant 0 : i32
    %dma_start3A_300 = tpu.memref_slice %arg3[%dma_start3A_298, %dma_start3A_299] : memref<1000000x32xf32, #tpu.memory_space<hbm>> -> memref<1000000x32xf32, #tpu.memory_space<hbm>>
    tpu.enqueue_indirect_dma source(%dma_start3A_300 : memref<1000000x32xf32, #tpu.memory_space<hbm>>) target(%arg7 : memref<800x32xf32, #tpu.memory_space<vmem>>) offsets(%dma_start3A_297 : memref<800xi32, #tpu.memory_space<vmem>>) semaphore(%arg11 : memref<!tpu.dma_semaphore, #tpu.memory_space<semaphore_mem>>)
    %dma_wait3A_301 = arith.constant 11200 : i32
    %dma_wait3A_302 = tpu.memref_slice %arg5[%dma_wait3A_301] : memref<25600xi32, #tpu.memory_space<vmem>> -> memref<800xi32, #tpu.memory_space<vmem>>
    %dma_wait3A_303 = arith.constant 0 : i32
    %dma_wait3A_304 = arith.constant 0 : i32
    %dma_wait3A_305 = tpu.memref_slice %arg3[%dma_wait3A_303, %dma_wait3A_304] : memref<1000000x32xf32, #tpu.memory_space<hbm>> -> memref<1000000x32xf32, #tpu.memory_space<hbm>>
    tpu.wait_indirect_dma semaphore(%arg12 : memref<!tpu.dma_semaphore, #tpu.memory_space<semaphore_mem>>) src(%dma_wait3A_305 : memref<1000000x32xf32, #tpu.memory_space<hbm>>) dst(%arg8 : memref<800x32xf32, #tpu.memory_space<vmem>>)
    %add3A_306 = arith.constant 11200 : i32
    %add3A_307 = arith.addi %mul3A_2, %add3A_306 : i32
    %dma_start3A_308 = arith.constant 0 : i32
    %dma_start3A_309 = tpu.memref_slice %arg4[%add3A_307, %dma_start3A_308] : memref<819200x32xf32, #tpu.memory_space<hbm>> -> memref<800x32xf32, #tpu.memory_space<hbm>>
    %dma_start3A_310 = arith.constant 0 : i32
    %dma_start3A_311 = tpu.memref_slice %arg4[%add3A_307, %dma_start3A_310] : memref<819200x32xf32, #tpu.memory_space<hbm>> -> memref<800x32xf32, #tpu.memory_space<hbm>>
    tpu.enqueue_dma source(%arg8 : memref<800x32xf32, #tpu.memory_space<vmem>>) target(%dma_start3A_311 : memref<800x32xf32, #tpu.memory_space<hbm>>) target_semaphore(%arg14 : memref<!tpu.dma_semaphore, #tpu.memory_space<semaphore_mem>>)
    %dma_wait3A_312 = arith.constant 0 : i32
    %dma_wait3A_313 = tpu.memref_slice %arg4[%add3A_307, %dma_wait3A_312] : memref<819200x32xf32, #tpu.memory_space<hbm>> -> memref<800x32xf32, #tpu.memory_space<hbm>>
    %dma_wait3A_314 = arith.constant 0 : i32
    %dma_wait3A_315 = tpu.memref_slice %arg4[%add3A_307, %dma_wait3A_314] : memref<819200x32xf32, #tpu.memory_space<hbm>> -> memref<800x32xf32, #tpu.memory_space<hbm>>
    tpu.wait_dma2 semaphore(%arg14 : memref<!tpu.dma_semaphore, #tpu.memory_space<semaphore_mem>>) src(%arg8 : memref<800x32xf32, #tpu.memory_space<vmem>>) dst(%dma_wait3A_315 : memref<800x32xf32, #tpu.memory_space<hbm>>)
    %dma_start3A_316 = arith.constant 14400 : i32
    %dma_start3A_317 = tpu.memref_slice %arg5[%dma_start3A_316] : memref<25600xi32, #tpu.memory_space<vmem>> -> memref<800xi32, #tpu.memory_space<vmem>>
    %dma_start3A_318 = arith.constant 0 : i32
    %dma_start3A_319 = arith.constant 0 : i32
    %dma_start3A_320 = tpu.memref_slice %arg3[%dma_start3A_318, %dma_start3A_319] : memref<1000000x32xf32, #tpu.memory_space<hbm>> -> memref<1000000x32xf32, #tpu.memory_space<hbm>>
    tpu.enqueue_indirect_dma source(%dma_start3A_320 : memref<1000000x32xf32, #tpu.memory_space<hbm>>) target(%arg8 : memref<800x32xf32, #tpu.memory_space<vmem>>) offsets(%dma_start3A_317 : memref<800xi32, #tpu.memory_space<vmem>>) semaphore(%arg12 : memref<!tpu.dma_semaphore, #tpu.memory_space<semaphore_mem>>)
    %dma_wait3A_321 = arith.constant 12000 : i32
    %dma_wait3A_322 = tpu.memref_slice %arg5[%dma_wait3A_321] : memref<25600xi32, #tpu.memory_space<vmem>> -> memref<800xi32, #tpu.memory_space<vmem>>
    %dma_wait3A_323 = arith.constant 0 : i32
    %dma_wait3A_324 = arith.constant 0 : i32
    %dma_wait3A_325 = tpu.memref_slice %arg3[%dma_wait3A_323, %dma_wait3A_324] : memref<1000000x32xf32, #tpu.memory_space<hbm>> -> memref<1000000x32xf32, #tpu.memory_space<hbm>>
    tpu.wait_indirect_dma semaphore(%arg13 : memref<!tpu.dma_semaphore, #tpu.memory_space<semaphore_mem>>) src(%dma_wait3A_325 : memref<1000000x32xf32, #tpu.memory_space<hbm>>) dst(%arg9 : memref<800x32xf32, #tpu.memory_space<vmem>>)
    %add3A_326 = arith.constant 12000 : i32
    %add3A_327 = arith.addi %mul3A_2, %add3A_326 : i32
    %dma_start3A_328 = arith.constant 0 : i32
    %dma_start3A_329 = tpu.memref_slice %arg4[%add3A_327, %dma_start3A_328] : memref<819200x32xf32, #tpu.memory_space<hbm>> -> memref<800x32xf32, #tpu.memory_space<hbm>>
    %dma_start3A_330 = arith.constant 0 : i32
    %dma_start3A_331 = tpu.memref_slice %arg4[%add3A_327, %dma_start3A_330] : memref<819200x32xf32, #tpu.memory_space<hbm>> -> memref<800x32xf32, #tpu.memory_space<hbm>>
    tpu.enqueue_dma source(%arg9 : memref<800x32xf32, #tpu.memory_space<vmem>>) target(%dma_start3A_331 : memref<800x32xf32, #tpu.memory_space<hbm>>) target_semaphore(%arg14 : memref<!tpu.dma_semaphore, #tpu.memory_space<semaphore_mem>>)
    %dma_wait3A_332 = arith.constant 0 : i32
    %dma_wait3A_333 = tpu.memref_slice %arg4[%add3A_327, %dma_wait3A_332] : memref<819200x32xf32, #tpu.memory_space<hbm>> -> memref<800x32xf32, #tpu.memory_space<hbm>>
    %dma_wait3A_334 = arith.constant 0 : i32
    %dma_wait3A_335 = tpu.memref_slice %arg4[%add3A_327, %dma_wait3A_334] : memref<819200x32xf32, #tpu.memory_space<hbm>> -> memref<800x32xf32, #tpu.memory_space<hbm>>
    tpu.wait_dma2 semaphore(%arg14 : memref<!tpu.dma_semaphore, #tpu.memory_space<semaphore_mem>>) src(%arg9 : memref<800x32xf32, #tpu.memory_space<vmem>>) dst(%dma_wait3A_335 : memref<800x32xf32, #tpu.memory_space<hbm>>)
    %dma_start3A_336 = arith.constant 15200 : i32
    %dma_start3A_337 = tpu.memref_slice %arg5[%dma_start3A_336] : memref<25600xi32, #tpu.memory_space<vmem>> -> memref<800xi32, #tpu.memory_space<vmem>>
    %dma_start3A_338 = arith.constant 0 : i32
    %dma_start3A_339 = arith.constant 0 : i32
    %dma_start3A_340 = tpu.memref_slice %arg3[%dma_start3A_338, %dma_start3A_339] : memref<1000000x32xf32, #tpu.memory_space<hbm>> -> memref<1000000x32xf32, #tpu.memory_space<hbm>>
    tpu.enqueue_indirect_dma source(%dma_start3A_340 : memref<1000000x32xf32, #tpu.memory_space<hbm>>) target(%arg9 : memref<800x32xf32, #tpu.memory_space<vmem>>) offsets(%dma_start3A_337 : memref<800xi32, #tpu.memory_space<vmem>>) semaphore(%arg13 : memref<!tpu.dma_semaphore, #tpu.memory_space<semaphore_mem>>)
    %dma_wait3A_341 = arith.constant 12800 : i32
    %dma_wait3A_342 = tpu.memref_slice %arg5[%dma_wait3A_341] : memref<25600xi32, #tpu.memory_space<vmem>> -> memref<800xi32, #tpu.memory_space<vmem>>
    %dma_wait3A_343 = arith.constant 0 : i32
    %dma_wait3A_344 = arith.constant 0 : i32
    %dma_wait3A_345 = tpu.memref_slice %arg3[%dma_wait3A_343, %dma_wait3A_344] : memref<1000000x32xf32, #tpu.memory_space<hbm>> -> memref<1000000x32xf32, #tpu.memory_space<hbm>>
    tpu.wait_indirect_dma semaphore(%arg10 : memref<!tpu.dma_semaphore, #tpu.memory_space<semaphore_mem>>) src(%dma_wait3A_345 : memref<1000000x32xf32, #tpu.memory_space<hbm>>) dst(%arg6 : memref<800x32xf32, #tpu.memory_space<vmem>>)
    %add3A_346 = arith.constant 12800 : i32
    %add3A_347 = arith.addi %mul3A_2, %add3A_346 : i32
    %dma_start3A_348 = arith.constant 0 : i32
    %dma_start3A_349 = tpu.memref_slice %arg4[%add3A_347, %dma_start3A_348] : memref<819200x32xf32, #tpu.memory_space<hbm>> -> memref<800x32xf32, #tpu.memory_space<hbm>>
    %dma_start3A_350 = arith.constant 0 : i32
    %dma_start3A_351 = tpu.memref_slice %arg4[%add3A_347, %dma_start3A_350] : memref<819200x32xf32, #tpu.memory_space<hbm>> -> memref<800x32xf32, #tpu.memory_space<hbm>>
    tpu.enqueue_dma source(%arg6 : memref<800x32xf32, #tpu.memory_space<vmem>>) target(%dma_start3A_351 : memref<800x32xf32, #tpu.memory_space<hbm>>) target_semaphore(%arg14 : memref<!tpu.dma_semaphore, #tpu.memory_space<semaphore_mem>>)
    %dma_wait3A_352 = arith.constant 0 : i32
    %dma_wait3A_353 = tpu.memref_slice %arg4[%add3A_347, %dma_wait3A_352] : memref<819200x32xf32, #tpu.memory_space<hbm>> -> memref<800x32xf32, #tpu.memory_space<hbm>>
    %dma_wait3A_354 = arith.constant 0 : i32
    %dma_wait3A_355 = tpu.memref_slice %arg4[%add3A_347, %dma_wait3A_354] : memref<819200x32xf32, #tpu.memory_space<hbm>> -> memref<800x32xf32, #tpu.memory_space<hbm>>
    tpu.wait_dma2 semaphore(%arg14 : memref<!tpu.dma_semaphore, #tpu.memory_space<semaphore_mem>>) src(%arg6 : memref<800x32xf32, #tpu.memory_space<vmem>>) dst(%dma_wait3A_355 : memref<800x32xf32, #tpu.memory_space<hbm>>)
    %dma_start3A_356 = arith.constant 16000 : i32
    %dma_start3A_357 = tpu.memref_slice %arg5[%dma_start3A_356] : memref<25600xi32, #tpu.memory_space<vmem>> -> memref<800xi32, #tpu.memory_space<vmem>>
    %dma_start3A_358 = arith.constant 0 : i32
    %dma_start3A_359 = arith.constant 0 : i32
    %dma_start3A_360 = tpu.memref_slice %arg3[%dma_start3A_358, %dma_start3A_359] : memref<1000000x32xf32, #tpu.memory_space<hbm>> -> memref<1000000x32xf32, #tpu.memory_space<hbm>>
    tpu.enqueue_indirect_dma source(%dma_start3A_360 : memref<1000000x32xf32, #tpu.memory_space<hbm>>) target(%arg6 : memref<800x32xf32, #tpu.memory_space<vmem>>) offsets(%dma_start3A_357 : memref<800xi32, #tpu.memory_space<vmem>>) semaphore(%arg10 : memref<!tpu.dma_semaphore, #tpu.memory_space<semaphore_mem>>)
    %dma_wait3A_361 = arith.constant 13600 : i32
    %dma_wait3A_362 = tpu.memref_slice %arg5[%dma_wait3A_361] : memref<25600xi32, #tpu.memory_space<vmem>> -> memref<800xi32, #tpu.memory_space<vmem>>
    %dma_wait3A_363 = arith.constant 0 : i32
    %dma_wait3A_364 = arith.constant 0 : i32
    %dma_wait3A_365 = tpu.memref_slice %arg3[%dma_wait3A_363, %dma_wait3A_364] : memref<1000000x32xf32, #tpu.memory_space<hbm>> -> memref<1000000x32xf32, #tpu.memory_space<hbm>>
    tpu.wait_indirect_dma semaphore(%arg11 : memref<!tpu.dma_semaphore, #tpu.memory_space<semaphore_mem>>) src(%dma_wait3A_365 : memref<1000000x32xf32, #tpu.memory_space<hbm>>) dst(%arg7 : memref<800x32xf32, #tpu.memory_space<vmem>>)
    %add3A_366 = arith.constant 13600 : i32
    %add3A_367 = arith.addi %mul3A_2, %add3A_366 : i32
    %dma_start3A_368 = arith.constant 0 : i32
    %dma_start3A_369 = tpu.memref_slice %arg4[%add3A_367, %dma_start3A_368] : memref<819200x32xf32, #tpu.memory_space<hbm>> -> memref<800x32xf32, #tpu.memory_space<hbm>>
    %dma_start3A_370 = arith.constant 0 : i32
    %dma_start3A_371 = tpu.memref_slice %arg4[%add3A_367, %dma_start3A_370] : memref<819200x32xf32, #tpu.memory_space<hbm>> -> memref<800x32xf32, #tpu.memory_space<hbm>>
    tpu.enqueue_dma source(%arg7 : memref<800x32xf32, #tpu.memory_space<vmem>>) target(%dma_start3A_371 : memref<800x32xf32, #tpu.memory_space<hbm>>) target_semaphore(%arg14 : memref<!tpu.dma_semaphore, #tpu.memory_space<semaphore_mem>>)
    %dma_wait3A_372 = arith.constant 0 : i32
    %dma_wait3A_373 = tpu.memref_slice %arg4[%add3A_367, %dma_wait3A_372] : memref<819200x32xf32, #tpu.memory_space<hbm>> -> memref<800x32xf32, #tpu.memory_space<hbm>>
    %dma_wait3A_374 = arith.constant 0 : i32
    %dma_wait3A_375 = tpu.memref_slice %arg4[%add3A_367, %dma_wait3A_374] : memref<819200x32xf32, #tpu.memory_space<hbm>> -> memref<800x32xf32, #tpu.memory_space<hbm>>
    tpu.wait_dma2 semaphore(%arg14 : memref<!tpu.dma_semaphore, #tpu.memory_space<semaphore_mem>>) src(%arg7 : memref<800x32xf32, #tpu.memory_space<vmem>>) dst(%dma_wait3A_375 : memref<800x32xf32, #tpu.memory_space<hbm>>)
    %dma_start3A_376 = arith.constant 16800 : i32
    %dma_start3A_377 = tpu.memref_slice %arg5[%dma_start3A_376] : memref<25600xi32, #tpu.memory_space<vmem>> -> memref<800xi32, #tpu.memory_space<vmem>>
    %dma_start3A_378 = arith.constant 0 : i32
    %dma_start3A_379 = arith.constant 0 : i32
    %dma_start3A_380 = tpu.memref_slice %arg3[%dma_start3A_378, %dma_start3A_379] : memref<1000000x32xf32, #tpu.memory_space<hbm>> -> memref<1000000x32xf32, #tpu.memory_space<hbm>>
    tpu.enqueue_indirect_dma source(%dma_start3A_380 : memref<1000000x32xf32, #tpu.memory_space<hbm>>) target(%arg7 : memref<800x32xf32, #tpu.memory_space<vmem>>) offsets(%dma_start3A_377 : memref<800xi32, #tpu.memory_space<vmem>>) semaphore(%arg11 : memref<!tpu.dma_semaphore, #tpu.memory_space<semaphore_mem>>)
    %dma_wait3A_381 = arith.constant 14400 : i32
    %dma_wait3A_382 = tpu.memref_slice %arg5[%dma_wait3A_381] : memref<25600xi32, #tpu.memory_space<vmem>> -> memref<800xi32, #tpu.memory_space<vmem>>
    %dma_wait3A_383 = arith.constant 0 : i32
    %dma_wait3A_384 = arith.constant 0 : i32
    %dma_wait3A_385 = tpu.memref_slice %arg3[%dma_wait3A_383, %dma_wait3A_384] : memref<1000000x32xf32, #tpu.memory_space<hbm>> -> memref<1000000x32xf32, #tpu.memory_space<hbm>>
    tpu.wait_indirect_dma semaphore(%arg12 : memref<!tpu.dma_semaphore, #tpu.memory_space<semaphore_mem>>) src(%dma_wait3A_385 : memref<1000000x32xf32, #tpu.memory_space<hbm>>) dst(%arg8 : memref<800x32xf32, #tpu.memory_space<vmem>>)
    %add3A_386 = arith.constant 14400 : i32
    %add3A_387 = arith.addi %mul3A_2, %add3A_386 : i32
    %dma_start3A_388 = arith.constant 0 : i32
    %dma_start3A_389 = tpu.memref_slice %arg4[%add3A_387, %dma_start3A_388] : memref<819200x32xf32, #tpu.memory_space<hbm>> -> memref<800x32xf32, #tpu.memory_space<hbm>>
    %dma_start3A_390 = arith.constant 0 : i32
    %dma_start3A_391 = tpu.memref_slice %arg4[%add3A_387, %dma_start3A_390] : memref<819200x32xf32, #tpu.memory_space<hbm>> -> memref<800x32xf32, #tpu.memory_space<hbm>>
    tpu.enqueue_dma source(%arg8 : memref<800x32xf32, #tpu.memory_space<vmem>>) target(%dma_start3A_391 : memref<800x32xf32, #tpu.memory_space<hbm>>) target_semaphore(%arg14 : memref<!tpu.dma_semaphore, #tpu.memory_space<semaphore_mem>>)
    %dma_wait3A_392 = arith.constant 0 : i32
    %dma_wait3A_393 = tpu.memref_slice %arg4[%add3A_387, %dma_wait3A_392] : memref<819200x32xf32, #tpu.memory_space<hbm>> -> memref<800x32xf32, #tpu.memory_space<hbm>>
    %dma_wait3A_394 = arith.constant 0 : i32
    %dma_wait3A_395 = tpu.memref_slice %arg4[%add3A_387, %dma_wait3A_394] : memref<819200x32xf32, #tpu.memory_space<hbm>> -> memref<800x32xf32, #tpu.memory_space<hbm>>
    tpu.wait_dma2 semaphore(%arg14 : memref<!tpu.dma_semaphore, #tpu.memory_space<semaphore_mem>>) src(%arg8 : memref<800x32xf32, #tpu.memory_space<vmem>>) dst(%dma_wait3A_395 : memref<800x32xf32, #tpu.memory_space<hbm>>)
    %dma_start3A_396 = arith.constant 17600 : i32
    %dma_start3A_397 = tpu.memref_slice %arg5[%dma_start3A_396] : memref<25600xi32, #tpu.memory_space<vmem>> -> memref<800xi32, #tpu.memory_space<vmem>>
    %dma_start3A_398 = arith.constant 0 : i32
    %dma_start3A_399 = arith.constant 0 : i32
    %dma_start3A_400 = tpu.memref_slice %arg3[%dma_start3A_398, %dma_start3A_399] : memref<1000000x32xf32, #tpu.memory_space<hbm>> -> memref<1000000x32xf32, #tpu.memory_space<hbm>>
    tpu.enqueue_indirect_dma source(%dma_start3A_400 : memref<1000000x32xf32, #tpu.memory_space<hbm>>) target(%arg8 : memref<800x32xf32, #tpu.memory_space<vmem>>) offsets(%dma_start3A_397 : memref<800xi32, #tpu.memory_space<vmem>>) semaphore(%arg12 : memref<!tpu.dma_semaphore, #tpu.memory_space<semaphore_mem>>)
    %dma_wait3A_401 = arith.constant 15200 : i32
    %dma_wait3A_402 = tpu.memref_slice %arg5[%dma_wait3A_401] : memref<25600xi32, #tpu.memory_space<vmem>> -> memref<800xi32, #tpu.memory_space<vmem>>
    %dma_wait3A_403 = arith.constant 0 : i32
    %dma_wait3A_404 = arith.constant 0 : i32
    %dma_wait3A_405 = tpu.memref_slice %arg3[%dma_wait3A_403, %dma_wait3A_404] : memref<1000000x32xf32, #tpu.memory_space<hbm>> -> memref<1000000x32xf32, #tpu.memory_space<hbm>>
    tpu.wait_indirect_dma semaphore(%arg13 : memref<!tpu.dma_semaphore, #tpu.memory_space<semaphore_mem>>) src(%dma_wait3A_405 : memref<1000000x32xf32, #tpu.memory_space<hbm>>) dst(%arg9 : memref<800x32xf32, #tpu.memory_space<vmem>>)
    %add3A_406 = arith.constant 15200 : i32
    %add3A_407 = arith.addi %mul3A_2, %add3A_406 : i32
    %dma_start3A_408 = arith.constant 0 : i32
    %dma_start3A_409 = tpu.memref_slice %arg4[%add3A_407, %dma_start3A_408] : memref<819200x32xf32, #tpu.memory_space<hbm>> -> memref<800x32xf32, #tpu.memory_space<hbm>>
    %dma_start3A_410 = arith.constant 0 : i32
    %dma_start3A_411 = tpu.memref_slice %arg4[%add3A_407, %dma_start3A_410] : memref<819200x32xf32, #tpu.memory_space<hbm>> -> memref<800x32xf32, #tpu.memory_space<hbm>>
    tpu.enqueue_dma source(%arg9 : memref<800x32xf32, #tpu.memory_space<vmem>>) target(%dma_start3A_411 : memref<800x32xf32, #tpu.memory_space<hbm>>) target_semaphore(%arg14 : memref<!tpu.dma_semaphore, #tpu.memory_space<semaphore_mem>>)
    %dma_wait3A_412 = arith.constant 0 : i32
    %dma_wait3A_413 = tpu.memref_slice %arg4[%add3A_407, %dma_wait3A_412] : memref<819200x32xf32, #tpu.memory_space<hbm>> -> memref<800x32xf32, #tpu.memory_space<hbm>>
    %dma_wait3A_414 = arith.constant 0 : i32
    %dma_wait3A_415 = tpu.memref_slice %arg4[%add3A_407, %dma_wait3A_414] : memref<819200x32xf32, #tpu.memory_space<hbm>> -> memref<800x32xf32, #tpu.memory_space<hbm>>
    tpu.wait_dma2 semaphore(%arg14 : memref<!tpu.dma_semaphore, #tpu.memory_space<semaphore_mem>>) src(%arg9 : memref<800x32xf32, #tpu.memory_space<vmem>>) dst(%dma_wait3A_415 : memref<800x32xf32, #tpu.memory_space<hbm>>)
    %dma_start3A_416 = arith.constant 18400 : i32
    %dma_start3A_417 = tpu.memref_slice %arg5[%dma_start3A_416] : memref<25600xi32, #tpu.memory_space<vmem>> -> memref<800xi32, #tpu.memory_space<vmem>>
    %dma_start3A_418 = arith.constant 0 : i32
    %dma_start3A_419 = arith.constant 0 : i32
    %dma_start3A_420 = tpu.memref_slice %arg3[%dma_start3A_418, %dma_start3A_419] : memref<1000000x32xf32, #tpu.memory_space<hbm>> -> memref<1000000x32xf32, #tpu.memory_space<hbm>>
    tpu.enqueue_indirect_dma source(%dma_start3A_420 : memref<1000000x32xf32, #tpu.memory_space<hbm>>) target(%arg9 : memref<800x32xf32, #tpu.memory_space<vmem>>) offsets(%dma_start3A_417 : memref<800xi32, #tpu.memory_space<vmem>>) semaphore(%arg13 : memref<!tpu.dma_semaphore, #tpu.memory_space<semaphore_mem>>)
    %dma_wait3A_421 = arith.constant 16000 : i32
    %dma_wait3A_422 = tpu.memref_slice %arg5[%dma_wait3A_421] : memref<25600xi32, #tpu.memory_space<vmem>> -> memref<800xi32, #tpu.memory_space<vmem>>
    %dma_wait3A_423 = arith.constant 0 : i32
    %dma_wait3A_424 = arith.constant 0 : i32
    %dma_wait3A_425 = tpu.memref_slice %arg3[%dma_wait3A_423, %dma_wait3A_424] : memref<1000000x32xf32, #tpu.memory_space<hbm>> -> memref<1000000x32xf32, #tpu.memory_space<hbm>>
    tpu.wait_indirect_dma semaphore(%arg10 : memref<!tpu.dma_semaphore, #tpu.memory_space<semaphore_mem>>) src(%dma_wait3A_425 : memref<1000000x32xf32, #tpu.memory_space<hbm>>) dst(%arg6 : memref<800x32xf32, #tpu.memory_space<vmem>>)
    %add3A_426 = arith.constant 16000 : i32
    %add3A_427 = arith.addi %mul3A_2, %add3A_426 : i32
    %dma_start3A_428 = arith.constant 0 : i32
    %dma_start3A_429 = tpu.memref_slice %arg4[%add3A_427, %dma_start3A_428] : memref<819200x32xf32, #tpu.memory_space<hbm>> -> memref<800x32xf32, #tpu.memory_space<hbm>>
    %dma_start3A_430 = arith.constant 0 : i32
    %dma_start3A_431 = tpu.memref_slice %arg4[%add3A_427, %dma_start3A_430] : memref<819200x32xf32, #tpu.memory_space<hbm>> -> memref<800x32xf32, #tpu.memory_space<hbm>>
    tpu.enqueue_dma source(%arg6 : memref<800x32xf32, #tpu.memory_space<vmem>>) target(%dma_start3A_431 : memref<800x32xf32, #tpu.memory_space<hbm>>) target_semaphore(%arg14 : memref<!tpu.dma_semaphore, #tpu.memory_space<semaphore_mem>>)
    %dma_wait3A_432 = arith.constant 0 : i32
    %dma_wait3A_433 = tpu.memref_slice %arg4[%add3A_427, %dma_wait3A_432] : memref<819200x32xf32, #tpu.memory_space<hbm>> -> memref<800x32xf32, #tpu.memory_space<hbm>>
    %dma_wait3A_434 = arith.constant 0 : i32
    %dma_wait3A_435 = tpu.memref_slice %arg4[%add3A_427, %dma_wait3A_434] : memref<819200x32xf32, #tpu.memory_space<hbm>> -> memref<800x32xf32, #tpu.memory_space<hbm>>
    tpu.wait_dma2 semaphore(%arg14 : memref<!tpu.dma_semaphore, #tpu.memory_space<semaphore_mem>>) src(%arg6 : memref<800x32xf32, #tpu.memory_space<vmem>>) dst(%dma_wait3A_435 : memref<800x32xf32, #tpu.memory_space<hbm>>)
    %dma_start3A_436 = arith.constant 19200 : i32
    %dma_start3A_437 = tpu.memref_slice %arg5[%dma_start3A_436] : memref<25600xi32, #tpu.memory_space<vmem>> -> memref<800xi32, #tpu.memory_space<vmem>>
    %dma_start3A_438 = arith.constant 0 : i32
    %dma_start3A_439 = arith.constant 0 : i32
    %dma_start3A_440 = tpu.memref_slice %arg3[%dma_start3A_438, %dma_start3A_439] : memref<1000000x32xf32, #tpu.memory_space<hbm>> -> memref<1000000x32xf32, #tpu.memory_space<hbm>>
    tpu.enqueue_indirect_dma source(%dma_start3A_440 : memref<1000000x32xf32, #tpu.memory_space<hbm>>) target(%arg6 : memref<800x32xf32, #tpu.memory_space<vmem>>) offsets(%dma_start3A_437 : memref<800xi32, #tpu.memory_space<vmem>>) semaphore(%arg10 : memref<!tpu.dma_semaphore, #tpu.memory_space<semaphore_mem>>)
    %dma_wait3A_441 = arith.constant 16800 : i32
    %dma_wait3A_442 = tpu.memref_slice %arg5[%dma_wait3A_441] : memref<25600xi32, #tpu.memory_space<vmem>> -> memref<800xi32, #tpu.memory_space<vmem>>
    %dma_wait3A_443 = arith.constant 0 : i32
    %dma_wait3A_444 = arith.constant 0 : i32
    %dma_wait3A_445 = tpu.memref_slice %arg3[%dma_wait3A_443, %dma_wait3A_444] : memref<1000000x32xf32, #tpu.memory_space<hbm>> -> memref<1000000x32xf32, #tpu.memory_space<hbm>>
    tpu.wait_indirect_dma semaphore(%arg11 : memref<!tpu.dma_semaphore, #tpu.memory_space<semaphore_mem>>) src(%dma_wait3A_445 : memref<1000000x32xf32, #tpu.memory_space<hbm>>) dst(%arg7 : memref<800x32xf32, #tpu.memory_space<vmem>>)
    %add3A_446 = arith.constant 16800 : i32
    %add3A_447 = arith.addi %mul3A_2, %add3A_446 : i32
    %dma_start3A_448 = arith.constant 0 : i32
    %dma_start3A_449 = tpu.memref_slice %arg4[%add3A_447, %dma_start3A_448] : memref<819200x32xf32, #tpu.memory_space<hbm>> -> memref<800x32xf32, #tpu.memory_space<hbm>>
    %dma_start3A_450 = arith.constant 0 : i32
    %dma_start3A_451 = tpu.memref_slice %arg4[%add3A_447, %dma_start3A_450] : memref<819200x32xf32, #tpu.memory_space<hbm>> -> memref<800x32xf32, #tpu.memory_space<hbm>>
    tpu.enqueue_dma source(%arg7 : memref<800x32xf32, #tpu.memory_space<vmem>>) target(%dma_start3A_451 : memref<800x32xf32, #tpu.memory_space<hbm>>) target_semaphore(%arg14 : memref<!tpu.dma_semaphore, #tpu.memory_space<semaphore_mem>>)
    %dma_wait3A_452 = arith.constant 0 : i32
    %dma_wait3A_453 = tpu.memref_slice %arg4[%add3A_447, %dma_wait3A_452] : memref<819200x32xf32, #tpu.memory_space<hbm>> -> memref<800x32xf32, #tpu.memory_space<hbm>>
    %dma_wait3A_454 = arith.constant 0 : i32
    %dma_wait3A_455 = tpu.memref_slice %arg4[%add3A_447, %dma_wait3A_454] : memref<819200x32xf32, #tpu.memory_space<hbm>> -> memref<800x32xf32, #tpu.memory_space<hbm>>
    tpu.wait_dma2 semaphore(%arg14 : memref<!tpu.dma_semaphore, #tpu.memory_space<semaphore_mem>>) src(%arg7 : memref<800x32xf32, #tpu.memory_space<vmem>>) dst(%dma_wait3A_455 : memref<800x32xf32, #tpu.memory_space<hbm>>)
    %dma_start3A_456 = arith.constant 20000 : i32
    %dma_start3A_457 = tpu.memref_slice %arg5[%dma_start3A_456] : memref<25600xi32, #tpu.memory_space<vmem>> -> memref<800xi32, #tpu.memory_space<vmem>>
    %dma_start3A_458 = arith.constant 0 : i32
    %dma_start3A_459 = arith.constant 0 : i32
    %dma_start3A_460 = tpu.memref_slice %arg3[%dma_start3A_458, %dma_start3A_459] : memref<1000000x32xf32, #tpu.memory_space<hbm>> -> memref<1000000x32xf32, #tpu.memory_space<hbm>>
    tpu.enqueue_indirect_dma source(%dma_start3A_460 : memref<1000000x32xf32, #tpu.memory_space<hbm>>) target(%arg7 : memref<800x32xf32, #tpu.memory_space<vmem>>) offsets(%dma_start3A_457 : memref<800xi32, #tpu.memory_space<vmem>>) semaphore(%arg11 : memref<!tpu.dma_semaphore, #tpu.memory_space<semaphore_mem>>)
    %dma_wait3A_461 = arith.constant 17600 : i32
    %dma_wait3A_462 = tpu.memref_slice %arg5[%dma_wait3A_461] : memref<25600xi32, #tpu.memory_space<vmem>> -> memref<800xi32, #tpu.memory_space<vmem>>
    %dma_wait3A_463 = arith.constant 0 : i32
    %dma_wait3A_464 = arith.constant 0 : i32
    %dma_wait3A_465 = tpu.memref_slice %arg3[%dma_wait3A_463, %dma_wait3A_464] : memref<1000000x32xf32, #tpu.memory_space<hbm>> -> memref<1000000x32xf32, #tpu.memory_space<hbm>>
    tpu.wait_indirect_dma semaphore(%arg12 : memref<!tpu.dma_semaphore, #tpu.memory_space<semaphore_mem>>) src(%dma_wait3A_465 : memref<1000000x32xf32, #tpu.memory_space<hbm>>) dst(%arg8 : memref<800x32xf32, #tpu.memory_space<vmem>>)
    %add3A_466 = arith.constant 17600 : i32
    %add3A_467 = arith.addi %mul3A_2, %add3A_466 : i32
    %dma_start3A_468 = arith.constant 0 : i32
    %dma_start3A_469 = tpu.memref_slice %arg4[%add3A_467, %dma_start3A_468] : memref<819200x32xf32, #tpu.memory_space<hbm>> -> memref<800x32xf32, #tpu.memory_space<hbm>>
    %dma_start3A_470 = arith.constant 0 : i32
    %dma_start3A_471 = tpu.memref_slice %arg4[%add3A_467, %dma_start3A_470] : memref<819200x32xf32, #tpu.memory_space<hbm>> -> memref<800x32xf32, #tpu.memory_space<hbm>>
    tpu.enqueue_dma source(%arg8 : memref<800x32xf32, #tpu.memory_space<vmem>>) target(%dma_start3A_471 : memref<800x32xf32, #tpu.memory_space<hbm>>) target_semaphore(%arg14 : memref<!tpu.dma_semaphore, #tpu.memory_space<semaphore_mem>>)
    %dma_wait3A_472 = arith.constant 0 : i32
    %dma_wait3A_473 = tpu.memref_slice %arg4[%add3A_467, %dma_wait3A_472] : memref<819200x32xf32, #tpu.memory_space<hbm>> -> memref<800x32xf32, #tpu.memory_space<hbm>>
    %dma_wait3A_474 = arith.constant 0 : i32
    %dma_wait3A_475 = tpu.memref_slice %arg4[%add3A_467, %dma_wait3A_474] : memref<819200x32xf32, #tpu.memory_space<hbm>> -> memref<800x32xf32, #tpu.memory_space<hbm>>
    tpu.wait_dma2 semaphore(%arg14 : memref<!tpu.dma_semaphore, #tpu.memory_space<semaphore_mem>>) src(%arg8 : memref<800x32xf32, #tpu.memory_space<vmem>>) dst(%dma_wait3A_475 : memref<800x32xf32, #tpu.memory_space<hbm>>)
    %dma_start3A_476 = arith.constant 20800 : i32
    %dma_start3A_477 = tpu.memref_slice %arg5[%dma_start3A_476] : memref<25600xi32, #tpu.memory_space<vmem>> -> memref<800xi32, #tpu.memory_space<vmem>>
    %dma_start3A_478 = arith.constant 0 : i32
    %dma_start3A_479 = arith.constant 0 : i32
    %dma_start3A_480 = tpu.memref_slice %arg3[%dma_start3A_478, %dma_start3A_479] : memref<1000000x32xf32, #tpu.memory_space<hbm>> -> memref<1000000x32xf32, #tpu.memory_space<hbm>>
    tpu.enqueue_indirect_dma source(%dma_start3A_480 : memref<1000000x32xf32, #tpu.memory_space<hbm>>) target(%arg8 : memref<800x32xf32, #tpu.memory_space<vmem>>) offsets(%dma_start3A_477 : memref<800xi32, #tpu.memory_space<vmem>>) semaphore(%arg12 : memref<!tpu.dma_semaphore, #tpu.memory_space<semaphore_mem>>)
    %dma_wait3A_481 = arith.constant 18400 : i32
    %dma_wait3A_482 = tpu.memref_slice %arg5[%dma_wait3A_481] : memref<25600xi32, #tpu.memory_space<vmem>> -> memref<800xi32, #tpu.memory_space<vmem>>
    %dma_wait3A_483 = arith.constant 0 : i32
    %dma_wait3A_484 = arith.constant 0 : i32
    %dma_wait3A_485 = tpu.memref_slice %arg3[%dma_wait3A_483, %dma_wait3A_484] : memref<1000000x32xf32, #tpu.memory_space<hbm>> -> memref<1000000x32xf32, #tpu.memory_space<hbm>>
    tpu.wait_indirect_dma semaphore(%arg13 : memref<!tpu.dma_semaphore, #tpu.memory_space<semaphore_mem>>) src(%dma_wait3A_485 : memref<1000000x32xf32, #tpu.memory_space<hbm>>) dst(%arg9 : memref<800x32xf32, #tpu.memory_space<vmem>>)
    %add3A_486 = arith.constant 18400 : i32
    %add3A_487 = arith.addi %mul3A_2, %add3A_486 : i32
    %dma_start3A_488 = arith.constant 0 : i32
    %dma_start3A_489 = tpu.memref_slice %arg4[%add3A_487, %dma_start3A_488] : memref<819200x32xf32, #tpu.memory_space<hbm>> -> memref<800x32xf32, #tpu.memory_space<hbm>>
    %dma_start3A_490 = arith.constant 0 : i32
    %dma_start3A_491 = tpu.memref_slice %arg4[%add3A_487, %dma_start3A_490] : memref<819200x32xf32, #tpu.memory_space<hbm>> -> memref<800x32xf32, #tpu.memory_space<hbm>>
    tpu.enqueue_dma source(%arg9 : memref<800x32xf32, #tpu.memory_space<vmem>>) target(%dma_start3A_491 : memref<800x32xf32, #tpu.memory_space<hbm>>) target_semaphore(%arg14 : memref<!tpu.dma_semaphore, #tpu.memory_space<semaphore_mem>>)
    %dma_wait3A_492 = arith.constant 0 : i32
    %dma_wait3A_493 = tpu.memref_slice %arg4[%add3A_487, %dma_wait3A_492] : memref<819200x32xf32, #tpu.memory_space<hbm>> -> memref<800x32xf32, #tpu.memory_space<hbm>>
    %dma_wait3A_494 = arith.constant 0 : i32
    %dma_wait3A_495 = tpu.memref_slice %arg4[%add3A_487, %dma_wait3A_494] : memref<819200x32xf32, #tpu.memory_space<hbm>> -> memref<800x32xf32, #tpu.memory_space<hbm>>
    tpu.wait_dma2 semaphore(%arg14 : memref<!tpu.dma_semaphore, #tpu.memory_space<semaphore_mem>>) src(%arg9 : memref<800x32xf32, #tpu.memory_space<vmem>>) dst(%dma_wait3A_495 : memref<800x32xf32, #tpu.memory_space<hbm>>)
    %dma_start3A_496 = arith.constant 21600 : i32
    %dma_start3A_497 = tpu.memref_slice %arg5[%dma_start3A_496] : memref<25600xi32, #tpu.memory_space<vmem>> -> memref<800xi32, #tpu.memory_space<vmem>>
    %dma_start3A_498 = arith.constant 0 : i32
    %dma_start3A_499 = arith.constant 0 : i32
    %dma_start3A_500 = tpu.memref_slice %arg3[%dma_start3A_498, %dma_start3A_499] : memref<1000000x32xf32, #tpu.memory_space<hbm>> -> memref<1000000x32xf32, #tpu.memory_space<hbm>>
    tpu.enqueue_indirect_dma source(%dma_start3A_500 : memref<1000000x32xf32, #tpu.memory_space<hbm>>) target(%arg9 : memref<800x32xf32, #tpu.memory_space<vmem>>) offsets(%dma_start3A_497 : memref<800xi32, #tpu.memory_space<vmem>>) semaphore(%arg13 : memref<!tpu.dma_semaphore, #tpu.memory_space<semaphore_mem>>)
    %dma_wait3A_501 = arith.constant 19200 : i32
    %dma_wait3A_502 = tpu.memref_slice %arg5[%dma_wait3A_501] : memref<25600xi32, #tpu.memory_space<vmem>> -> memref<800xi32, #tpu.memory_space<vmem>>
    %dma_wait3A_503 = arith.constant 0 : i32
    %dma_wait3A_504 = arith.constant 0 : i32
    %dma_wait3A_505 = tpu.memref_slice %arg3[%dma_wait3A_503, %dma_wait3A_504] : memref<1000000x32xf32, #tpu.memory_space<hbm>> -> memref<1000000x32xf32, #tpu.memory_space<hbm>>
    tpu.wait_indirect_dma semaphore(%arg10 : memref<!tpu.dma_semaphore, #tpu.memory_space<semaphore_mem>>) src(%dma_wait3A_505 : memref<1000000x32xf32, #tpu.memory_space<hbm>>) dst(%arg6 : memref<800x32xf32, #tpu.memory_space<vmem>>)
    %add3A_506 = arith.constant 19200 : i32
    %add3A_507 = arith.addi %mul3A_2, %add3A_506 : i32
    %dma_start3A_508 = arith.constant 0 : i32
    %dma_start3A_509 = tpu.memref_slice %arg4[%add3A_507, %dma_start3A_508] : memref<819200x32xf32, #tpu.memory_space<hbm>> -> memref<800x32xf32, #tpu.memory_space<hbm>>
    %dma_start3A_510 = arith.constant 0 : i32
    %dma_start3A_511 = tpu.memref_slice %arg4[%add3A_507, %dma_start3A_510] : memref<819200x32xf32, #tpu.memory_space<hbm>> -> memref<800x32xf32, #tpu.memory_space<hbm>>
    tpu.enqueue_dma source(%arg6 : memref<800x32xf32, #tpu.memory_space<vmem>>) target(%dma_start3A_511 : memref<800x32xf32, #tpu.memory_space<hbm>>) target_semaphore(%arg14 : memref<!tpu.dma_semaphore, #tpu.memory_space<semaphore_mem>>)
    %dma_wait3A_512 = arith.constant 0 : i32
    %dma_wait3A_513 = tpu.memref_slice %arg4[%add3A_507, %dma_wait3A_512] : memref<819200x32xf32, #tpu.memory_space<hbm>> -> memref<800x32xf32, #tpu.memory_space<hbm>>
    %dma_wait3A_514 = arith.constant 0 : i32
    %dma_wait3A_515 = tpu.memref_slice %arg4[%add3A_507, %dma_wait3A_514] : memref<819200x32xf32, #tpu.memory_space<hbm>> -> memref<800x32xf32, #tpu.memory_space<hbm>>
    tpu.wait_dma2 semaphore(%arg14 : memref<!tpu.dma_semaphore, #tpu.memory_space<semaphore_mem>>) src(%arg6 : memref<800x32xf32, #tpu.memory_space<vmem>>) dst(%dma_wait3A_515 : memref<800x32xf32, #tpu.memory_space<hbm>>)
    %dma_start3A_516 = arith.constant 22400 : i32
    %dma_start3A_517 = tpu.memref_slice %arg5[%dma_start3A_516] : memref<25600xi32, #tpu.memory_space<vmem>> -> memref<800xi32, #tpu.memory_space<vmem>>
    %dma_start3A_518 = arith.constant 0 : i32
    %dma_start3A_519 = arith.constant 0 : i32
    %dma_start3A_520 = tpu.memref_slice %arg3[%dma_start3A_518, %dma_start3A_519] : memref<1000000x32xf32, #tpu.memory_space<hbm>> -> memref<1000000x32xf32, #tpu.memory_space<hbm>>
    tpu.enqueue_indirect_dma source(%dma_start3A_520 : memref<1000000x32xf32, #tpu.memory_space<hbm>>) target(%arg6 : memref<800x32xf32, #tpu.memory_space<vmem>>) offsets(%dma_start3A_517 : memref<800xi32, #tpu.memory_space<vmem>>) semaphore(%arg10 : memref<!tpu.dma_semaphore, #tpu.memory_space<semaphore_mem>>)
    %dma_wait3A_521 = arith.constant 20000 : i32
    %dma_wait3A_522 = tpu.memref_slice %arg5[%dma_wait3A_521] : memref<25600xi32, #tpu.memory_space<vmem>> -> memref<800xi32, #tpu.memory_space<vmem>>
    %dma_wait3A_523 = arith.constant 0 : i32
    %dma_wait3A_524 = arith.constant 0 : i32
    %dma_wait3A_525 = tpu.memref_slice %arg3[%dma_wait3A_523, %dma_wait3A_524] : memref<1000000x32xf32, #tpu.memory_space<hbm>> -> memref<1000000x32xf32, #tpu.memory_space<hbm>>
    tpu.wait_indirect_dma semaphore(%arg11 : memref<!tpu.dma_semaphore, #tpu.memory_space<semaphore_mem>>) src(%dma_wait3A_525 : memref<1000000x32xf32, #tpu.memory_space<hbm>>) dst(%arg7 : memref<800x32xf32, #tpu.memory_space<vmem>>)
    %add3A_526 = arith.constant 20000 : i32
    %add3A_527 = arith.addi %mul3A_2, %add3A_526 : i32
    %dma_start3A_528 = arith.constant 0 : i32
    %dma_start3A_529 = tpu.memref_slice %arg4[%add3A_527, %dma_start3A_528] : memref<819200x32xf32, #tpu.memory_space<hbm>> -> memref<800x32xf32, #tpu.memory_space<hbm>>
    %dma_start3A_530 = arith.constant 0 : i32
    %dma_start3A_531 = tpu.memref_slice %arg4[%add3A_527, %dma_start3A_530] : memref<819200x32xf32, #tpu.memory_space<hbm>> -> memref<800x32xf32, #tpu.memory_space<hbm>>
    tpu.enqueue_dma source(%arg7 : memref<800x32xf32, #tpu.memory_space<vmem>>) target(%dma_start3A_531 : memref<800x32xf32, #tpu.memory_space<hbm>>) target_semaphore(%arg14 : memref<!tpu.dma_semaphore, #tpu.memory_space<semaphore_mem>>)
    %dma_wait3A_532 = arith.constant 0 : i32
    %dma_wait3A_533 = tpu.memref_slice %arg4[%add3A_527, %dma_wait3A_532] : memref<819200x32xf32, #tpu.memory_space<hbm>> -> memref<800x32xf32, #tpu.memory_space<hbm>>
    %dma_wait3A_534 = arith.constant 0 : i32
    %dma_wait3A_535 = tpu.memref_slice %arg4[%add3A_527, %dma_wait3A_534] : memref<819200x32xf32, #tpu.memory_space<hbm>> -> memref<800x32xf32, #tpu.memory_space<hbm>>
    tpu.wait_dma2 semaphore(%arg14 : memref<!tpu.dma_semaphore, #tpu.memory_space<semaphore_mem>>) src(%arg7 : memref<800x32xf32, #tpu.memory_space<vmem>>) dst(%dma_wait3A_535 : memref<800x32xf32, #tpu.memory_space<hbm>>)
    %dma_start3A_536 = arith.constant 23200 : i32
    %dma_start3A_537 = tpu.memref_slice %arg5[%dma_start3A_536] : memref<25600xi32, #tpu.memory_space<vmem>> -> memref<800xi32, #tpu.memory_space<vmem>>
    %dma_start3A_538 = arith.constant 0 : i32
    %dma_start3A_539 = arith.constant 0 : i32
    %dma_start3A_540 = tpu.memref_slice %arg3[%dma_start3A_538, %dma_start3A_539] : memref<1000000x32xf32, #tpu.memory_space<hbm>> -> memref<1000000x32xf32, #tpu.memory_space<hbm>>
    tpu.enqueue_indirect_dma source(%dma_start3A_540 : memref<1000000x32xf32, #tpu.memory_space<hbm>>) target(%arg7 : memref<800x32xf32, #tpu.memory_space<vmem>>) offsets(%dma_start3A_537 : memref<800xi32, #tpu.memory_space<vmem>>) semaphore(%arg11 : memref<!tpu.dma_semaphore, #tpu.memory_space<semaphore_mem>>)
    %dma_wait3A_541 = arith.constant 20800 : i32
    %dma_wait3A_542 = tpu.memref_slice %arg5[%dma_wait3A_541] : memref<25600xi32, #tpu.memory_space<vmem>> -> memref<800xi32, #tpu.memory_space<vmem>>
    %dma_wait3A_543 = arith.constant 0 : i32
    %dma_wait3A_544 = arith.constant 0 : i32
    %dma_wait3A_545 = tpu.memref_slice %arg3[%dma_wait3A_543, %dma_wait3A_544] : memref<1000000x32xf32, #tpu.memory_space<hbm>> -> memref<1000000x32xf32, #tpu.memory_space<hbm>>
    tpu.wait_indirect_dma semaphore(%arg12 : memref<!tpu.dma_semaphore, #tpu.memory_space<semaphore_mem>>) src(%dma_wait3A_545 : memref<1000000x32xf32, #tpu.memory_space<hbm>>) dst(%arg8 : memref<800x32xf32, #tpu.memory_space<vmem>>)
    %add3A_546 = arith.constant 20800 : i32
    %add3A_547 = arith.addi %mul3A_2, %add3A_546 : i32
    %dma_start3A_548 = arith.constant 0 : i32
    %dma_start3A_549 = tpu.memref_slice %arg4[%add3A_547, %dma_start3A_548] : memref<819200x32xf32, #tpu.memory_space<hbm>> -> memref<800x32xf32, #tpu.memory_space<hbm>>
    %dma_start3A_550 = arith.constant 0 : i32
    %dma_start3A_551 = tpu.memref_slice %arg4[%add3A_547, %dma_start3A_550] : memref<819200x32xf32, #tpu.memory_space<hbm>> -> memref<800x32xf32, #tpu.memory_space<hbm>>
    tpu.enqueue_dma source(%arg8 : memref<800x32xf32, #tpu.memory_space<vmem>>) target(%dma_start3A_551 : memref<800x32xf32, #tpu.memory_space<hbm>>) target_semaphore(%arg14 : memref<!tpu.dma_semaphore, #tpu.memory_space<semaphore_mem>>)
    %dma_wait3A_552 = arith.constant 0 : i32
    %dma_wait3A_553 = tpu.memref_slice %arg4[%add3A_547, %dma_wait3A_552] : memref<819200x32xf32, #tpu.memory_space<hbm>> -> memref<800x32xf32, #tpu.memory_space<hbm>>
    %dma_wait3A_554 = arith.constant 0 : i32
    %dma_wait3A_555 = tpu.memref_slice %arg4[%add3A_547, %dma_wait3A_554] : memref<819200x32xf32, #tpu.memory_space<hbm>> -> memref<800x32xf32, #tpu.memory_space<hbm>>
    tpu.wait_dma2 semaphore(%arg14 : memref<!tpu.dma_semaphore, #tpu.memory_space<semaphore_mem>>) src(%arg8 : memref<800x32xf32, #tpu.memory_space<vmem>>) dst(%dma_wait3A_555 : memref<800x32xf32, #tpu.memory_space<hbm>>)
    %dma_start3A_556 = arith.constant 24000 : i32
    %dma_start3A_557 = tpu.memref_slice %arg5[%dma_start3A_556] : memref<25600xi32, #tpu.memory_space<vmem>> -> memref<800xi32, #tpu.memory_space<vmem>>
    %dma_start3A_558 = arith.constant 0 : i32
    %dma_start3A_559 = arith.constant 0 : i32
    %dma_start3A_560 = tpu.memref_slice %arg3[%dma_start3A_558, %dma_start3A_559] : memref<1000000x32xf32, #tpu.memory_space<hbm>> -> memref<1000000x32xf32, #tpu.memory_space<hbm>>
    tpu.enqueue_indirect_dma source(%dma_start3A_560 : memref<1000000x32xf32, #tpu.memory_space<hbm>>) target(%arg8 : memref<800x32xf32, #tpu.memory_space<vmem>>) offsets(%dma_start3A_557 : memref<800xi32, #tpu.memory_space<vmem>>) semaphore(%arg12 : memref<!tpu.dma_semaphore, #tpu.memory_space<semaphore_mem>>)
    %dma_wait3A_561 = arith.constant 21600 : i32
    %dma_wait3A_562 = tpu.memref_slice %arg5[%dma_wait3A_561] : memref<25600xi32, #tpu.memory_space<vmem>> -> memref<800xi32, #tpu.memory_space<vmem>>
    %dma_wait3A_563 = arith.constant 0 : i32
    %dma_wait3A_564 = arith.constant 0 : i32
    %dma_wait3A_565 = tpu.memref_slice %arg3[%dma_wait3A_563, %dma_wait3A_564] : memref<1000000x32xf32, #tpu.memory_space<hbm>> -> memref<1000000x32xf32, #tpu.memory_space<hbm>>
    tpu.wait_indirect_dma semaphore(%arg13 : memref<!tpu.dma_semaphore, #tpu.memory_space<semaphore_mem>>) src(%dma_wait3A_565 : memref<1000000x32xf32, #tpu.memory_space<hbm>>) dst(%arg9 : memref<800x32xf32, #tpu.memory_space<vmem>>)
    %add3A_566 = arith.constant 21600 : i32
    %add3A_567 = arith.addi %mul3A_2, %add3A_566 : i32
    %dma_start3A_568 = arith.constant 0 : i32
    %dma_start3A_569 = tpu.memref_slice %arg4[%add3A_567, %dma_start3A_568] : memref<819200x32xf32, #tpu.memory_space<hbm>> -> memref<800x32xf32, #tpu.memory_space<hbm>>
    %dma_start3A_570 = arith.constant 0 : i32
    %dma_start3A_571 = tpu.memref_slice %arg4[%add3A_567, %dma_start3A_570] : memref<819200x32xf32, #tpu.memory_space<hbm>> -> memref<800x32xf32, #tpu.memory_space<hbm>>
    tpu.enqueue_dma source(%arg9 : memref<800x32xf32, #tpu.memory_space<vmem>>) target(%dma_start3A_571 : memref<800x32xf32, #tpu.memory_space<hbm>>) target_semaphore(%arg14 : memref<!tpu.dma_semaphore, #tpu.memory_space<semaphore_mem>>)
    %dma_wait3A_572 = arith.constant 0 : i32
    %dma_wait3A_573 = tpu.memref_slice %arg4[%add3A_567, %dma_wait3A_572] : memref<819200x32xf32, #tpu.memory_space<hbm>> -> memref<800x32xf32, #tpu.memory_space<hbm>>
    %dma_wait3A_574 = arith.constant 0 : i32
    %dma_wait3A_575 = tpu.memref_slice %arg4[%add3A_567, %dma_wait3A_574] : memref<819200x32xf32, #tpu.memory_space<hbm>> -> memref<800x32xf32, #tpu.memory_space<hbm>>
    tpu.wait_dma2 semaphore(%arg14 : memref<!tpu.dma_semaphore, #tpu.memory_space<semaphore_mem>>) src(%arg9 : memref<800x32xf32, #tpu.memory_space<vmem>>) dst(%dma_wait3A_575 : memref<800x32xf32, #tpu.memory_space<hbm>>)
    %dma_start3A_576 = arith.constant 24800 : i32
    %dma_start3A_577 = tpu.memref_slice %arg5[%dma_start3A_576] : memref<25600xi32, #tpu.memory_space<vmem>> -> memref<800xi32, #tpu.memory_space<vmem>>
    %dma_start3A_578 = arith.constant 0 : i32
    %dma_start3A_579 = arith.constant 0 : i32
    %dma_start3A_580 = tpu.memref_slice %arg3[%dma_start3A_578, %dma_start3A_579] : memref<1000000x32xf32, #tpu.memory_space<hbm>> -> memref<1000000x32xf32, #tpu.memory_space<hbm>>
    tpu.enqueue_indirect_dma source(%dma_start3A_580 : memref<1000000x32xf32, #tpu.memory_space<hbm>>) target(%arg9 : memref<800x32xf32, #tpu.memory_space<vmem>>) offsets(%dma_start3A_577 : memref<800xi32, #tpu.memory_space<vmem>>) semaphore(%arg13 : memref<!tpu.dma_semaphore, #tpu.memory_space<semaphore_mem>>)
    %dma_wait3A_581 = arith.constant 22400 : i32
    %dma_wait3A_582 = tpu.memref_slice %arg5[%dma_wait3A_581] : memref<25600xi32, #tpu.memory_space<vmem>> -> memref<800xi32, #tpu.memory_space<vmem>>
    %dma_wait3A_583 = arith.constant 0 : i32
    %dma_wait3A_584 = arith.constant 0 : i32
    %dma_wait3A_585 = tpu.memref_slice %arg3[%dma_wait3A_583, %dma_wait3A_584] : memref<1000000x32xf32, #tpu.memory_space<hbm>> -> memref<1000000x32xf32, #tpu.memory_space<hbm>>
    tpu.wait_indirect_dma semaphore(%arg10 : memref<!tpu.dma_semaphore, #tpu.memory_space<semaphore_mem>>) src(%dma_wait3A_585 : memref<1000000x32xf32, #tpu.memory_space<hbm>>) dst(%arg6 : memref<800x32xf32, #tpu.memory_space<vmem>>)
    %add3A_586 = arith.constant 22400 : i32
    %add3A_587 = arith.addi %mul3A_2, %add3A_586 : i32
    %dma_start3A_588 = arith.constant 0 : i32
    %dma_start3A_589 = tpu.memref_slice %arg4[%add3A_587, %dma_start3A_588] : memref<819200x32xf32, #tpu.memory_space<hbm>> -> memref<800x32xf32, #tpu.memory_space<hbm>>
    %dma_start3A_590 = arith.constant 0 : i32
    %dma_start3A_591 = tpu.memref_slice %arg4[%add3A_587, %dma_start3A_590] : memref<819200x32xf32, #tpu.memory_space<hbm>> -> memref<800x32xf32, #tpu.memory_space<hbm>>
    tpu.enqueue_dma source(%arg6 : memref<800x32xf32, #tpu.memory_space<vmem>>) target(%dma_start3A_591 : memref<800x32xf32, #tpu.memory_space<hbm>>) target_semaphore(%arg14 : memref<!tpu.dma_semaphore, #tpu.memory_space<semaphore_mem>>)
    %dma_wait3A_592 = arith.constant 0 : i32
    %dma_wait3A_593 = tpu.memref_slice %arg4[%add3A_587, %dma_wait3A_592] : memref<819200x32xf32, #tpu.memory_space<hbm>> -> memref<800x32xf32, #tpu.memory_space<hbm>>
    %dma_wait3A_594 = arith.constant 0 : i32
    %dma_wait3A_595 = tpu.memref_slice %arg4[%add3A_587, %dma_wait3A_594] : memref<819200x32xf32, #tpu.memory_space<hbm>> -> memref<800x32xf32, #tpu.memory_space<hbm>>
    tpu.wait_dma2 semaphore(%arg14 : memref<!tpu.dma_semaphore, #tpu.memory_space<semaphore_mem>>) src(%arg6 : memref<800x32xf32, #tpu.memory_space<vmem>>) dst(%dma_wait3A_595 : memref<800x32xf32, #tpu.memory_space<hbm>>)
    %dma_wait3A_596 = arith.constant 23200 : i32
    %dma_wait3A_597 = tpu.memref_slice %arg5[%dma_wait3A_596] : memref<25600xi32, #tpu.memory_space<vmem>> -> memref<800xi32, #tpu.memory_space<vmem>>
    %dma_wait3A_598 = arith.constant 0 : i32
    %dma_wait3A_599 = arith.constant 0 : i32
    %dma_wait3A_600 = tpu.memref_slice %arg3[%dma_wait3A_598, %dma_wait3A_599] : memref<1000000x32xf32, #tpu.memory_space<hbm>> -> memref<1000000x32xf32, #tpu.memory_space<hbm>>
    tpu.wait_indirect_dma semaphore(%arg11 : memref<!tpu.dma_semaphore, #tpu.memory_space<semaphore_mem>>) src(%dma_wait3A_600 : memref<1000000x32xf32, #tpu.memory_space<hbm>>) dst(%arg7 : memref<800x32xf32, #tpu.memory_space<vmem>>)
    %add3A_601 = arith.constant 23200 : i32
    %add3A_602 = arith.addi %mul3A_2, %add3A_601 : i32
    %dma_start3A_603 = arith.constant 0 : i32
    %dma_start3A_604 = tpu.memref_slice %arg4[%add3A_602, %dma_start3A_603] : memref<819200x32xf32, #tpu.memory_space<hbm>> -> memref<800x32xf32, #tpu.memory_space<hbm>>
    %dma_start3A_605 = arith.constant 0 : i32
    %dma_start3A_606 = tpu.memref_slice %arg4[%add3A_602, %dma_start3A_605] : memref<819200x32xf32, #tpu.memory_space<hbm>> -> memref<800x32xf32, #tpu.memory_space<hbm>>
    tpu.enqueue_dma source(%arg7 : memref<800x32xf32, #tpu.memory_space<vmem>>) target(%dma_start3A_606 : memref<800x32xf32, #tpu.memory_space<hbm>>) target_semaphore(%arg14 : memref<!tpu.dma_semaphore, #tpu.memory_space<semaphore_mem>>)
    %dma_wait3A_607 = arith.constant 0 : i32
    %dma_wait3A_608 = tpu.memref_slice %arg4[%add3A_602, %dma_wait3A_607] : memref<819200x32xf32, #tpu.memory_space<hbm>> -> memref<800x32xf32, #tpu.memory_space<hbm>>
    %dma_wait3A_609 = arith.constant 0 : i32
    %dma_wait3A_610 = tpu.memref_slice %arg4[%add3A_602, %dma_wait3A_609] : memref<819200x32xf32, #tpu.memory_space<hbm>> -> memref<800x32xf32, #tpu.memory_space<hbm>>
    tpu.wait_dma2 semaphore(%arg14 : memref<!tpu.dma_semaphore, #tpu.memory_space<semaphore_mem>>) src(%arg7 : memref<800x32xf32, #tpu.memory_space<vmem>>) dst(%dma_wait3A_610 : memref<800x32xf32, #tpu.memory_space<hbm>>)
    %dma_wait3A_611 = arith.constant 24000 : i32
    %dma_wait3A_612 = tpu.memref_slice %arg5[%dma_wait3A_611] : memref<25600xi32, #tpu.memory_space<vmem>> -> memref<800xi32, #tpu.memory_space<vmem>>
    %dma_wait3A_613 = arith.constant 0 : i32
    %dma_wait3A_614 = arith.constant 0 : i32
    %dma_wait3A_615 = tpu.memref_slice %arg3[%dma_wait3A_613, %dma_wait3A_614] : memref<1000000x32xf32, #tpu.memory_space<hbm>> -> memref<1000000x32xf32, #tpu.memory_space<hbm>>
    tpu.wait_indirect_dma semaphore(%arg12 : memref<!tpu.dma_semaphore, #tpu.memory_space<semaphore_mem>>) src(%dma_wait3A_615 : memref<1000000x32xf32, #tpu.memory_space<hbm>>) dst(%arg8 : memref<800x32xf32, #tpu.memory_space<vmem>>)
    %add3A_616 = arith.constant 24000 : i32
    %add3A_617 = arith.addi %mul3A_2, %add3A_616 : i32
    %dma_start3A_618 = arith.constant 0 : i32
    %dma_start3A_619 = tpu.memref_slice %arg4[%add3A_617, %dma_start3A_618] : memref<819200x32xf32, #tpu.memory_space<hbm>> -> memref<800x32xf32, #tpu.memory_space<hbm>>
    %dma_start3A_620 = arith.constant 0 : i32
    %dma_start3A_621 = tpu.memref_slice %arg4[%add3A_617, %dma_start3A_620] : memref<819200x32xf32, #tpu.memory_space<hbm>> -> memref<800x32xf32, #tpu.memory_space<hbm>>
    tpu.enqueue_dma source(%arg8 : memref<800x32xf32, #tpu.memory_space<vmem>>) target(%dma_start3A_621 : memref<800x32xf32, #tpu.memory_space<hbm>>) target_semaphore(%arg14 : memref<!tpu.dma_semaphore, #tpu.memory_space<semaphore_mem>>)
    %dma_wait3A_622 = arith.constant 0 : i32
    %dma_wait3A_623 = tpu.memref_slice %arg4[%add3A_617, %dma_wait3A_622] : memref<819200x32xf32, #tpu.memory_space<hbm>> -> memref<800x32xf32, #tpu.memory_space<hbm>>
    %dma_wait3A_624 = arith.constant 0 : i32
    %dma_wait3A_625 = tpu.memref_slice %arg4[%add3A_617, %dma_wait3A_624] : memref<819200x32xf32, #tpu.memory_space<hbm>> -> memref<800x32xf32, #tpu.memory_space<hbm>>
    tpu.wait_dma2 semaphore(%arg14 : memref<!tpu.dma_semaphore, #tpu.memory_space<semaphore_mem>>) src(%arg8 : memref<800x32xf32, #tpu.memory_space<vmem>>) dst(%dma_wait3A_625 : memref<800x32xf32, #tpu.memory_space<hbm>>)
    %dma_wait3A_626 = arith.constant 24800 : i32
    %dma_wait3A_627 = tpu.memref_slice %arg5[%dma_wait3A_626] : memref<25600xi32, #tpu.memory_space<vmem>> -> memref<800xi32, #tpu.memory_space<vmem>>
    %dma_wait3A_628 = arith.constant 0 : i32
    %dma_wait3A_629 = arith.constant 0 : i32
    %dma_wait3A_630 = tpu.memref_slice %arg3[%dma_wait3A_628, %dma_wait3A_629] : memref<1000000x32xf32, #tpu.memory_space<hbm>> -> memref<1000000x32xf32, #tpu.memory_space<hbm>>
    tpu.wait_indirect_dma semaphore(%arg13 : memref<!tpu.dma_semaphore, #tpu.memory_space<semaphore_mem>>) src(%dma_wait3A_630 : memref<1000000x32xf32, #tpu.memory_space<hbm>>) dst(%arg9 : memref<800x32xf32, #tpu.memory_space<vmem>>)
    %add3A_631 = arith.constant 24800 : i32
    %add3A_632 = arith.addi %mul3A_2, %add3A_631 : i32
    %dma_start3A_633 = arith.constant 0 : i32
    %dma_start3A_634 = tpu.memref_slice %arg4[%add3A_632, %dma_start3A_633] : memref<819200x32xf32, #tpu.memory_space<hbm>> -> memref<800x32xf32, #tpu.memory_space<hbm>>
    %dma_start3A_635 = arith.constant 0 : i32
    %dma_start3A_636 = tpu.memref_slice %arg4[%add3A_632, %dma_start3A_635] : memref<819200x32xf32, #tpu.memory_space<hbm>> -> memref<800x32xf32, #tpu.memory_space<hbm>>
    tpu.enqueue_dma source(%arg9 : memref<800x32xf32, #tpu.memory_space<vmem>>) target(%dma_start3A_636 : memref<800x32xf32, #tpu.memory_space<hbm>>) target_semaphore(%arg14 : memref<!tpu.dma_semaphore, #tpu.memory_space<semaphore_mem>>)
    %dma_wait3A_637 = arith.constant 0 : i32
    %dma_wait3A_638 = tpu.memref_slice %arg4[%add3A_632, %dma_wait3A_637] : memref<819200x32xf32, #tpu.memory_space<hbm>> -> memref<800x32xf32, #tpu.memory_space<hbm>>
    %dma_wait3A_639 = arith.constant 0 : i32
    %dma_wait3A_640 = tpu.memref_slice %arg4[%add3A_632, %dma_wait3A_639] : memref<819200x32xf32, #tpu.memory_space<hbm>> -> memref<800x32xf32, #tpu.memory_space<hbm>>
    tpu.wait_dma2 semaphore(%arg14 : memref<!tpu.dma_semaphore, #tpu.memory_space<semaphore_mem>>) src(%arg9 : memref<800x32xf32, #tpu.memory_space<vmem>>) dst(%dma_wait3A_640 : memref<800x32xf32, #tpu.memory_space<hbm>>)
    return
  }
}

</mosaic_0001>

<sc_bundles>
// kernel: kernel.3.cloned.1.call-start
scs
__scs_entry_jumppad:
0x0: {  	(pc) =	sbr.rel $0x88, $3  }
0x1: {  	(tag) =	ssettag $0x0;
	lr =	simm.s32 $0x1  }
0x2: {  	[smem:$0x3F9F] =	sst lr;
	_ =	strace $0xD0000000  }
0x3: {  	_ = 	snop  }
0x4: {  	_ = 	snop  }
0x5: {  	_ = 	snop  }
0x6: {  	_ = 	snop  }
0x7: {  	_ = 	snop  }
__scs_overlays_trampoline_lowered:
0x8: {  	[smem:$0x3FAE] =	sst s0  }
0x9: {  	[smem:$0x3FAF] =	sst s1  }
0xa: {  	[smem:$0x3FB0] =	sst s2  }
0xb: {  	[smem:$0x3FB1] =	sst s3  }
0xc: {  	[smem:$0x3FB2] =	sst s4  }
0xd: {  	[smem:$0x3FB3] =	sst s5  }
0xe: {  	[smem:$0x3FB4] =	sst s6  }
0xf: {  	[smem:$0x3FB5] =	sst s7  }
0x10: {  	[smem:$0x3FB6] =	sst s8  }
0x11: {  	[smem:$0x3FB7] =	sst s9;
	s0 =	simm.s32 @!p0 $0x0  }
0x12: {  	s1 =	sld [smem:$0x3F9D];
	s0 =	simm.s32 @p0 $0x1  }
0x13: {  	[smem:$0x3FB8] =	sst s0;
	s0 =	simm.s32 @!p1 $0x0  }
0x14: {  	s2 =	sld [smem:$0x3F9C];
	s0 =	simm.s32 @p1 $0x1  }
0x15: {  	[smem:$0x3FB9] =	sst s0;
	s0 =	simm.s32 @!p2 $0x0  }
0x16: {  	s3 =	sld [smem:$0x3FDB];
	s0 =	simm.s32 @p2 $0x1  }
0x17: {  	s4 =	simm.s32 $0x1BF5;
	[smem:$0x3FBB] =	sst s0  }
0x18: {  	s0 =	sld [smem:$0x3F9E];
	_ =	swait.ge [sflag:s4], $0x0  }
0x19: {  	s7 =	sld [smem:$0x3F9F]  }
0x1a: {  	s8 =	sadd.s32 $0xFFFFE003, lr  }
0x1b: {  	s9 =	sadd.s32 $0xFFFFFEF7, lr;
	s5 =	simm.s32 $0xFFFFFFFF;
	p2 =	slt.u32 s8, $0xFFFFF086  }
0x1c: {  	p1 =	slt.u32 s9, $0xF7A;
	s5 =	simm.s32 @!p2 $0x0  }
0x1d: {  	s5 =	simm.s32 @p1 $0x1;
	p0 =	seq.s32 s7, s2  }
0x1e: {  	s7 =	smul.u32 @!p0 $0xF7A, s2;
	p2 =	seq.s32 @!p0 s5, $0x0  }
0x1f: {  	s9 =	smul.u32 $0xF7A, s1;
	s8 =	simm.s32 @!p0 $0x1BF5;
	p2 =	por !p2, p0  }
0x20: {  	[sflag:s8] =	ssyncset.s32 @!p0 $0xFFFFF086;
	s6 =	sadd.s32 @!p0 s3, s7;
	s7 =	simm.s32 @!p0 $0x108  }
0x21: {  	s3 =	sadd.s32 s3, s9;
	s6 =	sadd.s32 @!p0 $0x88, s6;
	s7 =	simm.s32 @p2 $0x1082  }
0x22: {  	[simem:s7], [sflag:s8] =	dma.local @!p0 [hbm:s6], $0xF7A  }
0x23: {  	s9 =	sor.u32 $0xD0000000, s2;
	s6 =	simm.s32 $0x108;
	_ =	swait.ge @!p0 [sflag:s8], $0x0  }
0x24: {  	s3 =	sadd.s32 $0x88, s3;
	s6 =	simm.s32 @!p1 $0x1082;
	[sflag:s4] =	ssyncset.s32 $0xFFFFF086  }
0x25: {  	[simem:s6], [sflag:s4] =	dma.local [hbm:s3], $0xF7A  }
0x26: {  	[smem:$0x3F9F] =	sst s1;
	(tag) =	ssettag s2;
	_ =	strace s9  }
0x27: {  	s1 =	sld [smem:$0x3FAF]  }
0x28: {  	s2 =	sld [smem:$0x3FB0]  }
0x29: {  	s4 =	sld [smem:$0x3FB2]  }
0x2a: {  	p0 =	seq.s32 s5, $0x0;
	s5 =	sld [smem:$0x3FB3]  }
0x2b: {  	s6 =	sld [smem:$0x3FB4]  }
0x2c: {  	s7 =	sld [smem:$0x3FB5]  }
0x2d: {  	s3 =	simm.s32 $0x108;
	s8 =	sld [smem:$0x3FB6]  }
0x2e: {  	s3 =	simm.s32 @!p0 $0x1082;
	s9 =	sld [smem:$0x3FB7]  }
0x2f: {  	lr =	sadd.s32 s0, s3;
	s0 =	sld [smem:$0x3FAE]  }
0x30: {  	s3 =	sld [smem:$0x3FB1]  }
0x31: {  	[smem:$0x3FBA] =	sst s10  }
0x32: {  	s10 =	sld [smem:$0x3FB8];
	_ =	sdelay $0x3  }
0x33: {  	p0 =	seq.s32 s10, $0x1;
	s10 =	sld [smem:$0x3FBA];
	_ =	sdelay $0x3  }
0x34: {  	[smem:$0x3FBA] =	sst s10  }
0x35: {  	s10 =	sld [smem:$0x3FB9];
	_ =	sdelay $0x3  }
0x36: {  	p1 =	seq.s32 s10, $0x1;
	s10 =	sld [smem:$0x3FBA];
	_ =	sdelay $0x3  }
0x37: {  	[smem:$0x3FBA] =	sst s10  }
0x38: {  	s10 =	sld [smem:$0x3FBB]  }
0x39: {  	_ = 	snop;
	(pc) =	sbr.ind lr, $3  }
0x3a: {  	_ = 	snop  }
0x3b: {  	_ = 	snop  }
0x3c: {  	p2 =	seq.s32 s10, $0x1;
	s10 =	sld [smem:$0x3FBA]  }
0x3d: {  	_ =	shalt  }
0x3e: {  	_ =	shalt  }
0x3f: {  	_ =	shalt  }
0x40: {  	_ =	shalt  }
0x41: {  	_ =	shalt  }
0x42: {  	_ =	shalt  }
0x43: {  	_ =	shalt  }
0x44: {  	_ =	shalt  }
0x45: {  	_ =	shalt  }
0x46: {  	_ =	shalt  }
0x47: {  	_ =	shalt  }
0x48: {  	_ =	shalt  }
0x49: {  	_ =	shalt  }
0x4a: {  	_ =	shalt  }
0x4b: {  	_ =	shalt  }
0x4c: {  	_ =	shalt  }
0x4d: {  	_ =	shalt  }
0x4e: {  	_ =	shalt  }
0x4f: {  	_ =	shalt  }
0x50: {  	_ =	shalt  }
0x51: {  	_ =	shalt  }
0x52: {  	_ =	shalt  }
0x53: {  	_ =	shalt  }
0x54: {  	_ =	shalt  }
0x55: {  	_ =	shalt  }
0x56: {  	_ =	shalt  }
0x57: {  	_ =	shalt  }
0x58: {  	_ =	shalt  }
0x59: {  	_ =	shalt  }
0x5a: {  	_ =	shalt  }
0x5b: {  	_ =	shalt  }
0x5c: {  	_ =	shalt  }
0x5d: {  	_ =	shalt  }
0x5e: {  	_ =	shalt  }
0x5f: {  	_ =	shalt  }
0x60: {  	_ =	shalt  }
0x61: {  	_ =	shalt  }
0x62: {  	_ =	shalt  }
0x63: {  	_ =	shalt  }
0x64: {  	_ =	shalt  }
0x65: {  	_ =	shalt  }
0x66: {  	_ =	shalt  }
0x67: {  	_ =	shalt  }
0x68: {  	_ =	shalt  }
0x69: {  	_ =	shalt  }
0x6a: {  	_ =	shalt  }
0x6b: {  	_ =	shalt  }
0x6c: {  	_ =	shalt  }
0x6d: {  	_ =	shalt  }
0x6e: {  	_ =	shalt  }
0x6f: {  	_ =	shalt  }
0x70: {  	_ =	shalt  }
0x71: {  	_ =	shalt  }
0x72: {  	_ =	shalt  }
0x73: {  	_ =	shalt  }
0x74: {  	_ =	shalt  }
0x75: {  	_ =	shalt  }
0x76: {  	_ =	shalt  }
0x77: {  	_ =	shalt  }
0x78: {  	_ =	shalt  }
0x79: {  	_ =	shalt  }
0x7a: {  	_ =	shalt  }
0x7b: {  	_ =	shalt  }
0x7c: {  	_ =	shalt  }
0x7d: {  	_ =	shalt  }
0x7e: {  	_ =	shalt  }
0x7f: {  	_ =	shalt  }
0x80: {  	_ =	shalt  }
0x81: {  	_ =	shalt  }
0x82: {  	_ =	shalt  }
0x83: {  	_ =	shalt  }
0x84: {  	_ =	shalt  }
0x85: {  	_ =	shalt  }
0x86: {  	_ =	shalt  }
0x87: {  	_ =	shalt  }
.Lfunc_end0:
.L_simem_size_0:
called_computation.2_lowered:
.L_overlay_start_0:
0x88: {  	s2 =	sld [smem:$0x3FD9]  }
0x89: {  	s3 =	sld [smem:$0x3FFE];
	_ =	sdelay $0x1  }
0x8a: {  	s1 =	srdreg.scid  }
0x8b: {  	s0 =	sand.u32 $0x1, s1  }
0x8c: {  	s17 =	sshll.u32 s0, $0xA;
	s2 =	sadd.s32 s3, s2  }
0x8d: {  	s2 =	sadd.s32 s2, s17  }
0x8e: {  	[smem:$0x3FC6] =	sst s2  }
0x8f: {  	_ = 	snop  }
0x90: {  	s2 =	sld [smem:$0x3FD0];
	(tm) =	ssettm $0x1  }
0x91: {  	s18 =	sld [smem:$0x3FFB];
	_ =	sdelay $0x3  }
0x92: {  	_ =	strace s18  }
0x93: {  	s3 =	sld [smem:$0x3FFC];
	_ =	sdelay $0x3  }
0x94: {  	_ =	strace s3  }
0x95: {  	s3 =	sld [smem:$0x3FFD];
	_ =	sdelay $0x3  }
0x96: {  	_ =	strace s3  }
0x97: {  	_ =	strace $0x8FFFFFFF  }
0x98: {  	s19 =	sld [smem:$0x3FDB];
	_ =	sdelay $0x1  }
0x99: {  	s4 =	simm.s32 $_scs_section_size  }
0x9a: {  	s5 =	simm.s32 $_size__tile_overlayer_lowered;
	s6 =	simm.s32 $_tile_overlayer_lowered  }
0x9b: {  	s22 =	simm.s32 $0x1BFF;
	s21 =	sshll.u32 s6, $0x1;
	s3 =	sadd.s32 s4, s19  }
0x9c: {  	s7 =	simm.s32 $0x0;
	s20 =	sshll.u32 s5, $0x1;
	s5 =	sadd.s32 s21, s3  }
0x9d: {  	[timem:s7], [sflag:s22] =	dma.local [hbm:s5], s20  }
0x9e: {  	_ =	swait.ge [sflag:s22], s20  }
0x9f: {  	s4 =	ssub.s32 $0x0, s20;
	[sflag:s22] =	ssyncset.done $0x0  }
0xa0: {  	[sflag:s22] =	ssyncadd.s32 s4;
	_ =	sdelay $0x1  }
0xa1: {  	s23 =	simm.s32 $0x1B8B  }
0xa2: {  	_ =	swait.ge [sflag:s23], $0x1  }
0xa3: {  	[sflag:s23] =	ssyncset.done $0x0  }
0xa4: {  	s25 =	simm.s32 $0x1B8E;
	s24 =	sld [smem:$0x3FFE];
	[sflag:s23] =	ssyncadd.s32 $0xFFFFFFFF  }
0xa5: {  	s26 =	simm.s32 $execute0_lowered;
	[smem:$0x3FD2] =	sst s25  }
0xa6: {  	s5 =	sshll.u32 s26, $0x1;
	_ =	strace $0x80000046;
	[dreg:$0x1] =	wrdreg $0xFFFFFFFF  }
0xa7: {  	s28 =	simm.s32 $_size_execute0_lowered;
	s3 =	sadd.s32 s3, s5;
	[dreg:$0x0] =	wrdreg $0x0  }
0xa8: {  	s5 =	sshll.u32 s28, $0x1;
	[dreg:$0x2] =	wrdreg s3  }
0xa9: {  	[dreg:$0x3] =	wrdreg s5  }
0xaa: {  	[dreg:$0x4] =	wrdreg $0xC0  }
0xab: {  	_ =	task [dreg:s7], $0x5FFFF  }
0xac: {  	[dreg:$0x1] =	wrdreg $0xFFFFFFFF  }
0xad: {  	[dreg:$0x0] =	wrdreg $0x60  }
0xae: {  	[dreg:$0x2] =	wrdreg s24  }
0xaf: {  	[dreg:$0x3] =	wrdreg s2  }
0xb0: {  	[dreg:$0x4] =	wrdreg $0x9  }
0xb1: {  	_ =	task.clear_ibuf [dreg:s7], $0x5FFFF;
	_ =	strace $0x90000046  }
0xb2: {  	s29 =	simm.s32 $0x9;
	_ =	strace $0x80000048  }
0xb3: {  	_ =	swait.ge [sflag:s29], $0x1  }
0xb4: {  	[sflag:s29] =	ssyncadd.s32 $0xFFFFFFFF  }
0xb5: {  	_ =	strace $0x90000048  }
0xb6: {  	_ =	sfence  }
0xb7: {  	s30 =	sld [smem:$0x0];
	_ =	sdelay $0x2  }
0xb8: {  	s31 =	sshll.u32 s1, $0xD;
	s1 =	sshrl.u32 s1, $0x2  }
0xb9: {  	s3 =	sand.u32 $0x4000, s31;
	s1 =	sadd.s32 s1, s30  }
0xba: {  	s0 =	sor.u32 s3, s0;
	s1 =	sshll.u32 s1, $0x11  }
0xbb: {  	s0 =	sor.u32 s1, s0  }
0xbc: {  	s0 =	sadd.s32 $0x8F2B, s0  }
0xbd: {  	[sflag:s0] =	ssyncadd.remote.s32 $0x1  }
0xbe: {  	_ =	sfence.sel $0xFFFF  }
0xbf: {  	[dreg:$0x0] =	wrdreg $0xFFFFFFFF;
	(pc) =	sbr.abs _section_cstart, $3  }
0xc0: {  	[dreg:$0x1] =	wrdreg $0xFFFFFFFF  }
0xc1: {  	_ =	task.clear_ibuf [dreg:s7], $0x2FFFF;
	_ =	strace $0x9FFFFFFF  }
0xc2: {  	(tm) =	ssettm $0x7FFFFFFF  }
0xc3: {  	_ =	shalt  }
tec
execute0_lowered:
.L_overlay_start_1:
0x0: {  	(tag) =	ssettag $0x1  }
0x1: {  	s0 =	srdreg.scid;
	s14 =	stileid.u32  }
0x2: {  	s1 =	sand.u32 $0x1, s0;
	s23 =	sshll.u32 s14, $0x1  }
0x3: {  	s0 =	sor.u32 s1, s23  }
0x4: {  	s5 =	smul.u32 $0xC80, s0  }
0x5: {  	s3 =	rddreg [dreg:$0x0];
	s2 =	simm.s32 $0x0;
	s6 =	smul.u32 $0x19000, s0  }
0x6: {  	[smem:$0x7FF] =	sst s2;
	s0 =	smul.u32 $0xC8000, s0  }
0x7: {  	s4 =	rddreg [dreg:$0x1];
	_ =	strace $0x80000047;
	s5 =	sadd.s32 s5, s3  }
0x8: {  	s30 =	sadd.s32 s4, s6;
	s0 =	sshrl.u32 s0, $0x3;
	s5 =	sadd.s32 $0xE00, s5  }
0x9: {  	s24 =	sadd.s32 $0xC80, s30;
	s0 =	sadd.s32 s4, s0;
	[dreg:$0x3] =	wrdreg s5  }
0xa: {  	[dreg:$0x4] =	wrdreg s24;
	s4 =	sadd.s32 $0x1900, s0  }
0xb: {  	s25 =	sadd.s32 $0x2580, s0;
	[dreg:$0x5] =	wrdreg s4  }
0xc: {  	s26 =	sadd.s32 $0x3200, s0;
	[dreg:$0x6] =	wrdreg s25  }
0xd: {  	s5 =	sadd.s32 $0x3E80, s0;
	[dreg:$0x7] =	wrdreg s26  }
0xe: {  	s6 =	sadd.s32 $0x4B00, s0;
	[dreg:$0x8] =	wrdreg s5  }
0xf: {  	s7 =	sadd.s32 $0x5780, s0;
	[dreg:$0x9] =	wrdreg s6  }
0x10: {  	s8 =	sadd.s32 $0x6400, s0;
	[dreg:$0xa] =	wrdreg s7  }
0x11: {  	s9 =	sadd.s32 $0x7080, s0;
	[dreg:$0xb] =	wrdreg s8  }
0x12: {  	s10 =	sadd.s32 $0x7D00, s0;
	[dreg:$0xc] =	wrdreg s9  }
0x13: {  	s11 =	sadd.s32 $0x8980, s0;
	[dreg:$0xd] =	wrdreg s10  }
0x14: {  	s12 =	sadd.s32 $0x9600, s0;
	[dreg:$0xe] =	wrdreg s11  }
0x15: {  	s13 =	sadd.s32 $0xA280, s0;
	[dreg:$0xf] =	wrdreg s12  }
0x16: {  	s15 =	sadd.s32 $0xAF00, s0;
	[dreg:$0x10] =	wrdreg s13  }
0x17: {  	s16 =	sadd.s32 $0xBB80, s0;
	[dreg:$0x11] =	wrdreg s15  }
0x18: {  	s17 =	sadd.s32 $0xC800, s0;
	[dreg:$0x12] =	wrdreg s16  }
0x19: {  	s18 =	sadd.s32 $0xD480, s0;
	[dreg:$0x13] =	wrdreg s17  }
0x1a: {  	s19 =	sadd.s32 $0xE100, s0;
	[dreg:$0x14] =	wrdreg s18  }
0x1b: {  	s20 =	sadd.s32 $0xED80, s0;
	[dreg:$0x15] =	wrdreg s19  }
0x1c: {  	s21 =	sadd.s32 $0xFA00, s0;
	[dreg:$0x16] =	wrdreg s20  }
0x1d: {  	s22 =	sadd.s32 $0x10680, s0;
	[dreg:$0x17] =	wrdreg s21  }
0x1e: {  	s23 =	sadd.s32 $0x11300, s0;
	[dreg:$0x18] =	wrdreg s22  }
0x1f: {  	s24 =	sadd.s32 $0x11F80, s0;
	[dreg:$0x19] =	wrdreg s23  }
0x20: {  	[dreg:$0x1a] =	wrdreg s24;
	s25 =	sadd.s32 $0x12C00, s0  }
0x21: {  	s26 =	sadd.s32 $0x13880, s0;
	[dreg:$0x1b] =	wrdreg s25  }
0x22: {  	s5 =	sadd.s32 $0x14500, s0;
	[dreg:$0x1c] =	wrdreg s26  }
0x23: {  	s6 =	sadd.s32 $0x15180, s0;
	[dreg:$0x1d] =	wrdreg s5  }
0x24: {  	s7 =	sadd.s32 $0x15E00, s0;
	[dreg:$0x1e] =	wrdreg s6  }
0x25: {  	s31 =	simm.s32 $0x6;
	s8 =	sadd.s32 $0x16A80, s0;
	[dreg:$0x1f] =	wrdreg s7  }
0x26: {  	s29 =	simm.s32 $0x3840;
	s9 =	sadd.s32 $0x17700, s0;
	[smem:$0x7EC] =	sst s8  }
0x27: {  	s28 =	simm.s32 $0x3B60;
	s0 =	sadd.s32 $0x18380, s0;
	[smem:$0x7ED] =	sst s9  }
0x28: {  	p0 =	por $0x0, $0x0;
	s10 =	simm.s32 $0x640;
	[smem:$0x7EE] =	sst s0  }
0x29: {  	s1 =	ssub.s32 $0x2, s1;
	s11 =	simm.s32 $0x960;
	[smem:$0x7EF] =	sst s10  }
0x2a: {  	s3 =	sadd.s32 $0xF43200, s3;
	s13 =	simm.s32 $0xC80;
	[smem:$0x7F0] =	sst s11  }
0x2b: {  	s12 =	sshrl.u32 s1, $0x1;
	s15 =	simm.s32 $0xFA0;
	[smem:$0x7F1] =	sst s13  }
0x2c: {  	s16 =	simm.s32 $0x12C0;
	s17 =	simm.s32 $0x15E0;
	[smem:$0x7F2] =	sst s15  }
0x2d: {  	s18 =	simm.s32 $0x1900;
	s19 =	simm.s32 $0x1C20;
	[smem:$0x7F3] =	sst s16  }
0x2e: {  	s20 =	simm.s32 $0x1F40;
	s21 =	simm.s32 $0x2260;
	[smem:$0x7F4] =	sst s17  }
0x2f: {  	s4 =	simm.s32 $0x19000;
	s22 =	simm.s32 $0x2580;
	[smem:$0x7F5] =	sst s18  }
0x30: {  	s23 =	simm.s32 $0x28A0;
	s24 =	simm.s32 $0x2BC0;
	[smem:$0x7F6] =	sst s19  }
0x31: {  	s1 =	ssub.s32 s1, s12;
	s10 =	simm.s32 $0x320;
	[smem:$0x7F7] =	sst s20  }
0x32: {  	s8 =	simm.s32 $0x6400;
	s7 =	simm.s32 $0xC800;
	[smem:$0x7F8] =	sst s21  }
0x33: {  	s6 =	simm.s32 $0x12C00;
	s13 =	simm.s32 $0x1;
	[smem:$0x7F9] =	sst s22  }
0x34: {  	s5 =	simm.s32 $0x5;
	[smem:$0x7FA] =	sst s23;
	s12 =	simm.s32 $0x2  }
0x35: {  	[smem:$0x7FB] =	sst s24;
	s25 =	simm.s32 $0x2EE0;
	s11 =	simm.s32 $0x3  }
0x36: {  	s26 =	simm.s32 $0x3200;
	s9 =	simm.s32 $0x4;
	s1 =	smax.u32 s1, $0x1  }
0x37: {  	s24 =	simm.s32 $0x44C0;
	s23 =	simm.s32 $0x47E0;
	p1 =	sne.s32 s1, $0x1  }
.Ltmp0:
0x38: {  	s22 =	simm.s32 $0x4B00;
	s21 =	simm.s32 $0x4E20;
	(pc) =	sbr.rel @!p1 .LBB2_1-.Ltmp0, $4  }
0x39: {  	s20 =	simm.s32 $0x5140;
	s19 =	simm.s32 $0x5460;
	s0 =	rddreg [dreg:$0x3]  }
0x3a: {  	s18 =	simm.s32 $0x5780;
	s17 =	simm.s32 $0x5AA0;
	[smem:$0x7FC] =	sst s25  }
0x3b: {  	s16 =	simm.s32 $0x5DC0;
	s15 =	simm.s32 $0x60E0;
	[smem:$0x7FD] =	sst s26  }
0x3c: {  	s26 =	simm.s32 $0x3E80;
	s25 =	simm.s32 $0x41A0;
	s1 =	sadd.s32 $0xFFFFFFFF, s1  }
0x3d: {  	[tilespmem:s2], [sflag:$0x6] =	stream.linear.gather [hbm4b:s0+s2], $0x6400, $0x38;
	[tilespmem:$0x1F400] =	vst v63  }
0x3e: {  	_ =	swait.ge [sflag:s31], $0x6400  }
0x3f: {  	[sflag:s31] =	ssyncset.done $0x0  }
0x40: {  	[sflag:s31] =	ssyncadd.s32 $0xFFFF9C00  }
0x41: {  	[tilespmem:s8], [sflag:$0x1] =	stream.indirect.gather [hbm4b:s3+s10], $0x20, s2, s10, $0xb8;
	[tilespmem:$0x1F400] =	vst v63  }
0x42: {  	s0 =	sld [smem:$0x7EF]  }
0x43: {  	[tilespmem:s7], [sflag:$0x2] =	stream.indirect.gather [hbm4b:s3+s10], $0x20, s10, s10, $0xb8;
	[tilespmem:$0x1F400] =	vst v63  }
0x44: {  	s14 =	smov.u32 s1;
	s1 =	sld [smem:$0x7F0]  }
0x45: {  	[tilespmem:s6], [sflag:$0x3] =	stream.indirect.gather [hbm4b:s3+s10], $0x20, s0, s10, $0xb8;
	[tilespmem:$0x1F400] =	vst v63  }
0x46: {  	_ = 	snop  }
0x47: {  	[tilespmem:s4], [sflag:$0x4] =	stream.indirect.gather [hbm4b:s3+s10], $0x20, s1, s10, $0xb8;
	[tilespmem:$0x1F400] =	vst v63  }
0x48: {  	_ =	swait.ge [sflag:s13], $0x6400  }
0x49: {  	[sflag:s13] =	ssyncset.done $0x0  }
0x4a: {  	[sflag:s13] =	ssyncadd.s32 $0xFFFF9C00  }
0x4b: {  	[hbm4b:s30+s2] =	stream.linear.scatter [tilespmem:s8], [sflag:$0x5], $0x6400, $0x38;
	[tilespmem:$0x1F400] =	vst v63  }
0x4c: {  	_ =	swait.ge [sflag:s5], $0x6400  }
0x4d: {  	s1 =	sld [smem:$0x7F1]  }
0x4e: {  	[sflag:s5] =	ssyncset.done $0x0  }
0x4f: {  	[sflag:s5] =	ssyncadd.s32 $0xFFFF9C00  }
0x50: {  	[tilespmem:s8], [sflag:$0x1] =	stream.indirect.gather [hbm4b:s3+s10], $0x20, s1, s10, $0xb8;
	[tilespmem:$0x1F400] =	vst v63  }
0x51: {  	_ =	swait.ge [sflag:s12], $0x6400  }
0x52: {  	[sflag:s12] =	ssyncset.done $0x0  }
0x53: {  	s1 =	rddreg [dreg:$0x4];
	[sflag:s12] =	ssyncadd.s32 $0xFFFF9C00  }
0x54: {  	[hbm4b:s1+s2] =	stream.linear.scatter [tilespmem:s7], [sflag:$0x5], $0x6400, $0x38;
	[tilespmem:$0x1F400] =	vst v63  }
0x55: {  	_ =	swait.ge [sflag:s5], $0x6400  }
0x56: {  	s1 =	sld [smem:$0x7F2]  }
0x57: {  	[sflag:s5] =	ssyncset.done $0x0  }
0x58: {  	[sflag:s5] =	ssyncadd.s32 $0xFFFF9C00  }
0x59: {  	[tilespmem:s7], [sflag:$0x2] =	stream.indirect.gather [hbm4b:s3+s10], $0x20, s1, s10, $0xb8;
	[tilespmem:$0x1F400] =	vst v63  }
0x5a: {  	_ =	swait.ge [sflag:s11], $0x6400  }
0x5b: {  	[sflag:s11] =	ssyncset.done $0x0  }
0x5c: {  	s1 =	rddreg [dreg:$0x5];
	[sflag:s11] =	ssyncadd.s32 $0xFFFF9C00  }
0x5d: {  	[hbm4b:s1+s2] =	stream.linear.scatter [tilespmem:s6], [sflag:$0x5], $0x6400, $0x38;
	[tilespmem:$0x1F400] =	vst v63  }
0x5e: {  	_ =	swait.ge [sflag:s5], $0x6400  }
0x5f: {  	s1 =	sld [smem:$0x7F3]  }
0x60: {  	[sflag:s5] =	ssyncset.done $0x0  }
0x61: {  	[sflag:s5] =	ssyncadd.s32 $0xFFFF9C00  }
0x62: {  	[tilespmem:s6], [sflag:$0x3] =	stream.indirect.gather [hbm4b:s3+s10], $0x20, s1, s10, $0xb8;
	[tilespmem:$0x1F400] =	vst v63  }
0x63: {  	_ =	swait.ge [sflag:s9], $0x6400  }
0x64: {  	[sflag:s9] =	ssyncset.done $0x0  }
0x65: {  	s1 =	rddreg [dreg:$0x6];
	[sflag:s9] =	ssyncadd.s32 $0xFFFF9C00  }
0x66: {  	[hbm4b:s1+s2] =	stream.linear.scatter [tilespmem:s4], [sflag:$0x5], $0x6400, $0x38;
	[tilespmem:$0x1F400] =	vst v63  }
0x67: {  	_ =	swait.ge [sflag:s5], $0x6400  }
0x68: {  	s1 =	sld [smem:$0x7F4]  }
0x69: {  	[sflag:s5] =	ssyncset.done $0x0  }
0x6a: {  	[sflag:s5] =	ssyncadd.s32 $0xFFFF9C00  }
0x6b: {  	[tilespmem:s4], [sflag:$0x4] =	stream.indirect.gather [hbm4b:s3+s10], $0x20, s1, s10, $0xb8;
	[tilespmem:$0x1F400] =	vst v63  }
0x6c: {  	_ =	swait.ge [sflag:s13], $0x6400  }
0x6d: {  	[sflag:s13] =	ssyncset.done $0x0  }
0x6e: {  	s1 =	rddreg [dreg:$0x7];
	[sflag:s13] =	ssyncadd.s32 $0xFFFF9C00  }
0x6f: {  	[hbm4b:s1+s2] =	stream.linear.scatter [tilespmem:s8], [sflag:$0x5], $0x6400, $0x38;
	[tilespmem:$0x1F400] =	vst v63  }
0x70: {  	_ =	swait.ge [sflag:s5], $0x6400  }
0x71: {  	s1 =	sld [smem:$0x7F5]  }
0x72: {  	[sflag:s5] =	ssyncset.done $0x0  }
0x73: {  	[sflag:s5] =	ssyncadd.s32 $0xFFFF9C00  }
0x74: {  	[tilespmem:s8], [sflag:$0x1] =	stream.indirect.gather [hbm4b:s3+s10], $0x20, s1, s10, $0xb8;
	[tilespmem:$0x1F400] =	vst v63  }
0x75: {  	_ =	swait.ge [sflag:s12], $0x6400  }
0x76: {  	[sflag:s12] =	ssyncset.done $0x0  }
0x77: {  	s1 =	rddreg [dreg:$0x8];
	[sflag:s12] =	ssyncadd.s32 $0xFFFF9C00  }
0x78: {  	[hbm4b:s1+s2] =	stream.linear.scatter [tilespmem:s7], [sflag:$0x5], $0x6400, $0x38;
	[tilespmem:$0x1F400] =	vst v63  }
0x79: {  	_ =	swait.ge [sflag:s5], $0x6400  }
0x7a: {  	s1 =	sld [smem:$0x7F6]  }
0x7b: {  	[sflag:s5] =	ssyncset.done $0x0  }
0x7c: {  	[sflag:s5] =	ssyncadd.s32 $0xFFFF9C00  }
0x7d: {  	[tilespmem:s7], [sflag:$0x2] =	stream.indirect.gather [hbm4b:s3+s10], $0x20, s1, s10, $0xb8;
	[tilespmem:$0x1F400] =	vst v63  }
0x7e: {  	_ =	swait.ge [sflag:s11], $0x6400  }
0x7f: {  	[sflag:s11] =	ssyncset.done $0x0  }
0x80: {  	s1 =	rddreg [dreg:$0x9];
	[sflag:s11] =	ssyncadd.s32 $0xFFFF9C00  }
0x81: {  	[hbm4b:s1+s2] =	stream.linear.scatter [tilespmem:s6], [sflag:$0x5], $0x6400, $0x38;
	[tilespmem:$0x1F400] =	vst v63  }
0x82: {  	_ =	swait.ge [sflag:s5], $0x6400  }
0x83: {  	s1 =	sld [smem:$0x7F7]  }
0x84: {  	[sflag:s5] =	ssyncset.done $0x0  }
0x85: {  	[sflag:s5] =	ssyncadd.s32 $0xFFFF9C00  }
0x86: {  	[tilespmem:s6], [sflag:$0x3] =	stream.indirect.gather [hbm4b:s3+s10], $0x20, s1, s10, $0xb8;
	[tilespmem:$0x1F400] =	vst v63  }
0x87: {  	_ =	swait.ge [sflag:s9], $0x6400  }
0x88: {  	[sflag:s9] =	ssyncset.done $0x0  }
0x89: {  	s1 =	rddreg [dreg:$0xa];
	[sflag:s9] =	ssyncadd.s32 $0xFFFF9C00  }
0x8a: {  	[hbm4b:s1+s2] =	stream.linear.scatter [tilespmem:s4], [sflag:$0x5], $0x6400, $0x38;
	[tilespmem:$0x1F400] =	vst v63  }
0x8b: {  	_ =	swait.ge [sflag:s5], $0x6400  }
0x8c: {  	s1 =	sld [smem:$0x7F8]  }
0x8d: {  	[sflag:s5] =	ssyncset.done $0x0  }
0x8e: {  	[sflag:s5] =	ssyncadd.s32 $0xFFFF9C00  }
0x8f: {  	[tilespmem:s4], [sflag:$0x4] =	stream.indirect.gather [hbm4b:s3+s10], $0x20, s1, s10, $0xb8;
	[tilespmem:$0x1F400] =	vst v63  }
0x90: {  	_ =	swait.ge [sflag:s13], $0x6400  }
0x91: {  	[sflag:s13] =	ssyncset.done $0x0  }
0x92: {  	s1 =	rddreg [dreg:$0xb];
	[sflag:s13] =	ssyncadd.s32 $0xFFFF9C00  }
0x93: {  	[hbm4b:s1+s2] =	stream.linear.scatter [tilespmem:s8], [sflag:$0x5], $0x6400, $0x38;
	[tilespmem:$0x1F400] =	vst v63  }
0x94: {  	_ =	swait.ge [sflag:s5], $0x6400  }
0x95: {  	s1 =	sld [smem:$0x7F9]  }
0x96: {  	[sflag:s5] =	ssyncset.done $0x0  }
0x97: {  	[sflag:s5] =	ssyncadd.s32 $0xFFFF9C00  }
0x98: {  	[tilespmem:s8], [sflag:$0x1] =	stream.indirect.gather [hbm4b:s3+s10], $0x20, s1, s10, $0xb8;
	[tilespmem:$0x1F400] =	vst v63  }
0x99: {  	_ =	swait.ge [sflag:s12], $0x6400  }
0x9a: {  	[sflag:s12] =	ssyncset.done $0x0  }
0x9b: {  	s1 =	rddreg [dreg:$0xc];
	[sflag:s12] =	ssyncadd.s32 $0xFFFF9C00  }
0x9c: {  	[hbm4b:s1+s2] =	stream.linear.scatter [tilespmem:s7], [sflag:$0x5], $0x6400, $0x38;
	[tilespmem:$0x1F400] =	vst v63  }
0x9d: {  	_ =	swait.ge [sflag:s5], $0x6400  }
0x9e: {  	s1 =	sld [smem:$0x7FA]  }
0x9f: {  	[sflag:s5] =	ssyncset.done $0x0  }
0xa0: {  	[sflag:s5] =	ssyncadd.s32 $0xFFFF9C00  }
0xa1: {  	[tilespmem:s7], [sflag:$0x2] =	stream.indirect.gather [hbm4b:s3+s10], $0x20, s1, s10, $0xb8;
	[tilespmem:$0x1F400] =	vst v63  }
0xa2: {  	_ =	swait.ge [sflag:s11], $0x6400  }
0xa3: {  	[sflag:s11] =	ssyncset.done $0x0  }
0xa4: {  	s1 =	rddreg [dreg:$0xd];
	[sflag:s11] =	ssyncadd.s32 $0xFFFF9C00  }
0xa5: {  	[hbm4b:s1+s2] =	stream.linear.scatter [tilespmem:s6], [sflag:$0x5], $0x6400, $0x38;
	[tilespmem:$0x1F400] =	vst v63  }
0xa6: {  	_ =	swait.ge [sflag:s5], $0x6400  }
0xa7: {  	s1 =	sld [smem:$0x7FB]  }
0xa8: {  	[sflag:s5] =	ssyncset.done $0x0  }
0xa9: {  	[sflag:s5] =	ssyncadd.s32 $0xFFFF9C00  }
0xaa: {  	[tilespmem:s6], [sflag:$0x3] =	stream.indirect.gather [hbm4b:s3+s10], $0x20, s1, s10, $0xb8;
	[tilespmem:$0x1F400] =	vst v63  }
0xab: {  	_ =	swait.ge [sflag:s9], $0x6400  }
0xac: {  	[sflag:s9] =	ssyncset.done $0x0  }
0xad: {  	s1 =	rddreg [dreg:$0xe];
	[sflag:s9] =	ssyncadd.s32 $0xFFFF9C00  }
0xae: {  	[hbm4b:s1+s2] =	stream.linear.scatter [tilespmem:s4], [sflag:$0x5], $0x6400, $0x38;
	[tilespmem:$0x1F400] =	vst v63  }
0xaf: {  	_ =	swait.ge [sflag:s5], $0x6400  }
0xb0: {  	s1 =	sld [smem:$0x7FC]  }
0xb1: {  	[sflag:s5] =	ssyncset.done $0x0  }
0xb2: {  	[sflag:s5] =	ssyncadd.s32 $0xFFFF9C00  }
0xb3: {  	[tilespmem:s4], [sflag:$0x4] =	stream.indirect.gather [hbm4b:s3+s10], $0x20, s1, s10, $0xb8;
	[tilespmem:$0x1F400] =	vst v63  }
0xb4: {  	_ =	swait.ge [sflag:s13], $0x6400  }
0xb5: {  	[sflag:s13] =	ssyncset.done $0x0  }
0xb6: {  	s1 =	rddreg [dreg:$0xf];
	[sflag:s13] =	ssyncadd.s32 $0xFFFF9C00  }
0xb7: {  	[hbm4b:s1+s2] =	stream.linear.scatter [tilespmem:s8], [sflag:$0x5], $0x6400, $0x38;
	[tilespmem:$0x1F400] =	vst v63  }
0xb8: {  	_ =	swait.ge [sflag:s5], $0x6400  }
0xb9: {  	s1 =	sld [smem:$0x7FD]  }
0xba: {  	[sflag:s5] =	ssyncset.done $0x0  }
0xbb: {  	[sflag:s5] =	ssyncadd.s32 $0xFFFF9C00  }
0xbc: {  	[tilespmem:s8], [sflag:$0x1] =	stream.indirect.gather [hbm4b:s3+s10], $0x20, s1, s10, $0xb8;
	[tilespmem:$0x1F400] =	vst v63  }
0xbd: {  	_ =	swait.ge [sflag:s12], $0x6400  }
0xbe: {  	[sflag:s12] =	ssyncset.done $0x0  }
0xbf: {  	s1 =	rddreg [dreg:$0x10];
	[sflag:s12] =	ssyncadd.s32 $0xFFFF9C00  }
0xc0: {  	[hbm4b:s1+s2] =	stream.linear.scatter [tilespmem:s7], [sflag:$0x5], $0x6400, $0x38;
	[tilespmem:$0x1F400] =	vst v63  }
0xc1: {  	_ =	swait.ge [sflag:s5], $0x6400  }
0xc2: {  	[sflag:s5] =	ssyncset.done $0x0  }
0xc3: {  	s1 =	simm.s32 $0x3520;
	[sflag:s5] =	ssyncadd.s32 $0xFFFF9C00  }
0xc4: {  	[tilespmem:s7], [sflag:$0x2] =	stream.indirect.gather [hbm4b:s3+s10], $0x20, s1, s10, $0xb8;
	[tilespmem:$0x1F400] =	vst v63  }
0xc5: {  	_ =	swait.ge [sflag:s11], $0x6400  }
0xc6: {  	[sflag:s11] =	ssyncset.done $0x0  }
0xc7: {  	s1 =	rddreg [dreg:$0x11];
	[sflag:s11] =	ssyncadd.s32 $0xFFFF9C00  }
0xc8: {  	[hbm4b:s1+s2] =	stream.linear.scatter [tilespmem:s6], [sflag:$0x5], $0x6400, $0x38;
	[tilespmem:$0x1F400] =	vst v63  }
0xc9: {  	_ =	swait.ge [sflag:s5], $0x6400  }
0xca: {  	[sflag:s5] =	ssyncset.done $0x0  }
0xcb: {  	[sflag:s5] =	ssyncadd.s32 $0xFFFF9C00  }
0xcc: {  	[tilespmem:s6], [sflag:$0x3] =	stream.indirect.gather [hbm4b:s3+s10], $0x20, s29, s10, $0xb8;
	[tilespmem:$0x1F400] =	vst v63  }
0xcd: {  	_ =	swait.ge [sflag:s9], $0x6400  }
0xce: {  	[sflag:s9] =	ssyncset.done $0x0  }
0xcf: {  	s1 =	rddreg [dreg:$0x12];
	[sflag:s9] =	ssyncadd.s32 $0xFFFF9C00  }
0xd0: {  	[hbm4b:s1+s2] =	stream.linear.scatter [tilespmem:s4], [sflag:$0x5], $0x6400, $0x38;
	[tilespmem:$0x1F400] =	vst v63  }
0xd1: {  	_ =	swait.ge [sflag:s5], $0x6400  }
0xd2: {  	[sflag:s5] =	ssyncset.done $0x0  }
0xd3: {  	[sflag:s5] =	ssyncadd.s32 $0xFFFF9C00  }
0xd4: {  	[tilespmem:s4], [sflag:$0x4] =	stream.indirect.gather [hbm4b:s3+s10], $0x20, s28, s10, $0xb8;
	[tilespmem:$0x1F400] =	vst v63  }
0xd5: {  	_ =	swait.ge [sflag:s13], $0x6400  }
0xd6: {  	[sflag:s13] =	ssyncset.done $0x0  }
0xd7: {  	s1 =	rddreg [dreg:$0x13];
	[sflag:s13] =	ssyncadd.s32 $0xFFFF9C00  }
0xd8: {  	[hbm4b:s1+s2] =	stream.linear.scatter [tilespmem:s8], [sflag:$0x5], $0x6400, $0x38;
	[tilespmem:$0x1F400] =	vst v63  }
0xd9: {  	_ =	swait.ge [sflag:s5], $0x6400  }
0xda: {  	[sflag:s5] =	ssyncset.done $0x0  }
0xdb: {  	[sflag:s5] =	ssyncadd.s32 $0xFFFF9C00  }
0xdc: {  	[tilespmem:s8], [sflag:$0x1] =	stream.indirect.gather [hbm4b:s3+s10], $0x20, s26, s10, $0xb8;
	[tilespmem:$0x1F400] =	vst v63  }
0xdd: {  	_ =	swait.ge [sflag:s12], $0x6400  }
0xde: {  	[sflag:s12] =	ssyncset.done $0x0  }
0xdf: {  	s1 =	rddreg [dreg:$0x14];
	[sflag:s12] =	ssyncadd.s32 $0xFFFF9C00  }
0xe0: {  	[hbm4b:s1+s2] =	stream.linear.scatter [tilespmem:s7], [sflag:$0x5], $0x6400, $0x38;
	[tilespmem:$0x1F400] =	vst v63  }
0xe1: {  	_ =	swait.ge [sflag:s5], $0x6400  }
0xe2: {  	[sflag:s5] =	ssyncset.done $0x0  }
0xe3: {  	[sflag:s5] =	ssyncadd.s32 $0xFFFF9C00  }
0xe4: {  	[tilespmem:s7], [sflag:$0x2] =	stream.indirect.gather [hbm4b:s3+s10], $0x20, s25, s10, $0xb8;
	[tilespmem:$0x1F400] =	vst v63  }
0xe5: {  	_ =	swait.ge [sflag:s11], $0x6400  }
0xe6: {  	[sflag:s11] =	ssyncset.done $0x0  }
0xe7: {  	s1 =	rddreg [dreg:$0x15];
	[sflag:s11] =	ssyncadd.s32 $0xFFFF9C00  }
0xe8: {  	[hbm4b:s1+s2] =	stream.linear.scatter [tilespmem:s6], [sflag:$0x5], $0x6400, $0x38;
	[tilespmem:$0x1F400] =	vst v63  }
0xe9: {  	_ =	swait.ge [sflag:s5], $0x6400  }
0xea: {  	[sflag:s5] =	ssyncset.done $0x0  }
0xeb: {  	[sflag:s5] =	ssyncadd.s32 $0xFFFF9C00  }
0xec: {  	[tilespmem:s6], [sflag:$0x3] =	stream.indirect.gather [hbm4b:s3+s10], $0x20, s24, s10, $0xb8;
	[tilespmem:$0x1F400] =	vst v63  }
0xed: {  	_ =	swait.ge [sflag:s9], $0x6400  }
0xee: {  	[sflag:s9] =	ssyncset.done $0x0  }
0xef: {  	s1 =	rddreg [dreg:$0x16];
	[sflag:s9] =	ssyncadd.s32 $0xFFFF9C00  }
0xf0: {  	[hbm4b:s1+s2] =	stream.linear.scatter [tilespmem:s4], [sflag:$0x5], $0x6400, $0x38;
	[tilespmem:$0x1F400] =	vst v63  }
0xf1: {  	_ =	swait.ge [sflag:s5], $0x6400  }
0xf2: {  	[sflag:s5] =	ssyncset.done $0x0  }
0xf3: {  	[sflag:s5] =	ssyncadd.s32 $0xFFFF9C00  }
0xf4: {  	[tilespmem:s4], [sflag:$0x4] =	stream.indirect.gather [hbm4b:s3+s10], $0x20, s23, s10, $0xb8;
	[tilespmem:$0x1F400] =	vst v63  }
0xf5: {  	_ =	swait.ge [sflag:s13], $0x6400  }
0xf6: {  	[sflag:s13] =	ssyncset.done $0x0  }
0xf7: {  	s1 =	rddreg [dreg:$0x17];
	[sflag:s13] =	ssyncadd.s32 $0xFFFF9C00  }
0xf8: {  	[hbm4b:s1+s2] =	stream.linear.scatter [tilespmem:s8], [sflag:$0x5], $0x6400, $0x38;
	[tilespmem:$0x1F400] =	vst v63  }
0xf9: {  	_ =	swait.ge [sflag:s5], $0x6400  }
0xfa: {  	[sflag:s5] =	ssyncset.done $0x0  }
0xfb: {  	[sflag:s5] =	ssyncadd.s32 $0xFFFF9C00  }
0xfc: {  	[tilespmem:s8], [sflag:$0x1] =	stream.indirect.gather [hbm4b:s3+s10], $0x20, s22, s10, $0xb8;
	[tilespmem:$0x1F400] =	vst v63  }
0xfd: {  	_ =	swait.ge [sflag:s12], $0x6400  }
0xfe: {  	[sflag:s12] =	ssyncset.done $0x0  }
0xff: {  	s1 =	rddreg [dreg:$0x18];
	[sflag:s12] =	ssyncadd.s32 $0xFFFF9C00  }
0x100: {  	[hbm4b:s1+s2] =	stream.linear.scatter [tilespmem:s7], [sflag:$0x5], $0x6400, $0x38;
	[tilespmem:$0x1F400] =	vst v63  }
0x101: {  	_ =	swait.ge [sflag:s5], $0x6400  }
0x102: {  	[sflag:s5] =	ssyncset.done $0x0  }
0x103: {  	[sflag:s5] =	ssyncadd.s32 $0xFFFF9C00  }
0x104: {  	[tilespmem:s7], [sflag:$0x2] =	stream.indirect.gather [hbm4b:s3+s10], $0x20, s21, s10, $0xb8;
	[tilespmem:$0x1F400] =	vst v63  }
0x105: {  	_ =	swait.ge [sflag:s11], $0x6400  }
0x106: {  	[sflag:s11] =	ssyncset.done $0x0  }
0x107: {  	s1 =	rddreg [dreg:$0x19];
	[sflag:s11] =	ssyncadd.s32 $0xFFFF9C00  }
0x108: {  	[hbm4b:s1+s2] =	stream.linear.scatter [tilespmem:s6], [sflag:$0x5], $0x6400, $0x38;
	[tilespmem:$0x1F400] =	vst v63  }
0x109: {  	_ =	swait.ge [sflag:s5], $0x6400  }
0x10a: {  	[sflag:s5] =	ssyncset.done $0x0  }
0x10b: {  	[sflag:s5] =	ssyncadd.s32 $0xFFFF9C00  }
0x10c: {  	[tilespmem:s6], [sflag:$0x3] =	stream.indirect.gather [hbm4b:s3+s10], $0x20, s20, s10, $0xb8;
	[tilespmem:$0x1F400] =	vst v63  }
0x10d: {  	_ =	swait.ge [sflag:s9], $0x6400  }
0x10e: {  	[sflag:s9] =	ssyncset.done $0x0  }
0x10f: {  	s1 =	rddreg [dreg:$0x1a];
	[sflag:s9] =	ssyncadd.s32 $0xFFFF9C00  }
0x110: {  	[hbm4b:s1+s2] =	stream.linear.scatter [tilespmem:s4], [sflag:$0x5], $0x6400, $0x38;
	[tilespmem:$0x1F400] =	vst v63  }
0x111: {  	_ =	swait.ge [sflag:s5], $0x6400  }
0x112: {  	[sflag:s5] =	ssyncset.done $0x0  }
0x113: {  	[sflag:s5] =	ssyncadd.s32 $0xFFFF9C00  }
0x114: {  	[tilespmem:s4], [sflag:$0x4] =	stream.indirect.gather [hbm4b:s3+s10], $0x20, s19, s10, $0xb8;
	[tilespmem:$0x1F400] =	vst v63  }
0x115: {  	_ =	swait.ge [sflag:s13], $0x6400  }
0x116: {  	[sflag:s13] =	ssyncset.done $0x0  }
0x117: {  	s1 =	rddreg [dreg:$0x1b];
	[sflag:s13] =	ssyncadd.s32 $0xFFFF9C00  }
0x118: {  	[hbm4b:s1+s2] =	stream.linear.scatter [tilespmem:s8], [sflag:$0x5], $0x6400, $0x38;
	[tilespmem:$0x1F400] =	vst v63  }
0x119: {  	_ =	swait.ge [sflag:s5], $0x6400  }
0x11a: {  	[sflag:s5] =	ssyncset.done $0x0  }
0x11b: {  	[sflag:s5] =	ssyncadd.s32 $0xFFFF9C00  }
0x11c: {  	[tilespmem:s8], [sflag:$0x1] =	stream.indirect.gather [hbm4b:s3+s10], $0x20, s18, s10, $0xb8;
	[tilespmem:$0x1F400] =	vst v63  }
0x11d: {  	_ =	swait.ge [sflag:s12], $0x6400  }
0x11e: {  	[sflag:s12] =	ssyncset.done $0x0  }
0x11f: {  	s1 =	rddreg [dreg:$0x1c];
	[sflag:s12] =	ssyncadd.s32 $0xFFFF9C00  }
0x120: {  	[hbm4b:s1+s2] =	stream.linear.scatter [tilespmem:s7], [sflag:$0x5], $0x6400, $0x38;
	[tilespmem:$0x1F400] =	vst v63  }
0x121: {  	_ =	swait.ge [sflag:s5], $0x6400  }
0x122: {  	[sflag:s5] =	ssyncset.done $0x0  }
0x123: {  	[sflag:s5] =	ssyncadd.s32 $0xFFFF9C00  }
0x124: {  	[tilespmem:s7], [sflag:$0x2] =	stream.indirect.gather [hbm4b:s3+s10], $0x20, s17, s10, $0xb8;
	[tilespmem:$0x1F400] =	vst v63  }
0x125: {  	_ =	swait.ge [sflag:s11], $0x6400  }
0x126: {  	[sflag:s11] =	ssyncset.done $0x0  }
0x127: {  	s1 =	rddreg [dreg:$0x1d];
	[sflag:s11] =	ssyncadd.s32 $0xFFFF9C00  }
0x128: {  	[hbm4b:s1+s2] =	stream.linear.scatter [tilespmem:s6], [sflag:$0x5], $0x6400, $0x38;
	[tilespmem:$0x1F400] =	vst v63  }
0x129: {  	_ =	swait.ge [sflag:s5], $0x6400  }
0x12a: {  	[sflag:s5] =	ssyncset.done $0x0  }
0x12b: {  	[sflag:s5] =	ssyncadd.s32 $0xFFFF9C00  }
0x12c: {  	[tilespmem:s6], [sflag:$0x3] =	stream.indirect.gather [hbm4b:s3+s10], $0x20, s16, s10, $0xb8;
	[tilespmem:$0x1F400] =	vst v63  }
0x12d: {  	_ =	swait.ge [sflag:s9], $0x6400  }
0x12e: {  	[sflag:s9] =	ssyncset.done $0x0  }
0x12f: {  	s1 =	rddreg [dreg:$0x1e];
	[sflag:s9] =	ssyncadd.s32 $0xFFFF9C00  }
0x130: {  	[hbm4b:s1+s2] =	stream.linear.scatter [tilespmem:s4], [sflag:$0x5], $0x6400, $0x38;
	[tilespmem:$0x1F400] =	vst v63  }
0x131: {  	_ =	swait.ge [sflag:s5], $0x6400  }
0x132: {  	[sflag:s5] =	ssyncset.done $0x0  }
0x133: {  	[sflag:s5] =	ssyncadd.s32 $0xFFFF9C00  }
0x134: {  	[tilespmem:s4], [sflag:$0x4] =	stream.indirect.gather [hbm4b:s3+s10], $0x20, s15, s10, $0xb8;
	[tilespmem:$0x1F400] =	vst v63  }
0x135: {  	_ =	swait.ge [sflag:s13], $0x6400  }
0x136: {  	[sflag:s13] =	ssyncset.done $0x0  }
0x137: {  	s1 =	rddreg [dreg:$0x1f];
	[sflag:s13] =	ssyncadd.s32 $0xFFFF9C00  }
0x138: {  	[hbm4b:s1+s2] =	stream.linear.scatter [tilespmem:s8], [sflag:$0x5], $0x6400, $0x38;
	[tilespmem:$0x1F400] =	vst v63  }
0x139: {  	_ =	swait.ge [sflag:s5], $0x6400  }
0x13a: {  	[sflag:s5] =	ssyncset.done $0x0  }
0x13b: {  	[sflag:s5] =	ssyncadd.s32 $0xFFFF9C00  }
0x13c: {  	_ =	swait.ge [sflag:s12], $0x6400  }
0x13d: {  	s1 =	sld [smem:$0x7EC]  }
0x13e: {  	[sflag:s12] =	ssyncset.done $0x0  }
0x13f: {  	[sflag:s12] =	ssyncadd.s32 $0xFFFF9C00  }
0x140: {  	[hbm4b:s1+s2] =	stream.linear.scatter [tilespmem:s7], [sflag:$0x5], $0x6400, $0x38;
	[tilespmem:$0x1F400] =	vst v63  }
0x141: {  	_ =	swait.ge [sflag:s5], $0x6400  }
0x142: {  	[sflag:s5] =	ssyncset.done $0x0  }
0x143: {  	[sflag:s5] =	ssyncadd.s32 $0xFFFF9C00  }
0x144: {  	_ =	swait.ge [sflag:s11], $0x6400  }
0x145: {  	s1 =	sld [smem:$0x7ED]  }
0x146: {  	[sflag:s11] =	ssyncset.done $0x0  }
0x147: {  	[sflag:s11] =	ssyncadd.s32 $0xFFFF9C00  }
0x148: {  	[hbm4b:s1+s2] =	stream.linear.scatter [tilespmem:s6], [sflag:$0x5], $0x6400, $0x38;
	[tilespmem:$0x1F400] =	vst v63  }
0x149: {  	_ =	swait.ge [sflag:s5], $0x6400  }
0x14a: {  	[sflag:s5] =	ssyncset.done $0x0  }
0x14b: {  	[sflag:s5] =	ssyncadd.s32 $0xFFFF9C00  }
0x14c: {  	_ =	swait.ge [sflag:s9], $0x6400  }
0x14d: {  	p1 =	sne.s32 s14, $0x1;
	s1 =	sld [smem:$0x7EE]  }
.Ltmp1:
0x14e: {  	[sflag:s9] =	ssyncset.done $0x0;
	(pc) =	sbr.rel @!p1 .LBB2_3-.Ltmp1, $4  }
0x14f: {  	[sflag:s9] =	ssyncadd.s32 $0xFFFF9C00  }
0x150: {  	[hbm4b:s1+s2] =	stream.linear.scatter [tilespmem:s4], [sflag:$0x5], $0x6400, $0x38;
	[tilespmem:$0x1F400] =	vst v63  }
0x151: {  	p0 =	por $0x1, $0x1;
	_ =	swait.ge [sflag:s5], $0x6400  }
0x152: {  	s1 =	sadd.s32 $0xFFFFFFFF, s14;
	s0 =	rddreg [dreg:$0x3];
	[sflag:s5] =	ssyncset.done $0x0  }
.LBB2_4:
0x153: {  	[sflag:s5] =	ssyncadd.s32 $0xFFFF9C00  }
0x154: {  	[tilespmem:s2], [sflag:$0x6] =	stream.linear.gather [hbm4b:s0+s2], $0x6400, $0x38;
	[tilespmem:$0x1F400] =	vst v63  }
0x155: {  	_ =	swait.ge [sflag:s31], $0x6400  }
0x156: {  	[sflag:s31] =	ssyncset.done $0x0  }
0x157: {  	[sflag:s31] =	ssyncadd.s32 $0xFFFF9C00  }
0x158: {  	[tilespmem:s8], [sflag:$0x1] =	stream.indirect.gather [hbm4b:s3+s10], $0x20, s2, s10, $0xb8;
	[tilespmem:$0x1F400] =	vst v63  }
0x159: {  	s0 =	sld [smem:$0x7EF]  }
0x15a: {  	[tilespmem:s7], [sflag:$0x2] =	stream.indirect.gather [hbm4b:s3+s10], $0x20, s10, s10, $0xb8;
	[tilespmem:$0x1F400] =	vst v63  }
0x15b: {  	s14 =	sld [smem:$0x7F0]  }
0x15c: {  	[tilespmem:s6], [sflag:$0x3] =	stream.indirect.gather [hbm4b:s3+s10], $0x20, s0, s10, $0xb8;
	[tilespmem:$0x1F400] =	vst v63  }
0x15d: {  	_ = 	snop  }
0x15e: {  	[tilespmem:s4], [sflag:$0x4] =	stream.indirect.gather [hbm4b:s3+s10], $0x20, s14, s10, $0xb8;
	[tilespmem:$0x1F400] =	vst v63  }
0x15f: {  	_ =	swait.ge [sflag:s13], $0x6400  }
0x160: {  	[sflag:s13] =	ssyncset.done $0x0  }
0x161: {  	[sflag:s13] =	ssyncadd.s32 $0xFFFF9C00  }
0x162: {  	[hbm4b:s30+s2] =	stream.linear.scatter [tilespmem:s8], [sflag:$0x5], $0x6400, $0x38;
	[tilespmem:$0x1F400] =	vst v63  }
0x163: {  	_ =	swait.ge [sflag:s5], $0x6400  }
0x164: {  	s14 =	sld [smem:$0x7F1]  }
0x165: {  	[sflag:s5] =	ssyncset.done $0x0  }
0x166: {  	[sflag:s5] =	ssyncadd.s32 $0xFFFF9C00  }
0x167: {  	[tilespmem:s8], [sflag:$0x1] =	stream.indirect.gather [hbm4b:s3+s10], $0x20, s14, s10, $0xb8;
	[tilespmem:$0x1F400] =	vst v63  }
0x168: {  	_ =	swait.ge [sflag:s12], $0x6400  }
0x169: {  	[sflag:s12] =	ssyncset.done $0x0  }
0x16a: {  	s14 =	rddreg [dreg:$0x4];
	[sflag:s12] =	ssyncadd.s32 $0xFFFF9C00  }
0x16b: {  	[hbm4b:s14+s2] =	stream.linear.scatter [tilespmem:s7], [sflag:$0x5], $0x6400, $0x38;
	[tilespmem:$0x1F400] =	vst v63  }
0x16c: {  	_ =	swait.ge [sflag:s5], $0x6400  }
0x16d: {  	s14 =	sld [smem:$0x7F2]  }
0x16e: {  	[sflag:s5] =	ssyncset.done $0x0  }
0x16f: {  	[sflag:s5] =	ssyncadd.s32 $0xFFFF9C00  }
0x170: {  	[tilespmem:s7], [sflag:$0x2] =	stream.indirect.gather [hbm4b:s3+s10], $0x20, s14, s10, $0xb8;
	[tilespmem:$0x1F400] =	vst v63  }
0x171: {  	_ =	swait.ge [sflag:s11], $0x6400  }
0x172: {  	[sflag:s11] =	ssyncset.done $0x0  }
0x173: {  	s14 =	rddreg [dreg:$0x5];
	[sflag:s11] =	ssyncadd.s32 $0xFFFF9C00  }
0x174: {  	[hbm4b:s14+s2] =	stream.linear.scatter [tilespmem:s6], [sflag:$0x5], $0x6400, $0x38;
	[tilespmem:$0x1F400] =	vst v63  }
0x175: {  	_ =	swait.ge [sflag:s5], $0x6400  }
0x176: {  	s14 =	sld [smem:$0x7F3]  }
0x177: {  	[sflag:s5] =	ssyncset.done $0x0  }
0x178: {  	[sflag:s5] =	ssyncadd.s32 $0xFFFF9C00  }
0x179: {  	[tilespmem:s6], [sflag:$0x3] =	stream.indirect.gather [hbm4b:s3+s10], $0x20, s14, s10, $0xb8;
	[tilespmem:$0x1F400] =	vst v63  }
0x17a: {  	_ =	swait.ge [sflag:s9], $0x6400  }
0x17b: {  	[sflag:s9] =	ssyncset.done $0x0  }
0x17c: {  	s14 =	rddreg [dreg:$0x6];
	[sflag:s9] =	ssyncadd.s32 $0xFFFF9C00  }
0x17d: {  	[hbm4b:s14+s2] =	stream.linear.scatter [tilespmem:s4], [sflag:$0x5], $0x6400, $0x38;
	[tilespmem:$0x1F400] =	vst v63  }
0x17e: {  	_ =	swait.ge [sflag:s5], $0x6400  }
0x17f: {  	s14 =	sld [smem:$0x7F4]  }
0x180: {  	[sflag:s5] =	ssyncset.done $0x0  }
0x181: {  	[sflag:s5] =	ssyncadd.s32 $0xFFFF9C00  }
0x182: {  	[tilespmem:s4], [sflag:$0x4] =	stream.indirect.gather [hbm4b:s3+s10], $0x20, s14, s10, $0xb8;
	[tilespmem:$0x1F400] =	vst v63  }
0x183: {  	_ =	swait.ge [sflag:s13], $0x6400  }
0x184: {  	[sflag:s13] =	ssyncset.done $0x0  }
0x185: {  	s14 =	rddreg [dreg:$0x7];
	[sflag:s13] =	ssyncadd.s32 $0xFFFF9C00  }
0x186: {  	[hbm4b:s14+s2] =	stream.linear.scatter [tilespmem:s8], [sflag:$0x5], $0x6400, $0x38;
	[tilespmem:$0x1F400] =	vst v63  }
0x187: {  	_ =	swait.ge [sflag:s5], $0x6400  }
0x188: {  	s14 =	sld [smem:$0x7F5]  }
0x189: {  	[sflag:s5] =	ssyncset.done $0x0  }
0x18a: {  	[sflag:s5] =	ssyncadd.s32 $0xFFFF9C00  }
0x18b: {  	[tilespmem:s8], [sflag:$0x1] =	stream.indirect.gather [hbm4b:s3+s10], $0x20, s14, s10, $0xb8;
	[tilespmem:$0x1F400] =	vst v63  }
0x18c: {  	_ =	swait.ge [sflag:s12], $0x6400  }
0x18d: {  	[sflag:s12] =	ssyncset.done $0x0  }
0x18e: {  	s14 =	rddreg [dreg:$0x8];
	[sflag:s12] =	ssyncadd.s32 $0xFFFF9C00  }
0x18f: {  	[hbm4b:s14+s2] =	stream.linear.scatter [tilespmem:s7], [sflag:$0x5], $0x6400, $0x38;
	[tilespmem:$0x1F400] =	vst v63  }
0x190: {  	_ =	swait.ge [sflag:s5], $0x6400  }
0x191: {  	s14 =	sld [smem:$0x7F6]  }
0x192: {  	[sflag:s5] =	ssyncset.done $0x0  }
0x193: {  	[sflag:s5] =	ssyncadd.s32 $0xFFFF9C00  }
0x194: {  	[tilespmem:s7], [sflag:$0x2] =	stream.indirect.gather [hbm4b:s3+s10], $0x20, s14, s10, $0xb8;
	[tilespmem:$0x1F400] =	vst v63  }
0x195: {  	_ =	swait.ge [sflag:s11], $0x6400  }
0x196: {  	[sflag:s11] =	ssyncset.done $0x0  }
0x197: {  	s14 =	rddreg [dreg:$0x9];
	[sflag:s11] =	ssyncadd.s32 $0xFFFF9C00  }
0x198: {  	[hbm4b:s14+s2] =	stream.linear.scatter [tilespmem:s6], [sflag:$0x5], $0x6400, $0x38;
	[tilespmem:$0x1F400] =	vst v63  }
0x199: {  	_ =	swait.ge [sflag:s5], $0x6400  }
0x19a: {  	s14 =	sld [smem:$0x7F7]  }
0x19b: {  	[sflag:s5] =	ssyncset.done $0x0  }
0x19c: {  	[sflag:s5] =	ssyncadd.s32 $0xFFFF9C00  }
0x19d: {  	[tilespmem:s6], [sflag:$0x3] =	stream.indirect.gather [hbm4b:s3+s10], $0x20, s14, s10, $0xb8;
	[tilespmem:$0x1F400] =	vst v63  }
0x19e: {  	_ =	swait.ge [sflag:s9], $0x6400  }
0x19f: {  	[sflag:s9] =	ssyncset.done $0x0  }
0x1a0: {  	s14 =	rddreg [dreg:$0xa];
	[sflag:s9] =	ssyncadd.s32 $0xFFFF9C00  }
0x1a1: {  	[hbm4b:s14+s2] =	stream.linear.scatter [tilespmem:s4], [sflag:$0x5], $0x6400, $0x38;
	[tilespmem:$0x1F400] =	vst v63  }
0x1a2: {  	_ =	swait.ge [sflag:s5], $0x6400  }
0x1a3: {  	s14 =	sld [smem:$0x7F8]  }
0x1a4: {  	[sflag:s5] =	ssyncset.done $0x0  }
0x1a5: {  	[sflag:s5] =	ssyncadd.s32 $0xFFFF9C00  }
0x1a6: {  	[tilespmem:s4], [sflag:$0x4] =	stream.indirect.gather [hbm4b:s3+s10], $0x20, s14, s10, $0xb8;
	[tilespmem:$0x1F400] =	vst v63  }
0x1a7: {  	_ =	swait.ge [sflag:s13], $0x6400  }
0x1a8: {  	[sflag:s13] =	ssyncset.done $0x0  }
0x1a9: {  	s14 =	rddreg [dreg:$0xb];
	[sflag:s13] =	ssyncadd.s32 $0xFFFF9C00  }
0x1aa: {  	[hbm4b:s14+s2] =	stream.linear.scatter [tilespmem:s8], [sflag:$0x5], $0x6400, $0x38;
	[tilespmem:$0x1F400] =	vst v63  }
0x1ab: {  	_ =	swait.ge [sflag:s5], $0x6400  }
0x1ac: {  	s14 =	sld [smem:$0x7F9]  }
0x1ad: {  	[sflag:s5] =	ssyncset.done $0x0  }
0x1ae: {  	[sflag:s5] =	ssyncadd.s32 $0xFFFF9C00  }
0x1af: {  	[tilespmem:s8], [sflag:$0x1] =	stream.indirect.gather [hbm4b:s3+s10], $0x20, s14, s10, $0xb8;
	[tilespmem:$0x1F400] =	vst v63  }
0x1b0: {  	_ =	swait.ge [sflag:s12], $0x6400  }
0x1b1: {  	[sflag:s12] =	ssyncset.done $0x0  }
0x1b2: {  	s14 =	rddreg [dreg:$0xc];
	[sflag:s12] =	ssyncadd.s32 $0xFFFF9C00  }
0x1b3: {  	[hbm4b:s14+s2] =	stream.linear.scatter [tilespmem:s7], [sflag:$0x5], $0x6400, $0x38;
	[tilespmem:$0x1F400] =	vst v63  }
0x1b4: {  	_ =	swait.ge [sflag:s5], $0x6400  }
0x1b5: {  	s14 =	sld [smem:$0x7FA]  }
0x1b6: {  	[sflag:s5] =	ssyncset.done $0x0  }
0x1b7: {  	[sflag:s5] =	ssyncadd.s32 $0xFFFF9C00  }
0x1b8: {  	[tilespmem:s7], [sflag:$0x2] =	stream.indirect.gather [hbm4b:s3+s10], $0x20, s14, s10, $0xb8;
	[tilespmem:$0x1F400] =	vst v63  }
0x1b9: {  	_ =	swait.ge [sflag:s11], $0x6400  }
0x1ba: {  	[sflag:s11] =	ssyncset.done $0x0  }
0x1bb: {  	s14 =	rddreg [dreg:$0xd];
	[sflag:s11] =	ssyncadd.s32 $0xFFFF9C00  }
0x1bc: {  	[hbm4b:s14+s2] =	stream.linear.scatter [tilespmem:s6], [sflag:$0x5], $0x6400, $0x38;
	[tilespmem:$0x1F400] =	vst v63  }
0x1bd: {  	_ =	swait.ge [sflag:s5], $0x6400  }
0x1be: {  	s14 =	sld [smem:$0x7FB]  }
0x1bf: {  	[sflag:s5] =	ssyncset.done $0x0  }
0x1c0: {  	[sflag:s5] =	ssyncadd.s32 $0xFFFF9C00  }
0x1c1: {  	[tilespmem:s6], [sflag:$0x3] =	stream.indirect.gather [hbm4b:s3+s10], $0x20, s14, s10, $0xb8;
	[tilespmem:$0x1F400] =	vst v63  }
0x1c2: {  	_ =	swait.ge [sflag:s9], $0x6400  }
0x1c3: {  	[sflag:s9] =	ssyncset.done $0x0  }
0x1c4: {  	s14 =	rddreg [dreg:$0xe];
	[sflag:s9] =	ssyncadd.s32 $0xFFFF9C00  }
0x1c5: {  	[hbm4b:s14+s2] =	stream.linear.scatter [tilespmem:s4], [sflag:$0x5], $0x6400, $0x38;
	[tilespmem:$0x1F400] =	vst v63  }
0x1c6: {  	_ =	swait.ge [sflag:s5], $0x6400  }
0x1c7: {  	s14 =	sld [smem:$0x7FC]  }
0x1c8: {  	[sflag:s5] =	ssyncset.done $0x0  }
0x1c9: {  	[sflag:s5] =	ssyncadd.s32 $0xFFFF9C00  }
0x1ca: {  	[tilespmem:s4], [sflag:$0x4] =	stream.indirect.gather [hbm4b:s3+s10], $0x20, s14, s10, $0xb8;
	[tilespmem:$0x1F400] =	vst v63  }
0x1cb: {  	_ =	swait.ge [sflag:s13], $0x6400  }
0x1cc: {  	[sflag:s13] =	ssyncset.done $0x0  }
0x1cd: {  	s14 =	rddreg [dreg:$0xf];
	[sflag:s13] =	ssyncadd.s32 $0xFFFF9C00  }
0x1ce: {  	[hbm4b:s14+s2] =	stream.linear.scatter [tilespmem:s8], [sflag:$0x5], $0x6400, $0x38;
	[tilespmem:$0x1F400] =	vst v63  }
0x1cf: {  	_ =	swait.ge [sflag:s5], $0x6400  }
0x1d0: {  	s14 =	sld [smem:$0x7FD]  }
0x1d1: {  	[sflag:s5] =	ssyncset.done $0x0  }
0x1d2: {  	[sflag:s5] =	ssyncadd.s32 $0xFFFF9C00  }
0x1d3: {  	[tilespmem:s8], [sflag:$0x1] =	stream.indirect.gather [hbm4b:s3+s10], $0x20, s14, s10, $0xb8;
	[tilespmem:$0x1F400] =	vst v63  }
0x1d4: {  	_ =	swait.ge [sflag:s12], $0x6400  }
0x1d5: {  	[sflag:s12] =	ssyncset.done $0x0  }
0x1d6: {  	s14 =	rddreg [dreg:$0x10];
	[sflag:s12] =	ssyncadd.s32 $0xFFFF9C00  }
0x1d7: {  	[hbm4b:s14+s2] =	stream.linear.scatter [tilespmem:s7], [sflag:$0x5], $0x6400, $0x38;
	[tilespmem:$0x1F400] =	vst v63  }
0x1d8: {  	_ =	swait.ge [sflag:s5], $0x6400  }
0x1d9: {  	[sflag:s5] =	ssyncset.done $0x0  }
0x1da: {  	s14 =	simm.s32 $0x3520;
	[sflag:s5] =	ssyncadd.s32 $0xFFFF9C00  }
0x1db: {  	[tilespmem:s7], [sflag:$0x2] =	stream.indirect.gather [hbm4b:s3+s10], $0x20, s14, s10, $0xb8;
	[tilespmem:$0x1F400] =	vst v63  }
0x1dc: {  	_ =	swait.ge [sflag:s11], $0x6400  }
0x1dd: {  	[sflag:s11] =	ssyncset.done $0x0  }
0x1de: {  	s14 =	rddreg [dreg:$0x11];
	[sflag:s11] =	ssyncadd.s32 $0xFFFF9C00  }
0x1df: {  	[hbm4b:s14+s2] =	stream.linear.scatter [tilespmem:s6], [sflag:$0x5], $0x6400, $0x38;
	[tilespmem:$0x1F400] =	vst v63  }
0x1e0: {  	_ =	swait.ge [sflag:s5], $0x6400  }
0x1e1: {  	[sflag:s5] =	ssyncset.done $0x0  }
0x1e2: {  	[sflag:s5] =	ssyncadd.s32 $0xFFFF9C00  }
0x1e3: {  	[tilespmem:s6], [sflag:$0x3] =	stream.indirect.gather [hbm4b:s3+s10], $0x20, s29, s10, $0xb8;
	[tilespmem:$0x1F400] =	vst v63  }
0x1e4: {  	_ =	swait.ge [sflag:s9], $0x6400  }
0x1e5: {  	[sflag:s9] =	ssyncset.done $0x0  }
0x1e6: {  	s14 =	rddreg [dreg:$0x12];
	[sflag:s9] =	ssyncadd.s32 $0xFFFF9C00  }
0x1e7: {  	[hbm4b:s14+s2] =	stream.linear.scatter [tilespmem:s4], [sflag:$0x5], $0x6400, $0x38;
	[tilespmem:$0x1F400] =	vst v63  }
0x1e8: {  	_ =	swait.ge [sflag:s5], $0x6400  }
0x1e9: {  	[sflag:s5] =	ssyncset.done $0x0  }
0x1ea: {  	[sflag:s5] =	ssyncadd.s32 $0xFFFF9C00  }
0x1eb: {  	[tilespmem:s4], [sflag:$0x4] =	stream.indirect.gather [hbm4b:s3+s10], $0x20, s28, s10, $0xb8;
	[tilespmem:$0x1F400] =	vst v63  }
0x1ec: {  	_ =	swait.ge [sflag:s13], $0x6400  }
0x1ed: {  	[sflag:s13] =	ssyncset.done $0x0  }
0x1ee: {  	s14 =	rddreg [dreg:$0x13];
	[sflag:s13] =	ssyncadd.s32 $0xFFFF9C00  }
0x1ef: {  	[hbm4b:s14+s2] =	stream.linear.scatter [tilespmem:s8], [sflag:$0x5], $0x6400, $0x38;
	[tilespmem:$0x1F400] =	vst v63  }
0x1f0: {  	_ =	swait.ge [sflag:s5], $0x6400  }
0x1f1: {  	[sflag:s5] =	ssyncset.done $0x0  }
0x1f2: {  	[sflag:s5] =	ssyncadd.s32 $0xFFFF9C00  }
0x1f3: {  	[tilespmem:s8], [sflag:$0x1] =	stream.indirect.gather [hbm4b:s3+s10], $0x20, s26, s10, $0xb8;
	[tilespmem:$0x1F400] =	vst v63  }
0x1f4: {  	_ =	swait.ge [sflag:s12], $0x6400  }
0x1f5: {  	[sflag:s12] =	ssyncset.done $0x0  }
0x1f6: {  	s14 =	rddreg [dreg:$0x14];
	[sflag:s12] =	ssyncadd.s32 $0xFFFF9C00  }
0x1f7: {  	[hbm4b:s14+s2] =	stream.linear.scatter [tilespmem:s7], [sflag:$0x5], $0x6400, $0x38;
	[tilespmem:$0x1F400] =	vst v63  }
0x1f8: {  	_ =	swait.ge [sflag:s5], $0x6400  }
0x1f9: {  	[sflag:s5] =	ssyncset.done $0x0  }
0x1fa: {  	[sflag:s5] =	ssyncadd.s32 $0xFFFF9C00  }
0x1fb: {  	[tilespmem:s7], [sflag:$0x2] =	stream.indirect.gather [hbm4b:s3+s10], $0x20, s25, s10, $0xb8;
	[tilespmem:$0x1F400] =	vst v63  }
0x1fc: {  	_ =	swait.ge [sflag:s11], $0x6400  }
0x1fd: {  	[sflag:s11] =	ssyncset.done $0x0  }
0x1fe: {  	s14 =	rddreg [dreg:$0x15];
	[sflag:s11] =	ssyncadd.s32 $0xFFFF9C00  }
0x1ff: {  	[hbm4b:s14+s2] =	stream.linear.scatter [tilespmem:s6], [sflag:$0x5], $0x6400, $0x38;
	[tilespmem:$0x1F400] =	vst v63  }
0x200: {  	_ =	swait.ge [sflag:s5], $0x6400  }
0x201: {  	[sflag:s5] =	ssyncset.done $0x0  }
0x202: {  	[sflag:s5] =	ssyncadd.s32 $0xFFFF9C00  }
0x203: {  	[tilespmem:s6], [sflag:$0x3] =	stream.indirect.gather [hbm4b:s3+s10], $0x20, s24, s10, $0xb8;
	[tilespmem:$0x1F400] =	vst v63  }
0x204: {  	_ =	swait.ge [sflag:s9], $0x6400  }
0x205: {  	[sflag:s9] =	ssyncset.done $0x0  }
0x206: {  	s14 =	rddreg [dreg:$0x16];
	[sflag:s9] =	ssyncadd.s32 $0xFFFF9C00  }
0x207: {  	[hbm4b:s14+s2] =	stream.linear.scatter [tilespmem:s4], [sflag:$0x5], $0x6400, $0x38;
	[tilespmem:$0x1F400] =	vst v63  }
0x208: {  	_ =	swait.ge [sflag:s5], $0x6400  }
0x209: {  	[sflag:s5] =	ssyncset.done $0x0  }
0x20a: {  	[sflag:s5] =	ssyncadd.s32 $0xFFFF9C00  }
0x20b: {  	[tilespmem:s4], [sflag:$0x4] =	stream.indirect.gather [hbm4b:s3+s10], $0x20, s23, s10, $0xb8;
	[tilespmem:$0x1F400] =	vst v63  }
0x20c: {  	_ =	swait.ge [sflag:s13], $0x6400  }
0x20d: {  	[sflag:s13] =	ssyncset.done $0x0  }
0x20e: {  	s14 =	rddreg [dreg:$0x17];
	[sflag:s13] =	ssyncadd.s32 $0xFFFF9C00  }
0x20f: {  	[hbm4b:s14+s2] =	stream.linear.scatter [tilespmem:s8], [sflag:$0x5], $0x6400, $0x38;
	[tilespmem:$0x1F400] =	vst v63  }
0x210: {  	_ =	swait.ge [sflag:s5], $0x6400  }
0x211: {  	[sflag:s5] =	ssyncset.done $0x0  }
0x212: {  	[sflag:s5] =	ssyncadd.s32 $0xFFFF9C00  }
0x213: {  	[tilespmem:s8], [sflag:$0x1] =	stream.indirect.gather [hbm4b:s3+s10], $0x20, s22, s10, $0xb8;
	[tilespmem:$0x1F400] =	vst v63  }
0x214: {  	_ =	swait.ge [sflag:s12], $0x6400  }
0x215: {  	[sflag:s12] =	ssyncset.done $0x0  }
0x216: {  	s14 =	rddreg [dreg:$0x18];
	[sflag:s12] =	ssyncadd.s32 $0xFFFF9C00  }
0x217: {  	[hbm4b:s14+s2] =	stream.linear.scatter [tilespmem:s7], [sflag:$0x5], $0x6400, $0x38;
	[tilespmem:$0x1F400] =	vst v63  }
0x218: {  	_ =	swait.ge [sflag:s5], $0x6400  }
0x219: {  	[sflag:s5] =	ssyncset.done $0x0  }
0x21a: {  	[sflag:s5] =	ssyncadd.s32 $0xFFFF9C00  }
0x21b: {  	[tilespmem:s7], [sflag:$0x2] =	stream.indirect.gather [hbm4b:s3+s10], $0x20, s21, s10, $0xb8;
	[tilespmem:$0x1F400] =	vst v63  }
0x21c: {  	_ =	swait.ge [sflag:s11], $0x6400  }
0x21d: {  	[sflag:s11] =	ssyncset.done $0x0  }
0x21e: {  	s14 =	rddreg [dreg:$0x19];
	[sflag:s11] =	ssyncadd.s32 $0xFFFF9C00  }
0x21f: {  	[hbm4b:s14+s2] =	stream.linear.scatter [tilespmem:s6], [sflag:$0x5], $0x6400, $0x38;
	[tilespmem:$0x1F400] =	vst v63  }
0x220: {  	_ =	swait.ge [sflag:s5], $0x6400  }
0x221: {  	[sflag:s5] =	ssyncset.done $0x0  }
0x222: {  	[sflag:s5] =	ssyncadd.s32 $0xFFFF9C00  }
0x223: {  	[tilespmem:s6], [sflag:$0x3] =	stream.indirect.gather [hbm4b:s3+s10], $0x20, s20, s10, $0xb8;
	[tilespmem:$0x1F400] =	vst v63  }
0x224: {  	_ =	swait.ge [sflag:s9], $0x6400  }
0x225: {  	[sflag:s9] =	ssyncset.done $0x0  }
0x226: {  	s14 =	rddreg [dreg:$0x1a];
	[sflag:s9] =	ssyncadd.s32 $0xFFFF9C00  }
0x227: {  	[hbm4b:s14+s2] =	stream.linear.scatter [tilespmem:s4], [sflag:$0x5], $0x6400, $0x38;
	[tilespmem:$0x1F400] =	vst v63  }
0x228: {  	_ =	swait.ge [sflag:s5], $0x6400  }
0x229: {  	[sflag:s5] =	ssyncset.done $0x0  }
0x22a: {  	[sflag:s5] =	ssyncadd.s32 $0xFFFF9C00  }
0x22b: {  	[tilespmem:s4], [sflag:$0x4] =	stream.indirect.gather [hbm4b:s3+s10], $0x20, s19, s10, $0xb8;
	[tilespmem:$0x1F400] =	vst v63  }
0x22c: {  	_ =	swait.ge [sflag:s13], $0x6400  }
0x22d: {  	[sflag:s13] =	ssyncset.done $0x0  }
0x22e: {  	s14 =	rddreg [dreg:$0x1b];
	[sflag:s13] =	ssyncadd.s32 $0xFFFF9C00  }
0x22f: {  	[hbm4b:s14+s2] =	stream.linear.scatter [tilespmem:s8], [sflag:$0x5], $0x6400, $0x38;
	[tilespmem:$0x1F400] =	vst v63  }
0x230: {  	_ =	swait.ge [sflag:s5], $0x6400  }
0x231: {  	[sflag:s5] =	ssyncset.done $0x0  }
0x232: {  	[sflag:s5] =	ssyncadd.s32 $0xFFFF9C00  }
0x233: {  	[tilespmem:s8], [sflag:$0x1] =	stream.indirect.gather [hbm4b:s3+s10], $0x20, s18, s10, $0xb8;
	[tilespmem:$0x1F400] =	vst v63  }
0x234: {  	_ =	swait.ge [sflag:s12], $0x6400  }
0x235: {  	[sflag:s12] =	ssyncset.done $0x0  }
0x236: {  	s14 =	rddreg [dreg:$0x1c];
	[sflag:s12] =	ssyncadd.s32 $0xFFFF9C00  }
0x237: {  	[hbm4b:s14+s2] =	stream.linear.scatter [tilespmem:s7], [sflag:$0x5], $0x6400, $0x38;
	[tilespmem:$0x1F400] =	vst v63  }
0x238: {  	_ =	swait.ge [sflag:s5], $0x6400  }
0x239: {  	[sflag:s5] =	ssyncset.done $0x0  }
0x23a: {  	[sflag:s5] =	ssyncadd.s32 $0xFFFF9C00  }
0x23b: {  	[tilespmem:s7], [sflag:$0x2] =	stream.indirect.gather [hbm4b:s3+s10], $0x20, s17, s10, $0xb8;
	[tilespmem:$0x1F400] =	vst v63  }
0x23c: {  	_ =	swait.ge [sflag:s11], $0x6400  }
0x23d: {  	[sflag:s11] =	ssyncset.done $0x0  }
0x23e: {  	s14 =	rddreg [dreg:$0x1d];
	[sflag:s11] =	ssyncadd.s32 $0xFFFF9C00  }
0x23f: {  	[hbm4b:s14+s2] =	stream.linear.scatter [tilespmem:s6], [sflag:$0x5], $0x6400, $0x38;
	[tilespmem:$0x1F400] =	vst v63  }
0x240: {  	_ =	swait.ge [sflag:s5], $0x6400  }
0x241: {  	[sflag:s5] =	ssyncset.done $0x0  }
0x242: {  	[sflag:s5] =	ssyncadd.s32 $0xFFFF9C00  }
0x243: {  	[tilespmem:s6], [sflag:$0x3] =	stream.indirect.gather [hbm4b:s3+s10], $0x20, s16, s10, $0xb8;
	[tilespmem:$0x1F400] =	vst v63  }
0x244: {  	_ =	swait.ge [sflag:s9], $0x6400  }
0x245: {  	[sflag:s9] =	ssyncset.done $0x0  }
0x246: {  	s14 =	rddreg [dreg:$0x1e];
	[sflag:s9] =	ssyncadd.s32 $0xFFFF9C00  }
0x247: {  	[hbm4b:s14+s2] =	stream.linear.scatter [tilespmem:s4], [sflag:$0x5], $0x6400, $0x38;
	[tilespmem:$0x1F400] =	vst v63  }
0x248: {  	_ =	swait.ge [sflag:s5], $0x6400  }
0x249: {  	[sflag:s5] =	ssyncset.done $0x0  }
0x24a: {  	[sflag:s5] =	ssyncadd.s32 $0xFFFF9C00  }
0x24b: {  	[tilespmem:s4], [sflag:$0x4] =	stream.indirect.gather [hbm4b:s3+s10], $0x20, s15, s10, $0xb8;
	[tilespmem:$0x1F400] =	vst v63  }
0x24c: {  	_ =	swait.ge [sflag:s13], $0x6400  }
0x24d: {  	[sflag:s13] =	ssyncset.done $0x0  }
0x24e: {  	s14 =	rddreg [dreg:$0x1f];
	[sflag:s13] =	ssyncadd.s32 $0xFFFF9C00  }
0x24f: {  	[hbm4b:s14+s2] =	stream.linear.scatter [tilespmem:s8], [sflag:$0x5], $0x6400, $0x38;
	[tilespmem:$0x1F400] =	vst v63  }
0x250: {  	_ =	swait.ge [sflag:s5], $0x6400  }
0x251: {  	[sflag:s5] =	ssyncset.done $0x0  }
0x252: {  	[sflag:s5] =	ssyncadd.s32 $0xFFFF9C00  }
0x253: {  	_ =	swait.ge [sflag:s12], $0x6400  }
0x254: {  	s14 =	sld [smem:$0x7EC]  }
0x255: {  	[sflag:s12] =	ssyncset.done $0x0  }
0x256: {  	[sflag:s12] =	ssyncadd.s32 $0xFFFF9C00  }
0x257: {  	[hbm4b:s14+s2] =	stream.linear.scatter [tilespmem:s7], [sflag:$0x5], $0x6400, $0x38;
	[tilespmem:$0x1F400] =	vst v63  }
0x258: {  	_ =	swait.ge [sflag:s5], $0x6400  }
0x259: {  	[sflag:s5] =	ssyncset.done $0x0  }
0x25a: {  	[sflag:s5] =	ssyncadd.s32 $0xFFFF9C00  }
0x25b: {  	_ =	swait.ge [sflag:s11], $0x6400  }
0x25c: {  	s14 =	sld [smem:$0x7ED]  }
0x25d: {  	[sflag:s11] =	ssyncset.done $0x0  }
0x25e: {  	[sflag:s11] =	ssyncadd.s32 $0xFFFF9C00  }
0x25f: {  	[hbm4b:s14+s2] =	stream.linear.scatter [tilespmem:s6], [sflag:$0x5], $0x6400, $0x38;
	[tilespmem:$0x1F400] =	vst v63  }
0x260: {  	_ =	swait.ge [sflag:s5], $0x6400  }
0x261: {  	[sflag:s5] =	ssyncset.done $0x0  }
0x262: {  	[sflag:s5] =	ssyncadd.s32 $0xFFFF9C00  }
0x263: {  	_ =	swait.ge [sflag:s9], $0x6400  }
0x264: {  	p1 =	sne.s32 s1, $0x1;
	s14 =	sld [smem:$0x7EE]  }
.Ltmp2:
0x265: {  	[sflag:s9] =	ssyncset.done $0x0;
	(pc) =	sbr.rel @p1 .LBB2_4-.Ltmp2, $4  }
0x266: {  	[sflag:s9] =	ssyncadd.s32 $0xFFFF9C00  }
0x267: {  	[hbm4b:s14+s2] =	stream.linear.scatter [tilespmem:s4], [sflag:$0x5], $0x6400, $0x38;
	[tilespmem:$0x1F400] =	vst v63  }
0x268: {  	_ =	swait.ge [sflag:s5], $0x6400  }
0x269: {  	s1 =	sadd.s32 $0xFFFFFFFF, s1;
	s0 =	rddreg [dreg:$0x3];
	[sflag:s5] =	ssyncset.done $0x0  }
0x26a: {  	s15 =	simm.s32 $0x3520;
	s29 =	simm.s32 $0x3840;
	s28 =	simm.s32 $0x3B60  }
0x26b: {  	s26 =	simm.s32 $0x3E80;
	s25 =	simm.s32 $0x41A0;
	s24 =	simm.s32 $0x44C0  }
0x26c: {  	s23 =	simm.s32 $0x47E0;
	s22 =	simm.s32 $0x4B00;
	s21 =	simm.s32 $0x4E20  }
0x26d: {  	s20 =	simm.s32 $0x5140;
	s19 =	simm.s32 $0x5460;
	s18 =	simm.s32 $0x5780  }
0x26e: {  	s17 =	simm.s32 $0x5AA0;
	s16 =	simm.s32 $0x5DC0;
	s14 =	stileid.u32  }
.LBB2_6:
0x26f: {  	[sflag:s5] =	ssyncadd.s32 @p0 $0xFFFF9C00  }
0x270: {  	[tilespmem:s2], [sflag:$0x6] =	stream.linear.gather [hbm4b:s0+s2], $0x6400, $0x38;
	[tilespmem:$0x1F400] =	vst v63  }
0x271: {  	_ =	swait.ge [sflag:s31], $0x6400  }
0x272: {  	[sflag:s31] =	ssyncset.done $0x0  }
0x273: {  	[sflag:s31] =	ssyncadd.s32 $0xFFFF9C00  }
0x274: {  	[tilespmem:s8], [sflag:$0x1] =	stream.indirect.gather [hbm4b:s3+s10], $0x20, s2, s10, $0xb8;
	[tilespmem:$0x1F400] =	vst v63  }
0x275: {  	s31 =	sld [smem:$0x7EF]  }
0x276: {  	[tilespmem:s7], [sflag:$0x2] =	stream.indirect.gather [hbm4b:s3+s10], $0x20, s10, s10, $0xb8;
	[tilespmem:$0x1F400] =	vst v63  }
0x277: {  	s1 =	sld [smem:$0x7F0]  }
0x278: {  	[tilespmem:s6], [sflag:$0x3] =	stream.indirect.gather [hbm4b:s3+s10], $0x20, s31, s10, $0xb8;
	[tilespmem:$0x1F400] =	vst v63  }
0x279: {  	_ = 	snop  }
0x27a: {  	[tilespmem:s4], [sflag:$0x4] =	stream.indirect.gather [hbm4b:s3+s10], $0x20, s1, s10, $0xb8;
	[tilespmem:$0x1F400] =	vst v63  }
0x27b: {  	_ =	swait.ge [sflag:s13], $0x6400  }
0x27c: {  	[sflag:s13] =	ssyncset.done $0x0  }
0x27d: {  	[sflag:s13] =	ssyncadd.s32 $0xFFFF9C00  }
0x27e: {  	[hbm4b:s30+s2] =	stream.linear.scatter [tilespmem:s8], [sflag:$0x5], $0x6400, $0x38;
	[tilespmem:$0x1F400] =	vst v63  }
0x27f: {  	_ =	swait.ge [sflag:s5], $0x6400  }
0x280: {  	s1 =	sld [smem:$0x7F1]  }
0x281: {  	[sflag:s5] =	ssyncset.done $0x0  }
0x282: {  	[sflag:s5] =	ssyncadd.s32 $0xFFFF9C00  }
0x283: {  	[tilespmem:s8], [sflag:$0x1] =	stream.indirect.gather [hbm4b:s3+s10], $0x20, s1, s10, $0xb8;
	[tilespmem:$0x1F400] =	vst v63  }
0x284: {  	_ =	swait.ge [sflag:s12], $0x6400  }
0x285: {  	[sflag:s12] =	ssyncset.done $0x0  }
0x286: {  	s30 =	rddreg [dreg:$0x4];
	[sflag:s12] =	ssyncadd.s32 $0xFFFF9C00  }
0x287: {  	[hbm4b:s30+s2] =	stream.linear.scatter [tilespmem:s7], [sflag:$0x5], $0x6400, $0x38;
	[tilespmem:$0x1F400] =	vst v63  }
0x288: {  	_ =	swait.ge [sflag:s5], $0x6400  }
0x289: {  	s31 =	sld [smem:$0x7F2]  }
0x28a: {  	[sflag:s5] =	ssyncset.done $0x0  }
0x28b: {  	[sflag:s5] =	ssyncadd.s32 $0xFFFF9C00  }
0x28c: {  	[tilespmem:s7], [sflag:$0x2] =	stream.indirect.gather [hbm4b:s3+s10], $0x20, s31, s10, $0xb8;
	[tilespmem:$0x1F400] =	vst v63  }
0x28d: {  	_ =	swait.ge [sflag:s11], $0x6400  }
0x28e: {  	[sflag:s11] =	ssyncset.done $0x0  }
0x28f: {  	s1 =	rddreg [dreg:$0x5];
	[sflag:s11] =	ssyncadd.s32 $0xFFFF9C00  }
0x290: {  	[hbm4b:s1+s2] =	stream.linear.scatter [tilespmem:s6], [sflag:$0x5], $0x6400, $0x38;
	[tilespmem:$0x1F400] =	vst v63  }
0x291: {  	_ =	swait.ge [sflag:s5], $0x6400  }
0x292: {  	s30 =	sld [smem:$0x7F3]  }
0x293: {  	[sflag:s5] =	ssyncset.done $0x0  }
0x294: {  	[sflag:s5] =	ssyncadd.s32 $0xFFFF9C00  }
0x295: {  	[tilespmem:s6], [sflag:$0x3] =	stream.indirect.gather [hbm4b:s3+s10], $0x20, s30, s10, $0xb8;
	[tilespmem:$0x1F400] =	vst v63  }
0x296: {  	_ =	swait.ge [sflag:s9], $0x6400  }
0x297: {  	[sflag:s9] =	ssyncset.done $0x0  }
0x298: {  	s31 =	rddreg [dreg:$0x6];
	[sflag:s9] =	ssyncadd.s32 $0xFFFF9C00  }
0x299: {  	[hbm4b:s31+s2] =	stream.linear.scatter [tilespmem:s4], [sflag:$0x5], $0x6400, $0x38;
	[tilespmem:$0x1F400] =	vst v63  }
0x29a: {  	_ =	swait.ge [sflag:s5], $0x6400  }
0x29b: {  	s1 =	sld [smem:$0x7F4]  }
0x29c: {  	[sflag:s5] =	ssyncset.done $0x0  }
0x29d: {  	[sflag:s5] =	ssyncadd.s32 $0xFFFF9C00  }
0x29e: {  	[tilespmem:s4], [sflag:$0x4] =	stream.indirect.gather [hbm4b:s3+s10], $0x20, s1, s10, $0xb8;
	[tilespmem:$0x1F400] =	vst v63  }
0x29f: {  	_ =	swait.ge [sflag:s13], $0x6400  }
0x2a0: {  	[sflag:s13] =	ssyncset.done $0x0  }
0x2a1: {  	s30 =	rddreg [dreg:$0x7];
	[sflag:s13] =	ssyncadd.s32 $0xFFFF9C00  }
0x2a2: {  	[hbm4b:s30+s2] =	stream.linear.scatter [tilespmem:s8], [sflag:$0x5], $0x6400, $0x38;
	[tilespmem:$0x1F400] =	vst v63  }
0x2a3: {  	_ =	swait.ge [sflag:s5], $0x6400  }
0x2a4: {  	s31 =	sld [smem:$0x7F5]  }
0x2a5: {  	[sflag:s5] =	ssyncset.done $0x0  }
0x2a6: {  	[sflag:s5] =	ssyncadd.s32 $0xFFFF9C00  }
0x2a7: {  	[tilespmem:s8], [sflag:$0x1] =	stream.indirect.gather [hbm4b:s3+s10], $0x20, s31, s10, $0xb8;
	[tilespmem:$0x1F400] =	vst v63  }
0x2a8: {  	_ =	swait.ge [sflag:s12], $0x6400  }
0x2a9: {  	[sflag:s12] =	ssyncset.done $0x0  }
0x2aa: {  	s1 =	rddreg [dreg:$0x8];
	[sflag:s12] =	ssyncadd.s32 $0xFFFF9C00  }
0x2ab: {  	[hbm4b:s1+s2] =	stream.linear.scatter [tilespmem:s7], [sflag:$0x5], $0x6400, $0x38;
	[tilespmem:$0x1F400] =	vst v63  }
0x2ac: {  	_ =	swait.ge [sflag:s5], $0x6400  }
0x2ad: {  	s30 =	sld [smem:$0x7F6]  }
0x2ae: {  	[sflag:s5] =	ssyncset.done $0x0  }
0x2af: {  	[sflag:s5] =	ssyncadd.s32 $0xFFFF9C00  }
0x2b0: {  	[tilespmem:s7], [sflag:$0x2] =	stream.indirect.gather [hbm4b:s3+s10], $0x20, s30, s10, $0xb8;
	[tilespmem:$0x1F400] =	vst v63  }
0x2b1: {  	_ =	swait.ge [sflag:s11], $0x6400  }
0x2b2: {  	[sflag:s11] =	ssyncset.done $0x0  }
0x2b3: {  	s31 =	rddreg [dreg:$0x9];
	[sflag:s11] =	ssyncadd.s32 $0xFFFF9C00  }
0x2b4: {  	[hbm4b:s31+s2] =	stream.linear.scatter [tilespmem:s6], [sflag:$0x5], $0x6400, $0x38;
	[tilespmem:$0x1F400] =	vst v63  }
0x2b5: {  	_ =	swait.ge [sflag:s5], $0x6400  }
0x2b6: {  	s1 =	sld [smem:$0x7F7]  }
0x2b7: {  	[sflag:s5] =	ssyncset.done $0x0  }
0x2b8: {  	[sflag:s5] =	ssyncadd.s32 $0xFFFF9C00  }
0x2b9: {  	[tilespmem:s6], [sflag:$0x3] =	stream.indirect.gather [hbm4b:s3+s10], $0x20, s1, s10, $0xb8;
	[tilespmem:$0x1F400] =	vst v63  }
0x2ba: {  	_ =	swait.ge [sflag:s9], $0x6400  }
0x2bb: {  	[sflag:s9] =	ssyncset.done $0x0  }
0x2bc: {  	s30 =	rddreg [dreg:$0xa];
	[sflag:s9] =	ssyncadd.s32 $0xFFFF9C00  }
0x2bd: {  	[hbm4b:s30+s2] =	stream.linear.scatter [tilespmem:s4], [sflag:$0x5], $0x6400, $0x38;
	[tilespmem:$0x1F400] =	vst v63  }
0x2be: {  	_ =	swait.ge [sflag:s5], $0x6400  }
0x2bf: {  	s31 =	sld [smem:$0x7F8]  }
0x2c0: {  	[sflag:s5] =	ssyncset.done $0x0  }
0x2c1: {  	[sflag:s5] =	ssyncadd.s32 $0xFFFF9C00  }
0x2c2: {  	[tilespmem:s4], [sflag:$0x4] =	stream.indirect.gather [hbm4b:s3+s10], $0x20, s31, s10, $0xb8;
	[tilespmem:$0x1F400] =	vst v63  }
0x2c3: {  	_ =	swait.ge [sflag:s13], $0x6400  }
0x2c4: {  	[sflag:s13] =	ssyncset.done $0x0  }
0x2c5: {  	s1 =	rddreg [dreg:$0xb];
	[sflag:s13] =	ssyncadd.s32 $0xFFFF9C00  }
0x2c6: {  	[hbm4b:s1+s2] =	stream.linear.scatter [tilespmem:s8], [sflag:$0x5], $0x6400, $0x38;
	[tilespmem:$0x1F400] =	vst v63  }
0x2c7: {  	_ =	swait.ge [sflag:s5], $0x6400  }
0x2c8: {  	s30 =	sld [smem:$0x7F9]  }
0x2c9: {  	[sflag:s5] =	ssyncset.done $0x0  }
0x2ca: {  	[sflag:s5] =	ssyncadd.s32 $0xFFFF9C00  }
0x2cb: {  	[tilespmem:s8], [sflag:$0x1] =	stream.indirect.gather [hbm4b:s3+s10], $0x20, s30, s10, $0xb8;
	[tilespmem:$0x1F400] =	vst v63  }
0x2cc: {  	_ =	swait.ge [sflag:s12], $0x6400  }
0x2cd: {  	[sflag:s12] =	ssyncset.done $0x0  }
0x2ce: {  	s31 =	rddreg [dreg:$0xc];
	[sflag:s12] =	ssyncadd.s32 $0xFFFF9C00  }
0x2cf: {  	[hbm4b:s31+s2] =	stream.linear.scatter [tilespmem:s7], [sflag:$0x5], $0x6400, $0x38;
	[tilespmem:$0x1F400] =	vst v63  }
0x2d0: {  	_ =	swait.ge [sflag:s5], $0x6400  }
0x2d1: {  	s1 =	sld [smem:$0x7FA]  }
0x2d2: {  	[sflag:s5] =	ssyncset.done $0x0  }
0x2d3: {  	[sflag:s5] =	ssyncadd.s32 $0xFFFF9C00  }
0x2d4: {  	[tilespmem:s7], [sflag:$0x2] =	stream.indirect.gather [hbm4b:s3+s10], $0x20, s1, s10, $0xb8;
	[tilespmem:$0x1F400] =	vst v63  }
0x2d5: {  	_ =	swait.ge [sflag:s11], $0x6400  }
0x2d6: {  	[sflag:s11] =	ssyncset.done $0x0  }
0x2d7: {  	s30 =	rddreg [dreg:$0xd];
	[sflag:s11] =	ssyncadd.s32 $0xFFFF9C00  }
0x2d8: {  	[hbm4b:s30+s2] =	stream.linear.scatter [tilespmem:s6], [sflag:$0x5], $0x6400, $0x38;
	[tilespmem:$0x1F400] =	vst v63  }
0x2d9: {  	_ =	swait.ge [sflag:s5], $0x6400  }
0x2da: {  	s31 =	sld [smem:$0x7FB]  }
0x2db: {  	[sflag:s5] =	ssyncset.done $0x0  }
0x2dc: {  	[sflag:s5] =	ssyncadd.s32 $0xFFFF9C00  }
0x2dd: {  	[tilespmem:s6], [sflag:$0x3] =	stream.indirect.gather [hbm4b:s3+s10], $0x20, s31, s10, $0xb8;
	[tilespmem:$0x1F400] =	vst v63  }
0x2de: {  	_ =	swait.ge [sflag:s9], $0x6400  }
0x2df: {  	[sflag:s9] =	ssyncset.done $0x0  }
0x2e0: {  	s1 =	rddreg [dreg:$0xe];
	[sflag:s9] =	ssyncadd.s32 $0xFFFF9C00  }
0x2e1: {  	[hbm4b:s1+s2] =	stream.linear.scatter [tilespmem:s4], [sflag:$0x5], $0x6400, $0x38;
	[tilespmem:$0x1F400] =	vst v63  }
0x2e2: {  	_ =	swait.ge [sflag:s5], $0x6400  }
0x2e3: {  	s30 =	sld [smem:$0x7FC]  }
0x2e4: {  	[sflag:s5] =	ssyncset.done $0x0  }
0x2e5: {  	[sflag:s5] =	ssyncadd.s32 $0xFFFF9C00  }
0x2e6: {  	[tilespmem:s4], [sflag:$0x4] =	stream.indirect.gather [hbm4b:s3+s10], $0x20, s30, s10, $0xb8;
	[tilespmem:$0x1F400] =	vst v63  }
0x2e7: {  	_ =	swait.ge [sflag:s13], $0x6400  }
0x2e8: {  	[sflag:s13] =	ssyncset.done $0x0  }
0x2e9: {  	s31 =	rddreg [dreg:$0xf];
	[sflag:s13] =	ssyncadd.s32 $0xFFFF9C00  }
0x2ea: {  	[hbm4b:s31+s2] =	stream.linear.scatter [tilespmem:s8], [sflag:$0x5], $0x6400, $0x38;
	[tilespmem:$0x1F400] =	vst v63  }
0x2eb: {  	_ =	swait.ge [sflag:s5], $0x6400  }
0x2ec: {  	s1 =	sld [smem:$0x7FD]  }
0x2ed: {  	[sflag:s5] =	ssyncset.done $0x0  }
0x2ee: {  	[sflag:s5] =	ssyncadd.s32 $0xFFFF9C00  }
0x2ef: {  	[tilespmem:s8], [sflag:$0x1] =	stream.indirect.gather [hbm4b:s3+s10], $0x20, s1, s10, $0xb8;
	[tilespmem:$0x1F400] =	vst v63  }
0x2f0: {  	_ =	swait.ge [sflag:s12], $0x6400  }
0x2f1: {  	[sflag:s12] =	ssyncset.done $0x0  }
0x2f2: {  	s30 =	rddreg [dreg:$0x10];
	[sflag:s12] =	ssyncadd.s32 $0xFFFF9C00  }
0x2f3: {  	[hbm4b:s30+s2] =	stream.linear.scatter [tilespmem:s7], [sflag:$0x5], $0x6400, $0x38;
	[tilespmem:$0x1F400] =	vst v63  }
0x2f4: {  	_ =	swait.ge [sflag:s5], $0x6400  }
0x2f5: {  	[sflag:s5] =	ssyncset.done $0x0  }
0x2f6: {  	[sflag:s5] =	ssyncadd.s32 $0xFFFF9C00  }
0x2f7: {  	[tilespmem:s7], [sflag:$0x2] =	stream.indirect.gather [hbm4b:s3+s10], $0x20, s15, s10, $0xb8;
	[tilespmem:$0x1F400] =	vst v63  }
0x2f8: {  	_ =	swait.ge [sflag:s11], $0x6400  }
0x2f9: {  	[sflag:s11] =	ssyncset.done $0x0  }
0x2fa: {  	s31 =	rddreg [dreg:$0x11];
	[sflag:s11] =	ssyncadd.s32 $0xFFFF9C00  }
0x2fb: {  	[hbm4b:s31+s2] =	stream.linear.scatter [tilespmem:s6], [sflag:$0x5], $0x6400, $0x38;
	[tilespmem:$0x1F400] =	vst v63  }
0x2fc: {  	_ =	swait.ge [sflag:s5], $0x6400  }
0x2fd: {  	[sflag:s5] =	ssyncset.done $0x0  }
0x2fe: {  	[sflag:s5] =	ssyncadd.s32 $0xFFFF9C00  }
0x2ff: {  	[tilespmem:s6], [sflag:$0x3] =	stream.indirect.gather [hbm4b:s3+s10], $0x20, s29, s10, $0xb8;
	[tilespmem:$0x1F400] =	vst v63  }
0x300: {  	_ =	swait.ge [sflag:s9], $0x6400  }
0x301: {  	[sflag:s9] =	ssyncset.done $0x0  }
0x302: {  	s1 =	rddreg [dreg:$0x12];
	[sflag:s9] =	ssyncadd.s32 $0xFFFF9C00  }
0x303: {  	[hbm4b:s1+s2] =	stream.linear.scatter [tilespmem:s4], [sflag:$0x5], $0x6400, $0x38;
	[tilespmem:$0x1F400] =	vst v63  }
0x304: {  	_ =	swait.ge [sflag:s5], $0x6400  }
0x305: {  	[sflag:s5] =	ssyncset.done $0x0  }
0x306: {  	[sflag:s5] =	ssyncadd.s32 $0xFFFF9C00  }
0x307: {  	[tilespmem:s4], [sflag:$0x4] =	stream.indirect.gather [hbm4b:s3+s10], $0x20, s28, s10, $0xb8;
	[tilespmem:$0x1F400] =	vst v63  }
0x308: {  	_ =	swait.ge [sflag:s13], $0x6400  }
0x309: {  	[sflag:s13] =	ssyncset.done $0x0  }
0x30a: {  	s15 =	rddreg [dreg:$0x13];
	[sflag:s13] =	ssyncadd.s32 $0xFFFF9C00  }
0x30b: {  	[hbm4b:s15+s2] =	stream.linear.scatter [tilespmem:s8], [sflag:$0x5], $0x6400, $0x38;
	[tilespmem:$0x1F400] =	vst v63  }
0x30c: {  	_ =	swait.ge [sflag:s5], $0x6400  }
0x30d: {  	[sflag:s5] =	ssyncset.done $0x0  }
0x30e: {  	[sflag:s5] =	ssyncadd.s32 $0xFFFF9C00  }
0x30f: {  	[tilespmem:s8], [sflag:$0x1] =	stream.indirect.gather [hbm4b:s3+s10], $0x20, s26, s10, $0xb8;
	[tilespmem:$0x1F400] =	vst v63  }
0x310: {  	_ =	swait.ge [sflag:s12], $0x6400  }
0x311: {  	[sflag:s12] =	ssyncset.done $0x0  }
0x312: {  	s28 =	rddreg [dreg:$0x14];
	[sflag:s12] =	ssyncadd.s32 $0xFFFF9C00  }
0x313: {  	[hbm4b:s28+s2] =	stream.linear.scatter [tilespmem:s7], [sflag:$0x5], $0x6400, $0x38;
	[tilespmem:$0x1F400] =	vst v63  }
0x314: {  	_ =	swait.ge [sflag:s5], $0x6400  }
0x315: {  	[sflag:s5] =	ssyncset.done $0x0  }
0x316: {  	[sflag:s5] =	ssyncadd.s32 $0xFFFF9C00  }
0x317: {  	[tilespmem:s7], [sflag:$0x2] =	stream.indirect.gather [hbm4b:s3+s10], $0x20, s25, s10, $0xb8;
	[tilespmem:$0x1F400] =	vst v63  }
0x318: {  	_ =	swait.ge [sflag:s11], $0x6400  }
0x319: {  	[sflag:s11] =	ssyncset.done $0x0  }
0x31a: {  	s29 =	rddreg [dreg:$0x15];
	[sflag:s11] =	ssyncadd.s32 $0xFFFF9C00  }
0x31b: {  	[hbm4b:s29+s2] =	stream.linear.scatter [tilespmem:s6], [sflag:$0x5], $0x6400, $0x38;
	[tilespmem:$0x1F400] =	vst v63  }
0x31c: {  	_ =	swait.ge [sflag:s5], $0x6400  }
0x31d: {  	[sflag:s5] =	ssyncset.done $0x0  }
0x31e: {  	[sflag:s5] =	ssyncadd.s32 $0xFFFF9C00  }
0x31f: {  	[tilespmem:s6], [sflag:$0x3] =	stream.indirect.gather [hbm4b:s3+s10], $0x20, s24, s10, $0xb8;
	[tilespmem:$0x1F400] =	vst v63  }
0x320: {  	_ =	swait.ge [sflag:s9], $0x6400  }
0x321: {  	[sflag:s9] =	ssyncset.done $0x0  }
0x322: {  	s30 =	rddreg [dreg:$0x16];
	[sflag:s9] =	ssyncadd.s32 $0xFFFF9C00  }
0x323: {  	[hbm4b:s30+s2] =	stream.linear.scatter [tilespmem:s4], [sflag:$0x5], $0x6400, $0x38;
	[tilespmem:$0x1F400] =	vst v63  }
0x324: {  	_ =	swait.ge [sflag:s5], $0x6400  }
0x325: {  	[sflag:s5] =	ssyncset.done $0x0  }
0x326: {  	[sflag:s5] =	ssyncadd.s32 $0xFFFF9C00  }
0x327: {  	[tilespmem:s4], [sflag:$0x4] =	stream.indirect.gather [hbm4b:s3+s10], $0x20, s23, s10, $0xb8;
	[tilespmem:$0x1F400] =	vst v63  }
0x328: {  	_ =	swait.ge [sflag:s13], $0x6400  }
0x329: {  	[sflag:s13] =	ssyncset.done $0x0  }
0x32a: {  	s31 =	rddreg [dreg:$0x17];
	[sflag:s13] =	ssyncadd.s32 $0xFFFF9C00  }
0x32b: {  	[hbm4b:s31+s2] =	stream.linear.scatter [tilespmem:s8], [sflag:$0x5], $0x6400, $0x38;
	[tilespmem:$0x1F400] =	vst v63  }
0x32c: {  	_ =	swait.ge [sflag:s5], $0x6400  }
0x32d: {  	[sflag:s5] =	ssyncset.done $0x0  }
0x32e: {  	[sflag:s5] =	ssyncadd.s32 $0xFFFF9C00  }
0x32f: {  	[tilespmem:s8], [sflag:$0x1] =	stream.indirect.gather [hbm4b:s3+s10], $0x20, s22, s10, $0xb8;
	[tilespmem:$0x1F400] =	vst v63  }
0x330: {  	_ =	swait.ge [sflag:s12], $0x6400  }
0x331: {  	[sflag:s12] =	ssyncset.done $0x0  }
0x332: {  	s1 =	rddreg [dreg:$0x18];
	[sflag:s12] =	ssyncadd.s32 $0xFFFF9C00  }
0x333: {  	[hbm4b:s1+s2] =	stream.linear.scatter [tilespmem:s7], [sflag:$0x5], $0x6400, $0x38;
	[tilespmem:$0x1F400] =	vst v63  }
0x334: {  	_ =	swait.ge [sflag:s5], $0x6400  }
0x335: {  	[sflag:s5] =	ssyncset.done $0x0  }
0x336: {  	[sflag:s5] =	ssyncadd.s32 $0xFFFF9C00  }
0x337: {  	[tilespmem:s7], [sflag:$0x2] =	stream.indirect.gather [hbm4b:s3+s10], $0x20, s21, s10, $0xb8;
	[tilespmem:$0x1F400] =	vst v63  }
0x338: {  	_ =	swait.ge [sflag:s11], $0x6400  }
0x339: {  	[sflag:s11] =	ssyncset.done $0x0  }
0x33a: {  	s15 =	rddreg [dreg:$0x19];
	[sflag:s11] =	ssyncadd.s32 $0xFFFF9C00  }
0x33b: {  	[hbm4b:s15+s2] =	stream.linear.scatter [tilespmem:s6], [sflag:$0x5], $0x6400, $0x38;
	[tilespmem:$0x1F400] =	vst v63  }
0x33c: {  	_ =	swait.ge [sflag:s5], $0x6400  }
0x33d: {  	[sflag:s5] =	ssyncset.done $0x0  }
0x33e: {  	[sflag:s5] =	ssyncadd.s32 $0xFFFF9C00  }
0x33f: {  	[tilespmem:s6], [sflag:$0x3] =	stream.indirect.gather [hbm4b:s3+s10], $0x20, s20, s10, $0xb8;
	[tilespmem:$0x1F400] =	vst v63  }
0x340: {  	_ =	swait.ge [sflag:s9], $0x6400  }
0x341: {  	[sflag:s9] =	ssyncset.done $0x0  }
0x342: {  	s21 =	rddreg [dreg:$0x1a];
	[sflag:s9] =	ssyncadd.s32 $0xFFFF9C00  }
0x343: {  	[hbm4b:s21+s2] =	stream.linear.scatter [tilespmem:s4], [sflag:$0x5], $0x6400, $0x38;
	[tilespmem:$0x1F400] =	vst v63  }
0x344: {  	_ =	swait.ge [sflag:s5], $0x6400  }
0x345: {  	[sflag:s5] =	ssyncset.done $0x0  }
0x346: {  	[sflag:s5] =	ssyncadd.s32 $0xFFFF9C00  }
0x347: {  	[tilespmem:s4], [sflag:$0x4] =	stream.indirect.gather [hbm4b:s3+s10], $0x20, s19, s10, $0xb8;
	[tilespmem:$0x1F400] =	vst v63  }
0x348: {  	_ =	swait.ge [sflag:s13], $0x6400  }
0x349: {  	[sflag:s13] =	ssyncset.done $0x0  }
0x34a: {  	s22 =	rddreg [dreg:$0x1b];
	[sflag:s13] =	ssyncadd.s32 $0xFFFF9C00  }
0x34b: {  	[hbm4b:s22+s2] =	stream.linear.scatter [tilespmem:s8], [sflag:$0x5], $0x6400, $0x38;
	[tilespmem:$0x1F400] =	vst v63  }
0x34c: {  	_ =	swait.ge [sflag:s5], $0x6400  }
0x34d: {  	[sflag:s5] =	ssyncset.done $0x0  }
0x34e: {  	[sflag:s5] =	ssyncadd.s32 $0xFFFF9C00  }
0x34f: {  	[tilespmem:s8], [sflag:$0x1] =	stream.indirect.gather [hbm4b:s3+s10], $0x20, s18, s10, $0xb8;
	[tilespmem:$0x1F400] =	vst v63  }
0x350: {  	_ =	swait.ge [sflag:s12], $0x6400  }
0x351: {  	[sflag:s12] =	ssyncset.done $0x0  }
0x352: {  	s23 =	rddreg [dreg:$0x1c];
	[sflag:s12] =	ssyncadd.s32 $0xFFFF9C00  }
0x353: {  	[hbm4b:s23+s2] =	stream.linear.scatter [tilespmem:s7], [sflag:$0x5], $0x6400, $0x38;
	[tilespmem:$0x1F400] =	vst v63  }
0x354: {  	_ =	swait.ge [sflag:s5], $0x6400  }
0x355: {  	[sflag:s5] =	ssyncset.done $0x0  }
0x356: {  	[sflag:s5] =	ssyncadd.s32 $0xFFFF9C00  }
0x357: {  	[tilespmem:s7], [sflag:$0x2] =	stream.indirect.gather [hbm4b:s3+s10], $0x20, s17, s10, $0xb8;
	[tilespmem:$0x1F400] =	vst v63  }
0x358: {  	_ =	swait.ge [sflag:s11], $0x6400  }
0x359: {  	[sflag:s11] =	ssyncset.done $0x0  }
0x35a: {  	s24 =	rddreg [dreg:$0x1d];
	[sflag:s11] =	ssyncadd.s32 $0xFFFF9C00  }
0x35b: {  	[hbm4b:s24+s2] =	stream.linear.scatter [tilespmem:s6], [sflag:$0x5], $0x6400, $0x38;
	[tilespmem:$0x1F400] =	vst v63  }
0x35c: {  	_ =	swait.ge [sflag:s5], $0x6400  }
0x35d: {  	[sflag:s5] =	ssyncset.done $0x0  }
0x35e: {  	[sflag:s5] =	ssyncadd.s32 $0xFFFF9C00  }
0x35f: {  	[tilespmem:s6], [sflag:$0x3] =	stream.indirect.gather [hbm4b:s3+s10], $0x20, s16, s10, $0xb8;
	[tilespmem:$0x1F400] =	vst v63  }
0x360: {  	_ =	swait.ge [sflag:s9], $0x6400  }
0x361: {  	[sflag:s9] =	ssyncset.done $0x0  }
0x362: {  	s25 =	rddreg [dreg:$0x1e];
	[sflag:s9] =	ssyncadd.s32 $0xFFFF9C00  }
0x363: {  	[hbm4b:s25+s2] =	stream.linear.scatter [tilespmem:s4], [sflag:$0x5], $0x6400, $0x38;
	[tilespmem:$0x1F400] =	vst v63  }
0x364: {  	_ =	swait.ge [sflag:s5], $0x6400  }
0x365: {  	[sflag:s5] =	ssyncset.done $0x0  }
0x366: {  	s26 =	simm.s32 $0x60E0;
	[sflag:s5] =	ssyncadd.s32 $0xFFFF9C00  }
0x367: {  	[tilespmem:s4], [sflag:$0x4] =	stream.indirect.gather [hbm4b:s3+s10], $0x20, s26, s10, $0xb8;
	[tilespmem:$0x1F400] =	vst v63  }
0x368: {  	_ =	swait.ge [sflag:s13], $0x6400  }
0x369: {  	[sflag:s13] =	ssyncset.done $0x0  }
0x36a: {  	s28 =	rddreg [dreg:$0x1f];
	[sflag:s13] =	ssyncadd.s32 $0xFFFF9C00  }
0x36b: {  	[hbm4b:s28+s2] =	stream.linear.scatter [tilespmem:s8], [sflag:$0x5], $0x6400, $0x38;
	[tilespmem:$0x1F400] =	vst v63  }
0x36c: {  	_ =	swait.ge [sflag:s5], $0x6400  }
0x36d: {  	[sflag:s5] =	ssyncset.done $0x0  }
0x36e: {  	[sflag:s5] =	ssyncadd.s32 $0xFFFF9C00  }
0x36f: {  	_ =	swait.ge [sflag:s12], $0x6400  }
0x370: {  	s29 =	sld [smem:$0x7EC]  }
0x371: {  	[sflag:s12] =	ssyncset.done $0x0  }
0x372: {  	[sflag:s12] =	ssyncadd.s32 $0xFFFF9C00  }
0x373: {  	[hbm4b:s29+s2] =	stream.linear.scatter [tilespmem:s7], [sflag:$0x5], $0x6400, $0x38;
	[tilespmem:$0x1F400] =	vst v63  }
0x374: {  	_ =	swait.ge [sflag:s5], $0x6400  }
0x375: {  	[sflag:s5] =	ssyncset.done $0x0  }
0x376: {  	[sflag:s5] =	ssyncadd.s32 $0xFFFF9C00  }
0x377: {  	_ =	swait.ge [sflag:s11], $0x6400  }
0x378: {  	s30 =	sld [smem:$0x7ED]  }
0x379: {  	[sflag:s11] =	ssyncset.done $0x0  }
0x37a: {  	[sflag:s11] =	ssyncadd.s32 $0xFFFF9C00  }
0x37b: {  	[hbm4b:s30+s2] =	stream.linear.scatter [tilespmem:s6], [sflag:$0x5], $0x6400, $0x38;
	[tilespmem:$0x1F400] =	vst v63  }
0x37c: {  	_ =	swait.ge [sflag:s5], $0x6400  }
0x37d: {  	[sflag:s5] =	ssyncset.done $0x0  }
0x37e: {  	[sflag:s5] =	ssyncadd.s32 $0xFFFF9C00  }
0x37f: {  	_ =	swait.ge [sflag:s9], $0x6400  }
0x380: {  	s31 =	sld [smem:$0x7EE]  }
0x381: {  	[sflag:s9] =	ssyncset.done $0x0  }
0x382: {  	[sflag:s9] =	ssyncadd.s32 $0xFFFF9C00  }
0x383: {  	[hbm4b:s31+s2] =	stream.linear.scatter [tilespmem:s4], [sflag:$0x5], $0x6400, $0x38;
	[tilespmem:$0x1F400] =	vst v63  }
0x384: {  	_ =	swait.ge [sflag:s5], $0x6400  }
0x385: {  	[sflag:s5] =	ssyncset.done $0x0  }
0x386: {  	[sflag:s5] =	ssyncadd.s32 $0xFFFF9C00  }
0x387: {  	_ =	sfence.sel $0x180000  }
0x388: {  	[bflag:$0x0] =	sbarrier.arrive $0xFFFF  }
0x389: {  	_ =	strace $0x90000047  }
0x38a: {  	[bflag:$0x2] =	sbarrier.arrive $0xFFFF  }
0x38b: {  	p0 =	sne.s32 s14, $0x0;
	s0 =	rddreg [dreg:$0x2]  }
0x38c: {  	s0 =	sadd.s32 @!p0 $0x100000, s0  }
0x38d: {  	[sflag:s0] =	ssyncadd.tile.s32 @!p0 $0x1;
	_ =	shalt  }
.LBB2_1:
.Ltmp3:
0x38e: {  	s15 =	simm.s32 $0x3520;
	s29 =	simm.s32 $0x3840;
	(pc) =	sbr.rel .LBB2_6-.Ltmp3, $4  }
0x38f: {  	s28 =	simm.s32 $0x3B60;
	s26 =	simm.s32 $0x3E80;
	s25 =	simm.s32 $0x41A0  }
0x390: {  	s24 =	simm.s32 $0x44C0;
	s23 =	simm.s32 $0x47E0;
	s22 =	simm.s32 $0x4B00  }
0x391: {  	s21 =	simm.s32 $0x4E20;
	s20 =	simm.s32 $0x5140;
	s19 =	simm.s32 $0x5460  }
0x392: {  	s18 =	simm.s32 $0x5780;
	s17 =	simm.s32 $0x5AA0;
	s16 =	simm.s32 $0x5DC0  }
.LBB2_3:
0x393: {  	s15 =	simm.s32 $0x3520  }
.Ltmp4:
0x394: {  	s29 =	simm.s32 $0x3840;
	s28 =	simm.s32 $0x3B60;
	(pc) =	sbr.rel .LBB2_6-.Ltmp4, $4  }
0x395: {  	s26 =	simm.s32 $0x3E80;
	s25 =	simm.s32 $0x41A0;
	s24 =	simm.s32 $0x44C0  }
0x396: {  	s23 =	simm.s32 $0x47E0;
	s22 =	simm.s32 $0x4B00;
	s21 =	simm.s32 $0x4E20  }
0x397: {  	s20 =	simm.s32 $0x5140;
	s19 =	simm.s32 $0x5460;
	s18 =	simm.s32 $0x5780  }
0x398: {  	s17 =	simm.s32 $0x5AA0;
	s16 =	simm.s32 $0x5DC0;
	s14 =	stileid.u32  }
.Lfunc_end2:
_tile_overlayer_lowered:
.L_overlay_start_2:
0x399: {  	(tag) =	ssettag $0x2  }
0x39a: {  	s0 =	rddreg [dreg:$0x0];
	s2 =	stileid.u32  }
0x39b: {  	s1 =	rddreg [dreg:$0x1];
	p0 =	sne.s32 s2, $0x0  }
0x39c: {  	s3 =	rddreg [dreg:$0x2];
	[bflag:$0x3] =	sbarrier.arrive $0xFFFF;
	s2 =	simm.s32 @!p0 $0x1C06  }
0x39d: {  	[timem:s3], [sflag:s2] =	dma.local @!p0 [hbm:s0], s1  }
0x39e: {  	s0 =	simm.s32 @!p0 $0x6  }
0x39f: {  	_ =	swait.ge @!p0 [sflag:s0], s1  }
0x3a0: {  	s1 =	ssub.s32 @!p0 $0x0, s1;
	[sflag:s0] =	ssyncset.done @!p0 $0x0  }
0x3a1: {  	[sflag:s0] =	ssyncadd.s32 @!p0 s1  }
0x3a2: {  	[bflag:$0x3] =	sbarrier.arrive $0xFFFF  }
0x3a3: {  	_ =	shalt  }

// kernel: sparse-core-data-format-call.1.cloned.1.call-start
scs
called_computation.1_lowered:
.L_overlay_start_0:
0x0: {  	s2 =	sld [smem:$0x3FD9]  }
0x1: {  	s3 =	sld [smem:$0x3FFE];
	_ =	sdelay $0x1  }
0x2: {  	s1 =	srdreg.scid  }
0x3: {  	s0 =	sand.u32 $0x1, s1  }
0x4: {  	s18 =	sshll.u32 s0, $0xA;
	s2 =	sadd.s32 s3, s2  }
0x5: {  	s2 =	sadd.s32 s2, s18  }
0x6: {  	[smem:$0x3FC6] =	sst s2  }
0x7: {  	_ = 	snop  }
0x8: {  	s2 =	sld [smem:$0x3FD0];
	(tm) =	ssettm $0x1  }
0x9: {  	s19 =	sld [smem:$0x3FFB];
	_ =	sdelay $0x3  }
0xa: {  	_ =	strace s19  }
0xb: {  	s3 =	sld [smem:$0x3FFC];
	_ =	sdelay $0x3  }
0xc: {  	_ =	strace s3  }
0xd: {  	s3 =	sld [smem:$0x3FFD];
	_ =	sdelay $0x3  }
0xe: {  	_ =	strace s3  }
0xf: {  	_ =	strace $0x8FFFFFFF  }
0x10: {  	s20 =	sld [smem:$0x3FDB];
	_ =	sdelay $0x1  }
0x11: {  	s4 =	simm.s32 $_scs_section_size  }
0x12: {  	s5 =	simm.s32 $_size__tile_overlayer_lowered;
	s6 =	simm.s32 $_tile_overlayer_lowered  }
0x13: {  	s23 =	simm.s32 $0x1BFF;
	s22 =	sshll.u32 s6, $0x1;
	s3 =	sadd.s32 s4, s20  }
0x14: {  	s7 =	simm.s32 $0x0;
	s21 =	sshll.u32 s5, $0x1;
	s5 =	sadd.s32 s22, s3  }
0x15: {  	[timem:s7], [sflag:s23] =	dma.local [hbm:s5], s21  }
0x16: {  	_ =	swait.ge [sflag:s23], s21  }
0x17: {  	s4 =	ssub.s32 $0x0, s21;
	[sflag:s23] =	ssyncset.done $0x0  }
0x18: {  	[sflag:s23] =	ssyncadd.s32 s4;
	_ =	sdelay $0x1  }
0x19: {  	s24 =	simm.s32 $0x1B8B  }
0x1a: {  	_ =	swait.ge [sflag:s24], $0x1  }
0x1b: {  	[sflag:s24] =	ssyncset.done $0x0  }
0x1c: {  	s26 =	simm.s32 $0x1B8E;
	s25 =	sld [smem:$0x3FFE];
	[sflag:s24] =	ssyncadd.s32 $0xFFFFFFFF  }
0x1d: {  	s27 =	simm.s32 $execute0_lowered;
	[smem:$0x3FD2] =	sst s26  }
0x1e: {  	s5 =	sshll.u32 s27, $0x1;
	_ =	strace $0x80000049;
	[dreg:$0x1] =	wrdreg $0xFFFFFFFF  }
0x1f: {  	s28 =	simm.s32 $_size_execute0_lowered;
	s3 =	sadd.s32 s3, s5;
	[dreg:$0x0] =	wrdreg $0x0  }
0x20: {  	s5 =	sshll.u32 s28, $0x1;
	[dreg:$0x2] =	wrdreg s3  }
0x21: {  	[dreg:$0x3] =	wrdreg s5  }
0x22: {  	[dreg:$0x4] =	wrdreg $0xC0  }
0x23: {  	_ =	task [dreg:s7], $0x5FFFF  }
0x24: {  	[dreg:$0x1] =	wrdreg $0xFFFFFFFF  }
0x25: {  	[dreg:$0x0] =	wrdreg $0x60  }
0x26: {  	[dreg:$0x2] =	wrdreg s25  }
0x27: {  	[dreg:$0x3] =	wrdreg s2  }
0x28: {  	[dreg:$0x4] =	wrdreg $0x9  }
0x29: {  	_ =	task.clear_ibuf [dreg:s7], $0x5FFFF;
	_ =	strace $0x90000049  }
0x2a: {  	s29 =	simm.s32 $0x9;
	_ =	strace $0x8000004B  }
0x2b: {  	_ =	swait.ge [sflag:s29], $0x1  }
0x2c: {  	[sflag:s29] =	ssyncadd.s32 $0xFFFFFFFF  }
0x2d: {  	_ =	strace $0x9000004B  }
0x2e: {  	_ =	sfence  }
0x2f: {  	s30 =	sld [smem:$0x0];
	_ =	sdelay $0x2  }
0x30: {  	s31 =	sshll.u32 s1, $0xD;
	s1 =	sshrl.u32 s1, $0x2  }
0x31: {  	s3 =	sand.u32 $0x4000, s31;
	s1 =	sadd.s32 s1, s30  }
0x32: {  	s0 =	sor.u32 s3, s0;
	s1 =	sshll.u32 s1, $0x11  }
0x33: {  	s0 =	sor.u32 s1, s0  }
0x34: {  	s0 =	sadd.s32 $0x8F2B, s0  }
0x35: {  	[sflag:s0] =	ssyncadd.remote.s32 $0x1  }
0x36: {  	_ =	sfence.sel $0xFFFF  }
0x37: {  	[dreg:$0x0] =	wrdreg $0xFFFFFFFF;
	(pc) =	sbr.abs _section_cstart, $3  }
0x38: {  	[dreg:$0x1] =	wrdreg $0xFFFFFFFF  }
0x39: {  	_ =	task.clear_ibuf [dreg:s7], $0x2FFFF;
	_ =	strace $0x9FFFFFFF  }
0x3a: {  	(tm) =	ssettm $0x7FFFFFFF  }
0x3b: {  	_ =	shalt  }
tec
execute0_lowered:
.L_overlay_start_1:
0x0: {  	(tag) =	ssettag $0x1  }
0x1: {  	s0 =	srdreg.scid  }
0x2: {  	s1 =	sshll.u32 s0, $0x4  }
0x3: {  	s4 =	rddreg [dreg:$0x0];
	s0 =	stileid.u32;
	s1 =	sand.u32 $0x10, s1  }
0x4: {  	s2 =	rddreg [dreg:$0x1];
	s7 =	simm.s32 $0x1;
	s1 =	sor.u32 s0, s1  }
0x5: {  	s8 =	simm.s32 $0x2;
	s11 =	simm.s32 $0x0;
	s3 =	sshll.u32 s1, $0x7  }
0x6: {  	s10 =	simm.s32 $0x0;
	s4 =	sadd.s32 $0xE00, s4;
	s6 =	ssub.s32 $0xC8000, s3  }
.Ltmp0:
0x7: {  	s1 =	rddreg [dreg:$0x2];
	s5 =	sand.u32 $0xF80, s6;
	(pc) =	sbr.rel .LBB1_1-.Ltmp0, $4  }
0x8: {  	_ =	strace $0x8000004A;
	s9 =	smov.u32 s3;
	p0 =	sne.s32 s5, $0x0  }
0x9: {  	s6 =	sshrl.u32 s6, $0xC;
	s5 =	simm.s32 $0x1;
	s7 =	simm.s32 @!p0 $0x0  }
0xa: {  	[sflag:s5] =	ssyncpa.u1 $0x0;
	p0 =	por $0x0, $0x0;
	s6 =	sadd.s32 s7, s6  }
0xb: {  	[sflag:s8] =	ssyncpa.u1 $0x0;
	s8 =	simm.s32 $0x640000;
	s7 =	sadd.s32 $0x1, s6  }
.LBB1_4:
0xc: {  	s14 =	sshll.u32 s11, $0x3  }
0xd: {  	s30 =	sand.u32 $0x7F, s11;
	s15 =	sand.u32 $0xFFFFFC00, s14  }
0xe: {  	s11 =	sor.u32 s30, s15  }
0xf: {  	s15 =	smulhi.u32 $0x51EB851F, s11  }
0x10: {  	s14 =	smulhi.u32 $0x51EB851F, s14  }
0x11: {  	s15 =	sshrl.u32 s15, $0x12  }
0x12: {  	s14 =	sshrl.u32 s14, $0x12;
	s15 =	smul.u32 $0xC8000, s15  }
0x13: {  	s14 =	sand.u32 $0x1F, s14  }
0x14: {  	s14 =	smul.u32 $0x19000, s14;
	s11 =	ssub.s32 s11, s15  }
0x15: {  	s15 =	sand.u32 $0x7, s11  }
0x16: {  	s14 =	sadd.s32 s2, s14;
	s11 =	sshrl.u32 s11, $0x3;
	s15 =	sshll.u32 s15, $0x12  }
0x17: {  	[tilespmem:s13+$0x0 ss:$0x81] =	vst.msk $0xffff, v0;
	s11 =	sadd.s32 s11, s14;
	s31 =	sor.u32 $0x400, s15  }
0x18: {  	[hbm4b:s11+s31] =	stream.strided.scatter [tilespmem:s12], [sflag:$0x2], $0x1000, s8, s31, $0x20;
	[tilespmem:$0x4040] =	vst v63  }
.LBB1_5:
0x19: {  	s13 =	sadd.s32 $0x1000, s9  }
0x1a: {  	p2 =	sgt.s32 s13, $0xC7FFF  }
0x1b: {  	s13 =	smov.u32 @p2 s3;
	p2 =	sne.s32 s10, s7  }
.Ltmp1:
0x1c: {  	p1 =	slt.u32 s10, $0x2;
	(pc) =	sbr.rel @!p2 .LBB1_6-.Ltmp1, $4  }
0x1d: {  	s12 =	simm.s32 @!p1 $0x2  }
0x1e: {  	s14 =	sadd.s32 $0x1, s10;
	_ =	swait.ge @!p1 [sflag:s12], $0x1000  }
0x1f: {  	s11 =	smov.u32 s9;
	p0 =	por !p0, !p0;
	[sflag:s12] =	ssyncset.done @!p1 $0x0  }
0x20: {  	s10 =	smov.u32 s14;
	s9 =	smov.u32 s13;
	[sflag:s12] =	ssyncadd.s32 @!p1 $0xFFFFF000  }
.LBB1_1:
0x21: {  	p1 =	sge.u32 s10, s6  }
0x22: {  	s12 =	sand.u32 @!p1 $0x1FFFFFF, s9  }
0x23: {  	s13 =	smulhi.u32 @!p1 $0x147AE15, s12;
	_ =	sdelay $0x1  }
0x24: {  	s13 =	sshrl.u32 @!p1 s13, $0xC  }
0x25: {  	s13 =	smul.u32 @!p1 $0xC8000, s13;
	_ =	sdelay $0x1  }
0x26: {  	s31 =	sadd.s32 $0xFFFFFFFF, s10;
	s14 =	sxor.u32 @!p1 $0xFFFFFFFF, s10;
	s12 =	ssub.s32 @!p1 s12, s13  }
0x27: {  	s15 =	simm.s32 @!p1 $0x80;
	s14 =	sshll.u32 @!p1 s14, $0xC;
	s12 =	sshll.u32 @!p1 s12, $0x4  }
0x28: {  	s13 =	sand.u32 @!p1 $0x1000, s14;
	s14 =	simm.s32 @!p1 $0x20;
	s12 =	sadd.s32 @!p1 s4, s12  }
0x29: {  	[tilespmem:s13], [sflag:$0x1] =	stream.strided.gather @!p1 [hbm4b:s12+s14], $0x1000, s15, s14, $0x38;
	[tilespmem:$0x4040] =	vst v63  }
0x2a: {  	p1 =	sge.u32 s31, s6  }
.Ltmp2:
0x2b: {  	_ = 	snop;
	(pc) =	sbr.rel @p1 .LBB1_5-.Ltmp2, $1  }
0x2c: {  	_ =	sdelay $0x3  }
0x2d: {  	s12 =	simm.s32 $0x1  }
0x2e: {  	_ =	swait.ge [sflag:s5], $0x1000;
	s12 =	simm.s32 @!p0 $0x0  }
0x2f: {  	[sflag:s5] =	ssyncset.done $0x0;
	s13 =	sshll.u32 s12, $0xC  }
0x30: {  	[sflag:s5] =	ssyncadd.s32 $0xFFFFF000;
	s16 =	sor.u32 $0x10, s13  }
0x31: {  	s12 =	smul.u32 $0x4080, s12;
	v1 =	vld [tilespmem:s16+$0x0]  }
0x32: {  	s30 =	sand.u32 $0x1, s10;
	v0 =	vld [tilespmem:s16+$0xFFFFFFF0]  }
0x33: {  	s13 =	smul.u32 $0x4080, s30;
	s12 =	sshrl.u32 s12, $0x2  }
0x34: {  	s14 =	sor.u32 $0x2000, s12  }
0x35: {  	s31 =	sshrl.u32 s13, $0x2;
	s13 =	sadd.s32 $0x0, s14  }
0x36: {  	s15 =	simm.s32 $0x4;
	s16 =	sadd.s32 $0x20, s16;
	s12 =	sor.u32 $0x2000, s31;
	[tilespmem:s13+$0x810 ss:$0x81] =	vst.msk $0xffff, v1  }
.LBB1_3:
0x37: {  	v1 =	vld [tilespmem:s16+$0x0];
	p1 =	sne.s32 s15, $0x1FC;
	[tilespmem:s13+$0x0 ss:$0x81] =	vst.msk $0xffff, v0;
	s13 =	smov.u32 s15;
	s15 =	sadd.s32 $0x4, s15  }
.Ltmp3:
0x38: {  	v0 =	vld [tilespmem:s16+$0xFFFFFFF0];
	(pc) =	sbr.rel @p1 .LBB1_3-.Ltmp3, $4  }
0x39: {  	_ = 	snop  }
0x3a: {  	s13 =	sshra.s32 s13, $0x2  }
0x3b: {  	s13 =	sadd.s32 s13, s14  }
0x3c: {  	s16 =	sadd.s32 $0x20, s16;
	[tilespmem:s13+$0x810 ss:$0x81] =	vst.msk $0xffff, v1  }
.Ltmp4:
0x3d: {  	_ = 	snop;
	(pc) =	sbr.rel .LBB1_4-.Ltmp4, $1  }
0x3e: {  	_ =	sdelay $0x3  }
.LBB1_6:
0x3f: {  	_ =	sfence.sel $0x180000  }
0x40: {  	s2 =	simm.s32 $0x1;
	[bflag:$0x0] =	sbarrier.arrive $0xFFFF  }
0x41: {  	s31 =	simm.s32 $0x2;
	[sflag:s2] =	ssyncpa.u1 $0x1  }
0x42: {  	[sflag:s31] =	ssyncpa.u1 $0x1  }
0x43: {  	p0 =	sne.s32 s0, $0x0;
	_ =	strace $0x9000004A  }
0x44: {  	s0 =	sadd.s32 @!p0 $0x100000, s1;
	[bflag:$0x2] =	sbarrier.arrive $0xFFFF  }
0x45: {  	[sflag:s0] =	ssyncadd.tile.s32 @!p0 $0x1;
	_ =	shalt  }
.Lfunc_end1:
_tile_overlayer_lowered:
.L_overlay_start_2:
0x46: {  	(tag) =	ssettag $0x2  }
0x47: {  	s0 =	rddreg [dreg:$0x0];
	s2 =	stileid.u32  }
0x48: {  	s1 =	rddreg [dreg:$0x1];
	p0 =	sne.s32 s2, $0x0  }
0x49: {  	s3 =	rddreg [dreg:$0x2];
	[bflag:$0x3] =	sbarrier.arrive $0xFFFF;
	s2 =	simm.s32 @!p0 $0x1C01  }
0x4a: {  	[timem:s3], [sflag:s2] =	dma.local @!p0 [hbm:s0], s1  }
0x4b: {  	s0 =	simm.s32 @!p0 $0x1  }
0x4c: {  	_ =	swait.ge @!p0 [sflag:s0], s1  }
0x4d: {  	s1 =	ssub.s32 @!p0 $0x0, s1;
	[sflag:s0] =	ssyncset.done @!p0 $0x0  }
0x4e: {  	[sflag:s0] =	ssyncadd.s32 @!p0 s1  }
0x4f: {  	[bflag:$0x3] =	sbarrier.arrive $0xFFFF  }
0x50: {  	_ =	shalt  }

// kernel: sparse-core-data-format-call.cloned.1.call-start
scs
called_computation_lowered:
.L_overlay_start_0:
0x0: {  	s2 =	sld [smem:$0x3FD9]  }
0x1: {  	s3 =	sld [smem:$0x3FFE];
	_ =	sdelay $0x1  }
0x2: {  	s1 =	srdreg.scid  }
0x3: {  	s0 =	sand.u32 $0x1, s1  }
0x4: {  	s18 =	sshll.u32 s0, $0xA;
	s2 =	sadd.s32 s3, s2  }
0x5: {  	s2 =	sadd.s32 s2, s18  }
0x6: {  	[smem:$0x3FC6] =	sst s2  }
0x7: {  	_ = 	snop  }
0x8: {  	s2 =	sld [smem:$0x3FD0];
	(tm) =	ssettm $0x1  }
0x9: {  	s19 =	sld [smem:$0x3FFB];
	_ =	sdelay $0x3  }
0xa: {  	_ =	strace s19  }
0xb: {  	s3 =	sld [smem:$0x3FFC];
	_ =	sdelay $0x3  }
0xc: {  	_ =	strace s3  }
0xd: {  	s3 =	sld [smem:$0x3FFD];
	_ =	sdelay $0x3  }
0xe: {  	_ =	strace s3  }
0xf: {  	_ =	strace $0x8FFFFFFF  }
0x10: {  	s20 =	sld [smem:$0x3FDB];
	_ =	sdelay $0x1  }
0x11: {  	s4 =	simm.s32 $_scs_section_size  }
0x12: {  	s5 =	simm.s32 $_size__tile_overlayer_lowered;
	s6 =	simm.s32 $_tile_overlayer_lowered  }
0x13: {  	s23 =	simm.s32 $0x1BFF;
	s22 =	sshll.u32 s6, $0x1;
	s3 =	sadd.s32 s4, s20  }
0x14: {  	s7 =	simm.s32 $0x0;
	s21 =	sshll.u32 s5, $0x1;
	s5 =	sadd.s32 s22, s3  }
0x15: {  	[timem:s7], [sflag:s23] =	dma.local [hbm:s5], s21  }
0x16: {  	_ =	swait.ge [sflag:s23], s21  }
0x17: {  	s4 =	ssub.s32 $0x0, s21;
	[sflag:s23] =	ssyncset.done $0x0  }
0x18: {  	[sflag:s23] =	ssyncadd.s32 s4;
	_ =	sdelay $0x1  }
0x19: {  	s24 =	simm.s32 $0x1B8B  }
0x1a: {  	_ =	swait.ge [sflag:s24], $0x1  }
0x1b: {  	[sflag:s24] =	ssyncset.done $0x0  }
0x1c: {  	s26 =	simm.s32 $0x1B8E;
	s25 =	sld [smem:$0x3FFE];
	[sflag:s24] =	ssyncadd.s32 $0xFFFFFFFF  }
0x1d: {  	s27 =	simm.s32 $execute0_lowered;
	[smem:$0x3FD2] =	sst s26  }
0x1e: {  	s5 =	sshll.u32 s27, $0x1;
	_ =	strace $0x8000004C;
	[dreg:$0x1] =	wrdreg $0xFFFFFFFF  }
0x1f: {  	s28 =	simm.s32 $_size_execute0_lowered;
	s3 =	sadd.s32 s3, s5;
	[dreg:$0x0] =	wrdreg $0x0  }
0x20: {  	s5 =	sshll.u32 s28, $0x1;
	[dreg:$0x2] =	wrdreg s3  }
0x21: {  	[dreg:$0x3] =	wrdreg s5  }
0x22: {  	[dreg:$0x4] =	wrdreg $0xC0  }
0x23: {  	_ =	task [dreg:s7], $0x5FFFF  }
0x24: {  	[dreg:$0x1] =	wrdreg $0xFFFFFFFF  }
0x25: {  	[dreg:$0x0] =	wrdreg $0x60  }
0x26: {  	[dreg:$0x2] =	wrdreg s25  }
0x27: {  	[dreg:$0x3] =	wrdreg s2  }
0x28: {  	[dreg:$0x4] =	wrdreg $0x9  }
0x29: {  	_ =	task.clear_ibuf [dreg:s7], $0x5FFFF;
	_ =	strace $0x9000004C  }
0x2a: {  	s29 =	simm.s32 $0x9;
	_ =	strace $0x8000004E  }
0x2b: {  	_ =	swait.ge [sflag:s29], $0x1  }
0x2c: {  	[sflag:s29] =	ssyncadd.s32 $0xFFFFFFFF  }
0x2d: {  	_ =	strace $0x9000004E  }
0x2e: {  	_ =	sfence  }
0x2f: {  	s30 =	sld [smem:$0x0];
	_ =	sdelay $0x2  }
0x30: {  	s31 =	sshll.u32 s1, $0xD;
	s1 =	sshrl.u32 s1, $0x2  }
0x31: {  	s3 =	sand.u32 $0x4000, s31;
	s1 =	sadd.s32 s1, s30  }
0x32: {  	s0 =	sor.u32 s3, s0;
	s1 =	sshll.u32 s1, $0x11  }
0x33: {  	s0 =	sor.u32 s1, s0  }
0x34: {  	s0 =	sadd.s32 $0x8F2B, s0  }
0x35: {  	[sflag:s0] =	ssyncadd.remote.s32 $0x1  }
0x36: {  	_ =	sfence.sel $0xFFFF  }
0x37: {  	[dreg:$0x0] =	wrdreg $0xFFFFFFFF;
	(pc) =	sbr.abs _section_cstart, $3  }
0x38: {  	[dreg:$0x1] =	wrdreg $0xFFFFFFFF  }
0x39: {  	_ =	task.clear_ibuf [dreg:s7], $0x2FFFF;
	_ =	strace $0x9FFFFFFF  }
0x3a: {  	(tm) =	ssettm $0x7FFFFFFF  }
0x3b: {  	_ =	shalt  }
tec
execute0_lowered:
.L_overlay_start_1:
0x0: {  	(tag) =	ssettag $0x1  }
0x1: {  	s8 =	rddreg [dreg:$0x0]  }
0x2: {  	s2 =	rddreg [dreg:$0x1];
	s1 =	stileid.u32  }
0x3: {  	s4 =	srdreg.scid;
	s0 =	rddreg [dreg:$0x2];
	_ =	strace $0x8000004D  }
0x4: {  	s9 =	simm.s32 $0x1;
	s31 =	simm.s32 $0x2;
	s16 =	simm.s32 $0x0  }
0x5: {  	s17 =	simm.s32 $0x0;
	s11 =	simm.s32 $0x0;
	s12 =	simm.s32 $0x0  }
0x6: {  	s15 =	simm.s32 $0x0;
	s3 =	sshll.u32 s1, $0x1;
	s4 =	sshll.u32 s4, $0x7  }
0x7: {  	s4 =	sand.u32 $0x80, s4;
	s5 =	ssub.s32 $0x20, s3;
	s14 =	smov.u32 s3  }
0x8: {  	s6 =	sshrl.u32 s5, $0x5;
	s5 =	sand.u32 $0x1E, s5;
	s7 =	ssub.s32 $0x4000, s4  }
0x9: {  	p0 =	sne.s32 s5, $0x0;
	s30 =	sshrl.u32 s7, $0x7;
	s7 =	sshrl.u32 s7, $0x8  }
.Ltmp0:
0xa: {  	s9 =	simm.s32 @!p0 $0x0;
	s10 =	sand.u32 $0x1, s30;
	(pc) =	sbr.rel .LBB1_1-.Ltmp0, $4  }
0xb: {  	s5 =	simm.s32 $0x1;
	s6 =	sadd.s32 s9, s6;
	s7 =	sadd.s32 s7, s10  }
0xc: {  	s13 =	smov.u32 s4;
	[sflag:s5] =	ssyncpa.u1 $0x0;
	s6 =	smul.u32 s6, s7  }
0xd: {  	p0 =	por $0x0, $0x0;
	[sflag:s31] =	ssyncpa.u1 $0x0;
	s10 =	simm.s32 $0x80000  }
0xe: {  	s7 =	sadd.s32 $0xE00, s8;
	s8 =	sadd.s32 $0x40E00, s8;
	s9 =	sadd.s32 $0x1, s6  }
.LBB1_7:
0xf: {  	p1 =	slt.u32 s15, $0x2  }
0x10: {  	s19 =	smov.u32 s17;
	p2 =	sgt.s32 @!p1 s17, $0x1E;
	s18 =	sshra.s32 @!p1 s17, $0x1F  }
0x11: {  	p3 =	sgt.s32 @!p1 s16, $0x3F80;
	s20 =	sshra.s32 @!p1 s16, $0x1F;
	p2 =	por !p2, p1  }
0x12: {  	s17 =	sand.u32 @!p1 s18, s17;
	p3 =	por !p3, p1;
	s18 =	smov.u32 s16  }
0x13: {  	s16 =	sand.u32 @!p1 s20, s16;
	s19 =	simm.s32 @p2 $0x1E;
	s18 =	simm.s32 @p3 $0x3F80  }
0x14: {  	s20 =	smov.u32 s14;
	s17 =	ssub.s32 @!p1 s19, s17;
	s16 =	ssub.s32 @!p1 s18, s16  }
0x15: {  	s18 =	sadd.s32 @!p1 $0xFFFFFFE2, s17;
	s17 =	ssub.s32 @!p1 $0x20, s17;
	s19 =	sadd.s32 @!p1 $0xFFFFC080, s16  }
0x16: {  	p2 =	sgt.s32 @!p1 s18, $0x1;
	s17 =	smul.u32 @!p1 $0x32, s17;
	p3 =	sgt.s32 @!p1 s19, $0x7F  }
0x17: {  	s16 =	ssub.s32 @!p1 $0x4000, s16;
	p2 =	por !p2, p1;
	p3 =	por !p3, p1  }
0x18: {  	s18 =	sadd.s32 $0x100, s13;
	s17 =	simm.s32 @!p2 $0x0;
	s16 =	simm.s32 @!p3 $0x0  }
0x19: {  	p2 =	sgt.s32 s18, $0x3FFF;
	s16 =	smul.u32 @!p1 s16, s17;
	s17 =	sadd.s32 $0x20, s14  }
0x1a: {  	s20 =	smov.u32 @p2 s17  }
0x1b: {  	s18 =	smov.u32 @p2 s4;
	p2 =	sgt.s32 s20, $0x1F  }
0x1c: {  	s20 =	smov.u32 @p2 s3;
	p2 =	sne.s32 s15, s9  }
.Ltmp1:
0x1d: {  	p0 =	por !p0, !p0;
	s19 =	simm.s32 @!p1 $0x2;
	(pc) =	sbr.rel @!p2 .LBB1_8-.Ltmp1, $4  }
0x1e: {  	s17 =	smov.u32 s12;
	s12 =	smov.u32 s14;
	s16 =	sand.u32 @!p1 $0x3FFFFFFE, s16  }
0x1f: {  	_ =	swait.ge @!p1 [sflag:s19], s16;
	s21 =	ssub.s32 @!p1 $0x0, s16;
	s16 =	smov.u32 s11  }
0x20: {  	s15 =	sadd.s32 $0x1, s15;
	s11 =	smov.u32 s13;
	[sflag:s19] =	ssyncset.done @!p1 $0x0  }
0x21: {  	s13 =	smov.u32 s18;
	s14 =	smov.u32 s20;
	[sflag:s19] =	ssyncadd.s32 @!p1 s21  }
.LBB1_1:
0x22: {  	p1 =	sge.u32 s15, s6  }
0x23: {  	s18 =	sxor.u32 @!p1 $0xFFFFFFFF, s15;
	s19 =	sshll.u32 @!p1 s14, $0x12  }
0x24: {  	s20 =	sshll.u32 @!p1 s13, $0x4;
	s22 =	simm.s32 @!p1 $0x40;
	s23 =	simm.s32 @!p1 $0x80  }
0x25: {  	s18 =	sshll.u32 @!p1 s18, $0xE;
	s20 =	sand.u32 @!p1 $0x3FFF0, s20;
	s21 =	sadd.s32 @!p1 s7, s19  }
0x26: {  	s19 =	sadd.s32 @!p1 s19, s8;
	s18 =	sand.u32 @!p1 $0x4000, s18;
	s21 =	sadd.s32 @!p1 s20, s21  }
0x27: {  	[tilespmem:s18], [sflag:$0x1] =	stream.strided.gather @!p1 [hbm4b:s21+s22], $0x2000, s23, s22, $0x38;
	[tilespmem:$0x10100] =	vst v63  }
0x28: {  	s31 =	sadd.s32 $0xFFFFFFFF, s15;
	s19 =	sadd.s32 @!p1 s20, s19;
	s18 =	sor.u32 @!p1 $0x2000, s18  }
0x29: {  	[tilespmem:s18], [sflag:$0x1] =	stream.strided.gather @!p1 [hbm4b:s19+s22], $0x2000, s23, s22, $0x38;
	[tilespmem:$0x10100] =	vst v63  }
0x2a: {  	p1 =	sge.u32 s31, s6  }
.Ltmp2:
0x2b: {  	_ = 	snop;
	(pc) =	sbr.rel @p1 .LBB1_7-.Ltmp2, $1  }
0x2c: {  	_ =	sdelay $0x3  }
0x2d: {  	s18 =	simm.s32 $0x1;
	s20 =	sand.u32 $0x1, s15  }
0x2e: {  	_ =	swait.ge [sflag:s5], $0x4000;
	s18 =	simm.s32 @!p0 $0x0;
	s20 =	smul.u32 $0x10200, s20  }
0x2f: {  	p2 =	por $0x1, $0x1;
	[sflag:s5] =	ssyncset.done $0x0;
	s19 =	smul.u32 $0x10200, s18  }
0x30: {  	s21 =	sshll.u32 s18, $0x10;
	[sflag:s5] =	ssyncadd.s32 $0xFFFFC000;
	s30 =	sshrl.u32 s20, $0x2  }
0x31: {  	s31 =	sshrl.u32 s21, $0x2;
	s21 =	simm.s32 $0x0;
	s19 =	sshrl.u32 s19, $0x2  }
0x32: {  	s18 =	sor.u32 $0x8000, s30;
	s20 =	sadd.s32 $0x20, s31;
	s19 =	sor.u32 $0x8000, s19  }
.LBB1_3:
0x33: {  	s22 =	sshll.u32 s21, $0xD  }
0x34: {  	s22 =	sand.u32 $0x3FFFE000, s22  }
0x35: {  	s24 =	sadd.s32 s22, s20  }
0x36: {  	s31 =	smul.u32 $0x204, s21;
	v3 =	vld [tilespmem:s24+$0x10]  }
0x37: {  	v1 =	vld [tilespmem:s24+$0xFFFFFFF0]  }
0x38: {  	s21 =	sshra.s32 s31, $0x2;
	v0 =	vld [tilespmem:s24+$0x0]  }
0x39: {  	s21 =	sadd.s32 s21, s19;
	v2 =	vld [tilespmem:s24+$0xFFFFFFE0]  }
0x3a: {  	s22 =	sadd.s32 $0x0, s21  }
0x3b: {  	p1 =	por p2, p2;
	s23 =	simm.s32 $0x4;
	s24 =	sadd.s32 $0x40, s24;
	[tilespmem:s22+$0x3060 ss:$0x102] =	vst.msk $0xffff, v3  }
.LBB1_4:
0x3c: {  	v3 =	vld [tilespmem:s24+$0x10];
	p2 =	sne.s32 s23, $0x1FC;
	[tilespmem:s22+$0x1020 ss:$0x102] =	vst.msk $0xffff, v1;
	s25 =	smov.u32 s23;
	s23 =	sadd.s32 $0x4, s23  }
.Ltmp3:
0x3d: {  	v1 =	vld [tilespmem:s24+$0xFFFFFFF0];
	[tilespmem:s22+$0x2040 ss:$0x102] =	vst.msk $0xffff, v0;
	(pc) =	sbr.rel @p2 .LBB1_4-.Ltmp3, $4  }
0x3e: {  	v0 =	vld [tilespmem:s24+$0x0];
	[tilespmem:s22+$0x0 ss:$0x102] =	vst.msk $0xffff, v2  }
0x3f: {  	s22 =	sshra.s32 s25, $0x2;
	v2 =	vld [tilespmem:s24+$0xFFFFFFE0]  }
0x40: {  	s22 =	sadd.s32 s22, s21  }
0x41: {  	s24 =	sadd.s32 $0x40, s24;
	[tilespmem:s22+$0x3060 ss:$0x102] =	vst.msk $0xffff, v3  }
.Ltmp4:
0x42: {  	(pc) =	sbr.rel @p1 .LBB1_3-.Ltmp4, $4  }
0x43: {  	_ = 	snop  }
0x44: {  	[tilespmem:s22+$0x1020 ss:$0x102] =	vst.msk $0xffff, v1  }
0x45: {  	[tilespmem:s22+$0x2040 ss:$0x102] =	vst.msk $0xffff, v0  }
0x46: {  	s21 =	simm.s32 $0x1;
	p2 =	por $0x0, $0x0;
	[tilespmem:s22+$0x0 ss:$0x102] =	vst.msk $0xffff, v2  }
0x47: {  	s19 =	sand.u32 $0x78, s11;
	p1 =	sgt.s32 s12, $0x1E;
	s20 =	smov.u32 s12  }
0x48: {  	s21 =	sshra.s32 s12, $0x1F;
	s22 =	sshll.u32 s12, $0xE;
	s23 =	sshll.u32 s11, $0x3  }
0x49: {  	s30 =	sshra.s32 s11, $0x1F;
	s25 =	sshll.u32 s12, $0x7;
	s20 =	simm.s32 @!p1 $0x1E  }
0x4a: {  	s21 =	sand.u32 s21, s12;
	s22 =	sand.u32 $0x60000, s22;
	p1 =	sgt.s32 s11, $0x3F80  }
0x4b: {  	s25 =	sand.u32 $0x380, s25;
	s20 =	ssub.s32 s20, s21;
	s21 =	smov.u32 s11  }
0x4c: {  	s22 =	sadd.s32 s22, s23;
	s24 =	sadd.s32 $0xFFFFFFE2, s20;
	s21 =	simm.s32 @!p1 $0x3F80  }
0x4d: {  	s20 =	ssub.s32 $0x20, s20;
	p1 =	sgt.s32 s24, $0x1;
	s24 =	sand.u32 s30, s11  }
0x4e: {  	s23 =	sand.u32 $0x3C00, s23;
	s20 =	smul.u32 $0x32, s20;
	s21 =	ssub.s32 s21, s24  }
0x4f: {  	s19 =	sor.u32 s25, s19;
	s22 =	sand.u32 $0x7C000, s22;
	s24 =	sadd.s32 $0xFFFFC080, s21  }
0x50: {  	s20 =	simm.s32 @p1 $0x0;
	s21 =	ssub.s32 $0x4000, s21;
	p1 =	sgt.s32 s24, $0x7F  }
.Ltmp5:
0x51: {  	s19 =	sor.u32 s23, s19;
	s21 =	simm.s32 @p1 $0x0;
	(pc) =	sbr.rel .LBB1_7-.Ltmp5, $4  }
0x52: {  	s31 =	sand.u32 $0x7, s11;
	s19 =	sor.u32 s22, s19;
	s20 =	smul.u32 s21, s20  }
0x53: {  	s19 =	sshrl.u32 s19, $0x3;
	s21 =	sshll.u32 s31, $0x12  }
0x54: {  	s19 =	sadd.s32 s2, s19;
	s21 =	sor.u32 $0x100, s21;
	s20 =	sand.u32 $0x3FFFFFFE, s20  }
0x55: {  	[hbm4b:s19+s21] =	stream.strided.scatter [tilespmem:s18], [sflag:$0x2], s20, s10, s21, $0x20;
	[tilespmem:$0x10100] =	vst v63  }
.LBB1_8:
0x56: {  	_ =	sfence.sel $0x180000  }
0x57: {  	s2 =	simm.s32 $0x1;
	[bflag:$0x0] =	sbarrier.arrive $0xFFFF  }
0x58: {  	s31 =	simm.s32 $0x2;
	[sflag:s2] =	ssyncpa.u1 $0x1  }
0x59: {  	[sflag:s31] =	ssyncpa.u1 $0x1  }
0x5a: {  	p0 =	sne.s32 s1, $0x0;
	_ =	strace $0x9000004D  }
0x5b: {  	s0 =	sadd.s32 @!p0 $0x100000, s0;
	[bflag:$0x2] =	sbarrier.arrive $0xFFFF  }
0x5c: {  	[sflag:s0] =	ssyncadd.tile.s32 @!p0 $0x1;
	_ =	shalt  }
.Lfunc_end1:
_tile_overlayer_lowered:
.L_overlay_start_2:
0x5d: {  	(tag) =	ssettag $0x2  }
0x5e: {  	s0 =	rddreg [dreg:$0x0];
	s2 =	stileid.u32  }
0x5f: {  	s1 =	rddreg [dreg:$0x1];
	p0 =	sne.s32 s2, $0x0  }
0x60: {  	s3 =	rddreg [dreg:$0x2];
	[bflag:$0x3] =	sbarrier.arrive $0xFFFF;
	s2 =	simm.s32 @!p0 $0x1C01  }
0x61: {  	[timem:s3], [sflag:s2] =	dma.local @!p0 [hbm:s0], s1  }
0x62: {  	s0 =	simm.s32 @!p0 $0x1  }
0x63: {  	_ =	swait.ge @!p0 [sflag:s0], s1  }
0x64: {  	s1 =	ssub.s32 @!p0 $0x0, s1;
	[sflag:s0] =	ssyncset.done @!p0 $0x0  }
0x65: {  	[sflag:s0] =	ssyncadd.s32 @!p0 s1  }
0x66: {  	[bflag:$0x3] =	sbarrier.arrive $0xFFFF  }
0x67: {  	_ =	shalt  }

</sc_bundles>
